<compile_context>
chip_gen: v7x
topology: tpu7x:2x2x1
jax: 0.10.2.dev20260603
libtpu: 0.0.44.dev20260713+nightly
codegen_flags: <defaults>
</compile_context>

<pallas_src>
import functools

import jax
import jax.numpy as jnp
from jax import lax
from jax.experimental import pallas as pl
from jax.experimental.pallas import tpu as pltpu
from jax.experimental.pallas import tpu_sc as plsc

N = 10000
E = 320000
D = 128
NC = 2
NS = 16
NW = NC * NS
CH = 128
CHUNKS = 80
EPW = CHUNKS * CH
EPAD = EPW * NW
NACC = 10112
RPT = NACC // NS
NDEG = 10240
DPT = NDEG // NS

_sc_mesh = plsc.VectorSubcoreMesh(core_axis_name="c", subcore_axis_name="s")



@functools.partial(
    pl.kernel,
    out_type=jax.ShapeDtypeStruct((NC, NDEG), jnp.float32),
    mesh=_sc_mesh,
    scratch_types=[
        pltpu.VMEM((CHUNKS, CH), jnp.int32),
        pltpu.VMEM((CH,), jnp.float32),
        pltpu.VMEM((DPT,), jnp.float32),
        pltpu.VMEM_SHARED((NDEG,), jnp.float32),
    ],
)
def _sc_degree(dst_hbm, out_hbm, dstv, onesv, zv, acc):
    cid = lax.axis_index("c")
    sid = lax.axis_index("s")
    wid = cid * NS + sid
    for i in range(CH // 16):
        onesv[pl.ds(i * 16, 16)] = jnp.ones((16,), jnp.float32)
    for i in range(DPT // 16):
        zv[pl.ds(i * 16, 16)] = jnp.zeros((16,), jnp.float32)
    pltpu.sync_copy(zv, acc.at[pl.ds(sid * DPT, DPT)])
    pltpu.sync_copy(dst_hbm.at[wid], dstv)
    plsc.subcore_barrier()

    @pl.loop(0, CHUNKS)
    def _chunk(j):
        pltpu.sync_copy(onesv, acc.at[dstv.at[j]], add=True)

    plsc.subcore_barrier()
    pltpu.sync_copy(acc.at[pl.ds(sid * DPT, DPT)], out_hbm.at[cid, pl.ds(sid * DPT, DPT)])


@functools.partial(
    pl.kernel,
    out_type=jax.ShapeDtypeStruct((NC, NACC, D), jnp.float32),
    mesh=_sc_mesh,
    scratch_types=[
        pltpu.VMEM((CHUNKS // 2, CH), jnp.int32),
        pltpu.VMEM((CHUNKS // 2, CH), jnp.int32),
        pltpu.VMEM((2, CH, D), jnp.float32),
        pltpu.VMEM_SHARED((NACC, D), jnp.float32),
        pltpu.SemaphoreType.DMA,
        pltpu.SemaphoreType.DMA,
    ],
)
def _sc_scatter(hp_hbm, src_hbm, dst_hbm, zeros_hbm, out_hbm,
                srcv, dstv, rows, acc, sem0, sem1):
    cid = lax.axis_index("c")
    sid = lax.axis_index("s")
    wid = cid * NS + sid
    sems = (sem0, sem1)
    pltpu.sync_copy(zeros_hbm.at[pl.ds(sid * RPT, RPT)], acc.at[pl.ds(sid * RPT, RPT)])
    plsc.subcore_barrier()

    half = CHUNKS // 2
    for h in range(2):
        pltpu.sync_copy(src_hbm.at[wid, pl.ds(h * half, half)], srcv)
        pltpu.sync_copy(dst_hbm.at[wid, pl.ds(h * half, half)], dstv)
        for b in range(2):
            pltpu.async_copy(hp_hbm.at[srcv.at[b]], rows.at[b], sems[b])

        @pl.loop(0, half - 2, step=2)
        def _chunk(j):
            for b in range(2):
                pltpu.make_async_copy(hp_hbm.at[srcv.at[j + b]], rows.at[b], sems[b]).wait()
                pltpu.sync_copy(rows.at[b], acc.at[dstv.at[j + b]], add=True)
                pltpu.async_copy(hp_hbm.at[srcv.at[j + b + 2]], rows.at[b], sems[b])

        for b in range(2):
            pltpu.make_async_copy(hp_hbm.at[srcv.at[half - 2 + b]], rows.at[b], sems[b]).wait()
            pltpu.sync_copy(rows.at[b], acc.at[dstv.at[half - 2 + b]], add=True)

    plsc.subcore_barrier()
    pltpu.sync_copy(acc.at[pl.ds(sid * RPT, RPT)], out_hbm.at[cid, pl.ds(sid * RPT, RPT)])



def _dinv_body(deg_ref, out_ref):
    out_ref[...] = lax.rsqrt(deg_ref[0] + deg_ref[1] + 1.0)


def _mm_scale_body(x_ref, w_ref, dinv_ref, out_ref):
    h = jnp.dot(x_ref[...], w_ref[...], preferred_element_type=jnp.float32)
    out_ref[...] = h * dinv_ref[...]


def _mid_body(s_ref, hp_ref, dinv_ref, b_ref, w_ref, out_ref):
    h1 = (s_ref[0] + s_ref[1] + hp_ref[...]) * dinv_ref[...] + b_ref[...]
    h1 = jnp.maximum(h1, 0.0)
    out_ref[...] = jnp.dot(h1, w_ref[...], preferred_element_type=jnp.float32) * dinv_ref[...]


def _final_body(s_ref, hp_ref, dinv_ref, b_ref, out_ref):
    out_ref[...] = (s_ref[0] + s_ref[1] + hp_ref[...]) * dinv_ref[...] + b_ref[...]


_RB = 400

_row_spec = pl.BlockSpec((_RB, D), lambda i: (i, 0))
_dinv_spec = pl.BlockSpec((_RB, 1), lambda i: (i, 0))
_s_spec = pl.BlockSpec((NC, _RB, D), lambda i: (0, i, 0))
_w_spec = pl.BlockSpec((D, D), lambda i: (0, 0))
_b_spec = pl.BlockSpec((1, D), lambda i: (0, 0))
_out_struct = jax.ShapeDtypeStruct((N, D), jnp.float32)

_dinv_tc = pl.pallas_call(
    _dinv_body,
    out_shape=jax.ShapeDtypeStruct((NDEG,), jnp.float32),
)

_mm_scale = pl.pallas_call(
    _mm_scale_body,
    grid=(N // _RB,),
    in_specs=[_row_spec, _w_spec, _dinv_spec],
    out_specs=_row_spec,
    out_shape=_out_struct,
)

_mid = pl.pallas_call(
    _mid_body,
    grid=(N // _RB,),
    in_specs=[_s_spec, _row_spec, _dinv_spec, _b_spec, _w_spec],
    out_specs=_row_spec,
    out_shape=_out_struct,
)

_final = pl.pallas_call(
    _final_body,
    grid=(N // _RB,),
    in_specs=[_s_spec, _row_spec, _dinv_spec, _b_spec],
    out_specs=_row_spec,
    out_shape=_out_struct,
)


def kernel(x, edge_index, W1, b1, W2, b2):
    src = edge_index[0].astype(jnp.int32)
    dst = edge_index[1].astype(jnp.int32)
    src_p = jnp.concatenate([src, jnp.zeros((EPAD - E,), jnp.int32)]).reshape(NW, CHUNKS, CH)
    dst_p = jnp.concatenate([dst, jnp.full((EPAD - E,), N, jnp.int32)]).reshape(NW, CHUNKS, CH)
    zeros = jnp.zeros((NACC, D), jnp.float32)

    deg_part = _sc_degree(dst_p)
    dinv = _dinv_tc(deg_part)
    dinv2d = dinv[:N, None]
    b1r = b1.reshape(1, D)
    b2r = b2.reshape(1, D)

    hp1 = _mm_scale(x, W1, dinv2d)
    s1 = _sc_scatter(hp1, src_p, dst_p, zeros)
    hp2 = _mid(s1, hp1, dinv2d, b1r, W2)
    s2 = _sc_scatter(hp2, src_p, dst_p, zeros)
    return _final(s2, hp2, dinv2d, b2r)

# --- scband reference (transcript-rebuilt; emitter-appended) ---
"""Pipeline reference for scband-gcn-2052994367627 (READ-ONLY COPY).

The authoritative reference and input builder live on the scoring server;
editing this copy changes nothing except your own understanding.
"""

import jax, jax.numpy as jnp
import numpy as np


def gcn_conv(x, edge_index, W, b):
    n = x.shape[0]
    src = edge_index[0]
    dst = edge_index[1]
    # add self loops (PyG GCNConv default add_self_loops=True)
    loop = jnp.arange(n, dtype=edge_index.dtype)
    src = jnp.concatenate([src, loop])
    dst = jnp.concatenate([dst, loop])
    # symmetric normalization: deg computed on target nodes
    ones = jnp.ones(src.shape[0], dtype=x.dtype)
    deg = jnp.zeros(n, dtype=x.dtype).at[dst].add(ones)
    deg_inv_sqrt = jnp.where(deg > 0, deg ** -0.5, 0.0)
    norm = deg_inv_sqrt[src] * deg_inv_sqrt[dst]
    # linear transform then propagate (scatter-add of normalized messages)
    h = x @ W
    msg = h[src] * norm[:, None]
    out = jnp.zeros((n, W.shape[1]), dtype=x.dtype).at[dst].add(msg)
    return out + b


def setup_inputs(seed: int = 0) -> dict:
    key = jax.random.key(seed)
    k_x, k_ei, k_w1, k_b1, k_w2, k_b2 = jax.random.split(key, 6)
    n_nodes = 10000
    n_edges = 320000
    d = 128
    h = 128
    c = 128
    x = jax.random.normal(k_x, (n_nodes, d), dtype=jnp.float32)
    edge_index = jax.random.randint(k_ei, (2, n_edges), 0, n_nodes, dtype=jnp.int64)
    s1 = (1.0 / d) ** 0.5
    s2 = (1.0 / h) ** 0.5
    W1 = jax.random.uniform(k_w1, (d, h), dtype=jnp.float32, minval=-s1, maxval=s1)
    b1 = jax.random.uniform(k_b1, (h,), dtype=jnp.float32, minval=-s1, maxval=s1)
    W2 = jax.random.uniform(k_w2, (h, c), dtype=jnp.float32, minval=-s2, maxval=s2)
    b2 = jax.random.uniform(k_b2, (c,), dtype=jnp.float32, minval=-s2, maxval=s2)
    return {"x": x, "edge_index": edge_index, "W1": W1, "b1": b1, "W2": W2, "b2": b2}


def reference(x, edge_index, W1, b1, W2, b2):
    h = gcn_conv(x, edge_index, W1, b1)
    h = jax.nn.relu(h)
    out = gcn_conv(h, edge_index, W2, b2)
    return out

if __name__ == "__main__":
    import jax
    _d = setup_inputs()
    print(jax.jit(kernel)(*tuple(_d.values())))

</pallas_src>

<mosaic_0001>
#map = affine_map<(d0, d1) -> (0, 0)>
#map1 = affine_map<(d0, d1) -> (0, 0, 0)>
module attributes {stable_mosaic.version = 14 : i64} {
  func.func @_sc_scatter(%arg0: i32, %arg1: i32, %arg2: memref<10000x128xf32, #tpu.memory_space<hbm>>, %arg3: memref<32x80x128xi32, #tpu.memory_space<hbm>>, %arg4: memref<32x80x128xi32, #tpu.memory_space<hbm>>, %arg5: memref<10112x128xf32, #tpu.memory_space<hbm>>, %arg6: memref<2x10112x128xf32, #tpu.memory_space<hbm>>, %arg7: memref<40x128xi32, #tpu.memory_space<vmem>>, %arg8: memref<40x128xi32, #tpu.memory_space<vmem>>, %arg9: memref<2x128x128xf32, #tpu.memory_space<vmem>>, %arg10: memref<10112x128xf32, #tpu.memory_space<vmem_shared>>, %arg11: memref<!tpu.dma_semaphore, #tpu.memory_space<semaphore_mem>>, %arg12: memref<!tpu.dma_semaphore, #tpu.memory_space<semaphore_mem>>) attributes {dimension_semantics = [#tpu.dimension_semantics<core_parallel>, #tpu.dimension_semantics<subcore_parallel>], iteration_bounds = array<i64: 2, 16>, scalar_prefetch = 0 : i64, scratch_operands = 6 : i64, tpu.core_type = #tpu.core_type<sc_vector_subcore>, window_params = [{transform_indices = #map}, {transform_indices = #map1}, {transform_indices = #map1}, {transform_indices = #map}, {transform_indices = #map1}]} {
    %mul3A = arith.constant 16 : i32
    %mul3A_0 = arith.muli %arg0, %mul3A : i32
    %add3A = arith.addi %mul3A_0, %arg1 : i32
    %mul3A_1 = arith.constant 632 : i32
    %mul3A_2 = arith.muli %arg1, %mul3A_1 : i32
    %mul3A_3 = arith.constant 632 : i32
    %mul3A_4 = arith.muli %arg1, %mul3A_3 : i32
    "tpu.region"() ({
      %run_scoped3A_120 = tpu.sem_alloc : memref<!tpu.dma_semaphore, #tpu.memory_space<semaphore_mem>>
      %dma_start3A_121 = arith.constant 0 : i32
      %dma_start3A_122 = tpu.memref_slice %arg10[%mul3A_4, %dma_start3A_121] : memref<10112x128xf32, #tpu.memory_space<vmem_shared>> -> memref<632x128xf32, #tpu.memory_space<vmem_shared>>
      %dma_start3A_123 = arith.constant 0 : i32
      %dma_start3A_124 = tpu.memref_slice %arg5[%mul3A_2, %dma_start3A_123] : memref<10112x128xf32, #tpu.memory_space<hbm>> -> memref<632x128xf32, #tpu.memory_space<hbm>>
      tpu.enqueue_dma source(%dma_start3A_124 : memref<632x128xf32, #tpu.memory_space<hbm>>) target(%dma_start3A_122 : memref<632x128xf32, #tpu.memory_space<vmem_shared>>) target_semaphore(%run_scoped3A_120 : memref<!tpu.dma_semaphore, #tpu.memory_space<semaphore_mem>>)
      %dma_wait3A_125 = arith.constant 0 : i32
      %dma_wait3A_126 = tpu.memref_slice %arg10[%mul3A_4, %dma_wait3A_125] : memref<10112x128xf32, #tpu.memory_space<vmem_shared>> -> memref<632x128xf32, #tpu.memory_space<vmem_shared>>
      %dma_wait3A_127 = arith.constant 0 : i32
      %dma_wait3A_128 = tpu.memref_slice %arg5[%mul3A_2, %dma_wait3A_127] : memref<10112x128xf32, #tpu.memory_space<hbm>> -> memref<632x128xf32, #tpu.memory_space<hbm>>
      tpu.wait_dma2 semaphore(%run_scoped3A_120 : memref<!tpu.dma_semaphore, #tpu.memory_space<semaphore_mem>>) src(%dma_wait3A_128 : memref<632x128xf32, #tpu.memory_space<hbm>>) dst(%dma_wait3A_126 : memref<632x128xf32, #tpu.memory_space<vmem_shared>>)
      tpu.yield
    }) : () -> ()
    %barrier3A = arith.constant 0 : index
    tpu.barrier barrier_id(%barrier3A)
    "tpu.region"() ({
      %run_scoped3A_120 = tpu.sem_alloc : memref<!tpu.dma_semaphore, #tpu.memory_space<semaphore_mem>>
      %dma_start3A_121 = arith.constant 0 : i32
      %dma_start3A_122 = arith.constant 0 : i32
      %dma_start3A_123 = tpu.memref_slice %arg3[%add3A, %dma_start3A_121, %dma_start3A_122] : memref<32x80x128xi32, #tpu.memory_space<hbm>> -> memref<1x40x128xi32, #tpu.memory_space<hbm>>
      %dma_start3A_124 = tpu.memref_squeeze %dma_start3A_123 : memref<1x40x128xi32, #tpu.memory_space<hbm>> -> memref<40x128xi32, #tpu.memory_space<hbm>>
      %dma_start3A_125 = arith.constant 0 : i32
      %dma_start3A_126 = arith.constant 0 : i32
      %dma_start3A_127 = tpu.memref_slice %arg3[%add3A, %dma_start3A_125, %dma_start3A_126] : memref<32x80x128xi32, #tpu.memory_space<hbm>> -> memref<1x40x128xi32, #tpu.memory_space<hbm>>
      %dma_start3A_128 = tpu.memref_squeeze %dma_start3A_127 : memref<1x40x128xi32, #tpu.memory_space<hbm>> -> memref<40x128xi32, #tpu.memory_space<hbm>>
      tpu.enqueue_dma source(%dma_start3A_128 : memref<40x128xi32, #tpu.memory_space<hbm>>) target(%arg7 : memref<40x128xi32, #tpu.memory_space<vmem>>) target_semaphore(%run_scoped3A_120 : memref<!tpu.dma_semaphore, #tpu.memory_space<semaphore_mem>>)
      %dma_wait3A_129 = arith.constant 0 : i32
      %dma_wait3A_130 = arith.constant 0 : i32
      %dma_wait3A_131 = tpu.memref_slice %arg3[%add3A, %dma_wait3A_129, %dma_wait3A_130] : memref<32x80x128xi32, #tpu.memory_space<hbm>> -> memref<1x40x128xi32, #tpu.memory_space<hbm>>
      %dma_wait3A_132 = tpu.memref_squeeze %dma_wait3A_131 : memref<1x40x128xi32, #tpu.memory_space<hbm>> -> memref<40x128xi32, #tpu.memory_space<hbm>>
      %dma_wait3A_133 = arith.constant 0 : i32
      %dma_wait3A_134 = arith.constant 0 : i32
      %dma_wait3A_135 = tpu.memref_slice %arg3[%add3A, %dma_wait3A_133, %dma_wait3A_134] : memref<32x80x128xi32, #tpu.memory_space<hbm>> -> memref<1x40x128xi32, #tpu.memory_space<hbm>>
      %dma_wait3A_136 = tpu.memref_squeeze %dma_wait3A_135 : memref<1x40x128xi32, #tpu.memory_space<hbm>> -> memref<40x128xi32, #tpu.memory_space<hbm>>
      tpu.wait_dma2 semaphore(%run_scoped3A_120 : memref<!tpu.dma_semaphore, #tpu.memory_space<semaphore_mem>>) src(%dma_wait3A_136 : memref<40x128xi32, #tpu.memory_space<hbm>>) dst(%arg7 : memref<40x128xi32, #tpu.memory_space<vmem>>)
      tpu.yield
    }) : () -> ()
    "tpu.region"() ({
      %run_scoped3A_120 = tpu.sem_alloc : memref<!tpu.dma_semaphore, #tpu.memory_space<semaphore_mem>>
      %dma_start3A_121 = arith.constant 0 : i32
      %dma_start3A_122 = arith.constant 0 : i32
      %dma_start3A_123 = tpu.memref_slice %arg4[%add3A, %dma_start3A_121, %dma_start3A_122] : memref<32x80x128xi32, #tpu.memory_space<hbm>> -> memref<1x40x128xi32, #tpu.memory_space<hbm>>
      %dma_start3A_124 = tpu.memref_squeeze %dma_start3A_123 : memref<1x40x128xi32, #tpu.memory_space<hbm>> -> memref<40x128xi32, #tpu.memory_space<hbm>>
      %dma_start3A_125 = arith.constant 0 : i32
      %dma_start3A_126 = arith.constant 0 : i32
      %dma_start3A_127 = tpu.memref_slice %arg4[%add3A, %dma_start3A_125, %dma_start3A_126] : memref<32x80x128xi32, #tpu.memory_space<hbm>> -> memref<1x40x128xi32, #tpu.memory_space<hbm>>
      %dma_start3A_128 = tpu.memref_squeeze %dma_start3A_127 : memref<1x40x128xi32, #tpu.memory_space<hbm>> -> memref<40x128xi32, #tpu.memory_space<hbm>>
      tpu.enqueue_dma source(%dma_start3A_128 : memref<40x128xi32, #tpu.memory_space<hbm>>) target(%arg8 : memref<40x128xi32, #tpu.memory_space<vmem>>) target_semaphore(%run_scoped3A_120 : memref<!tpu.dma_semaphore, #tpu.memory_space<semaphore_mem>>)
      %dma_wait3A_129 = arith.constant 0 : i32
      %dma_wait3A_130 = arith.constant 0 : i32
      %dma_wait3A_131 = tpu.memref_slice %arg4[%add3A, %dma_wait3A_129, %dma_wait3A_130] : memref<32x80x128xi32, #tpu.memory_space<hbm>> -> memref<1x40x128xi32, #tpu.memory_space<hbm>>
      %dma_wait3A_132 = tpu.memref_squeeze %dma_wait3A_131 : memref<1x40x128xi32, #tpu.memory_space<hbm>> -> memref<40x128xi32, #tpu.memory_space<hbm>>
      %dma_wait3A_133 = arith.constant 0 : i32
      %dma_wait3A_134 = arith.constant 0 : i32
      %dma_wait3A_135 = tpu.memref_slice %arg4[%add3A, %dma_wait3A_133, %dma_wait3A_134] : memref<32x80x128xi32, #tpu.memory_space<hbm>> -> memref<1x40x128xi32, #tpu.memory_space<hbm>>
      %dma_wait3A_136 = tpu.memref_squeeze %dma_wait3A_135 : memref<1x40x128xi32, #tpu.memory_space<hbm>> -> memref<40x128xi32, #tpu.memory_space<hbm>>
      tpu.wait_dma2 semaphore(%run_scoped3A_120 : memref<!tpu.dma_semaphore, #tpu.memory_space<semaphore_mem>>) src(%dma_wait3A_136 : memref<40x128xi32, #tpu.memory_space<hbm>>) dst(%arg8 : memref<40x128xi32, #tpu.memory_space<vmem>>)
      tpu.yield
    }) : () -> ()
    %dma_start3A = arith.constant 0 : i32
    %dma_start3A_5 = arith.constant 0 : i32
    %dma_start3A_6 = arith.constant 0 : i32
    %dma_start3A_7 = arith.constant 0 : i32
    %dma_start3A_8 = tpu.memref_slice %arg9[%dma_start3A_5, %dma_start3A_6, %dma_start3A_7] : memref<2x128x128xf32, #tpu.memory_space<vmem>> -> memref<1x128x128xf32, #tpu.memory_space<vmem>>
    %dma_start3A_9 = tpu.memref_squeeze %dma_start3A_8 : memref<1x128x128xf32, #tpu.memory_space<vmem>> -> memref<128x128xf32, #tpu.memory_space<vmem>>
    %dma_start3A_10 = arith.constant 0 : i32
    %dma_start3A_11 = tpu.memref_slice %arg7[%dma_start3A, %dma_start3A_10] : memref<40x128xi32, #tpu.memory_space<vmem>> -> memref<1x128xi32, #tpu.memory_space<vmem>>
    %dma_start3A_12 = tpu.memref_squeeze %dma_start3A_11 : memref<1x128xi32, #tpu.memory_space<vmem>> -> memref<128xi32, #tpu.memory_space<vmem>>
    %dma_start3A_13 = arith.constant 0 : i32
    %dma_start3A_14 = arith.constant 0 : i32
    %dma_start3A_15 = tpu.memref_slice %arg2[%dma_start3A_13, %dma_start3A_14] : memref<10000x128xf32, #tpu.memory_space<hbm>> -> memref<10000x128xf32, #tpu.memory_space<hbm>>
    tpu.enqueue_indirect_dma source(%dma_start3A_15 : memref<10000x128xf32, #tpu.memory_space<hbm>>) target(%dma_start3A_9 : memref<128x128xf32, #tpu.memory_space<vmem>>) offsets(%dma_start3A_12 : memref<128xi32, #tpu.memory_space<vmem>>) semaphore(%arg11 : memref<!tpu.dma_semaphore, #tpu.memory_space<semaphore_mem>>)
    %dma_start3A_16 = arith.constant 1 : i32
    %dma_start3A_17 = arith.constant 1 : i32
    %dma_start3A_18 = arith.constant 0 : i32
    %dma_start3A_19 = arith.constant 0 : i32
    %dma_start3A_20 = tpu.memref_slice %arg9[%dma_start3A_17, %dma_start3A_18, %dma_start3A_19] : memref<2x128x128xf32, #tpu.memory_space<vmem>> -> memref<1x128x128xf32, #tpu.memory_space<vmem>>
    %dma_start3A_21 = tpu.memref_squeeze %dma_start3A_20 : memref<1x128x128xf32, #tpu.memory_space<vmem>> -> memref<128x128xf32, #tpu.memory_space<vmem>>
    %dma_start3A_22 = arith.constant 0 : i32
    %dma_start3A_23 = tpu.memref_slice %arg7[%dma_start3A_16, %dma_start3A_22] : memref<40x128xi32, #tpu.memory_space<vmem>> -> memref<1x128xi32, #tpu.memory_space<vmem>>
    %dma_start3A_24 = tpu.memref_squeeze %dma_start3A_23 : memref<1x128xi32, #tpu.memory_space<vmem>> -> memref<128xi32, #tpu.memory_space<vmem>>
    %dma_start3A_25 = arith.constant 0 : i32
    %dma_start3A_26 = arith.constant 0 : i32
    %dma_start3A_27 = tpu.memref_slice %arg2[%dma_start3A_25, %dma_start3A_26] : memref<10000x128xf32, #tpu.memory_space<hbm>> -> memref<10000x128xf32, #tpu.memory_space<hbm>>
    tpu.enqueue_indirect_dma source(%dma_start3A_27 : memref<10000x128xf32, #tpu.memory_space<hbm>>) target(%dma_start3A_21 : memref<128x128xf32, #tpu.memory_space<vmem>>) offsets(%dma_start3A_24 : memref<128xi32, #tpu.memory_space<vmem>>) semaphore(%arg12 : memref<!tpu.dma_semaphore, #tpu.memory_space<semaphore_mem>>)
    %scan3A = arith.constant 0 : i32
    %scan3A_28 = arith.constant 19 : i32
    %scan3A_29 = arith.addi %scan3A, %scan3A_28 : i32
    %scan3A_30 = arith.constant 1 : i32
    scf.for %scan3A_120 = %scan3A to %scan3A_29 step %scan3A_30  : i32 {
      %mul3A_121 = arith.constant 2 : i32
      %mul3A_122 = arith.muli %scan3A_120, %mul3A_121 : i32
      %add3A_123 = arith.constant 0 : i32
      %add3A_124 = arith.addi %add3A_123, %mul3A_122 : i32
      %add3A_125 = arith.constant 0 : i32
      %add3A_126 = arith.addi %add3A_124, %add3A_125 : i32
      %dma_wait3A_127 = arith.constant 0 : i32
      %dma_wait3A_128 = arith.constant 0 : i32
      %dma_wait3A_129 = arith.constant 0 : i32
      %dma_wait3A_130 = tpu.memref_slice %arg9[%dma_wait3A_127, %dma_wait3A_128, %dma_wait3A_129] : memref<2x128x128xf32, #tpu.memory_space<vmem>> -> memref<1x128x128xf32, #tpu.memory_space<vmem>>
      %dma_wait3A_131 = tpu.memref_squeeze %dma_wait3A_130 : memref<1x128x128xf32, #tpu.memory_space<vmem>> -> memref<128x128xf32, #tpu.memory_space<vmem>>
      %dma_wait3A_132 = arith.constant 0 : i32
      %dma_wait3A_133 = tpu.memref_slice %arg7[%add3A_126, %dma_wait3A_132] : memref<40x128xi32, #tpu.memory_space<vmem>> -> memref<1x128xi32, #tpu.memory_space<vmem>>
      %dma_wait3A_134 = tpu.memref_squeeze %dma_wait3A_133 : memref<1x128xi32, #tpu.memory_space<vmem>> -> memref<128xi32, #tpu.memory_space<vmem>>
      %dma_wait3A_135 = arith.constant 0 : i32
      %dma_wait3A_136 = arith.constant 0 : i32
      %dma_wait3A_137 = tpu.memref_slice %arg2[%dma_wait3A_135, %dma_wait3A_136] : memref<10000x128xf32, #tpu.memory_space<hbm>> -> memref<10000x128xf32, #tpu.memory_space<hbm>>
      tpu.wait_indirect_dma semaphore(%arg11 : memref<!tpu.dma_semaphore, #tpu.memory_space<semaphore_mem>>) src(%dma_wait3A_137 : memref<10000x128xf32, #tpu.memory_space<hbm>>) dst(%dma_wait3A_131 : memref<128x128xf32, #tpu.memory_space<vmem>>)
      %add3A_138 = arith.constant 0 : i32
      %add3A_139 = arith.addi %add3A_124, %add3A_138 : i32
      %run_scoped3A_140 = arith.constant 0 : i32
      "tpu.region"() ({
        %run_scoped3A_187 = tpu.sem_alloc : memref<!tpu.dma_semaphore, #tpu.memory_space<semaphore_mem>>
        %dma_start3A_188 = arith.constant 0 : i32
        %dma_start3A_189 = arith.constant 0 : i32
        %dma_start3A_190 = tpu.memref_slice %arg9[%run_scoped3A_140, %dma_start3A_188, %dma_start3A_189] : memref<2x128x128xf32, #tpu.memory_space<vmem>> -> memref<1x128x128xf32, #tpu.memory_space<vmem>>
        %dma_start3A_191 = tpu.memref_squeeze %dma_start3A_190 : memref<1x128x128xf32, #tpu.memory_space<vmem>> -> memref<128x128xf32, #tpu.memory_space<vmem>>
        %dma_start3A_192 = arith.constant 0 : i32
        %dma_start3A_193 = tpu.memref_slice %arg8[%add3A_139, %dma_start3A_192] : memref<40x128xi32, #tpu.memory_space<vmem>> -> memref<1x128xi32, #tpu.memory_space<vmem>>
        %dma_start3A_194 = tpu.memref_squeeze %dma_start3A_193 : memref<1x128xi32, #tpu.memory_space<vmem>> -> memref<128xi32, #tpu.memory_space<vmem>>
        %dma_start3A_195 = arith.constant 0 : i32
        %dma_start3A_196 = arith.constant 0 : i32
        %dma_start3A_197 = tpu.memref_slice %arg10[%dma_start3A_195, %dma_start3A_196] : memref<10112x128xf32, #tpu.memory_space<vmem_shared>> -> memref<10112x128xf32, #tpu.memory_space<vmem_shared>>
        tpu.enqueue_indirect_dma source(%dma_start3A_191 : memref<128x128xf32, #tpu.memory_space<vmem>>) target(%dma_start3A_197 : memref<10112x128xf32, #tpu.memory_space<vmem_shared>>) offsets(%dma_start3A_194 : memref<128xi32, #tpu.memory_space<vmem>>) semaphore(%run_scoped3A_187 : memref<!tpu.dma_semaphore, #tpu.memory_space<semaphore_mem>>) {add = true}
        %dma_wait3A_198 = arith.constant 0 : i32
        %dma_wait3A_199 = arith.constant 0 : i32
        %dma_wait3A_200 = tpu.memref_slice %arg9[%run_scoped3A_140, %dma_wait3A_198, %dma_wait3A_199] : memref<2x128x128xf32, #tpu.memory_space<vmem>> -> memref<1x128x128xf32, #tpu.memory_space<vmem>>
        %dma_wait3A_201 = tpu.memref_squeeze %dma_wait3A_200 : memref<1x128x128xf32, #tpu.memory_space<vmem>> -> memref<128x128xf32, #tpu.memory_space<vmem>>
        %dma_wait3A_202 = arith.constant 0 : i32
        %dma_wait3A_203 = tpu.memref_slice %arg8[%add3A_139, %dma_wait3A_202] : memref<40x128xi32, #tpu.memory_space<vmem>> -> memref<1x128xi32, #tpu.memory_space<vmem>>
        %dma_wait3A_204 = tpu.memref_squeeze %dma_wait3A_203 : memref<1x128xi32, #tpu.memory_space<vmem>> -> memref<128xi32, #tpu.memory_space<vmem>>
        %dma_wait3A_205 = arith.constant 0 : i32
        %dma_wait3A_206 = arith.constant 0 : i32
        %dma_wait3A_207 = tpu.memref_slice %arg10[%dma_wait3A_205, %dma_wait3A_206] : memref<10112x128xf32, #tpu.memory_space<vmem_shared>> -> memref<10112x128xf32, #tpu.memory_space<vmem_shared>>
        tpu.wait_indirect_dma semaphore(%run_scoped3A_187 : memref<!tpu.dma_semaphore, #tpu.memory_space<semaphore_mem>>) src(%dma_wait3A_201 : memref<128x128xf32, #tpu.memory_space<vmem>>) dst(%dma_wait3A_207 : memref<10112x128xf32, #tpu.memory_space<vmem_shared>>)
        tpu.yield
      }) : () -> ()
      %add3A_141 = arith.constant 0 : i32
      %add3A_142 = arith.addi %add3A_124, %add3A_141 : i32
      %add3A_143 = arith.constant 2 : i32
      %add3A_144 = arith.addi %add3A_142, %add3A_143 : i32
      %dma_start3A_145 = arith.constant 0 : i32
      %dma_start3A_146 = arith.constant 0 : i32
      %dma_start3A_147 = arith.constant 0 : i32
      %dma_start3A_148 = tpu.memref_slice %arg9[%dma_start3A_145, %dma_start3A_146, %dma_start3A_147] : memref<2x128x128xf32, #tpu.memory_space<vmem>> -> memref<1x128x128xf32, #tpu.memory_space<vmem>>
      %dma_start3A_149 = tpu.memref_squeeze %dma_start3A_148 : memref<1x128x128xf32, #tpu.memory_space<vmem>> -> memref<128x128xf32, #tpu.memory_space<vmem>>
      %dma_start3A_150 = arith.constant 0 : i32
      %dma_start3A_151 = tpu.memref_slice %arg7[%add3A_144, %dma_start3A_150] : memref<40x128xi32, #tpu.memory_space<vmem>> -> memref<1x128xi32, #tpu.memory_space<vmem>>
      %dma_start3A_152 = tpu.memref_squeeze %dma_start3A_151 : memref<1x128xi32, #tpu.memory_space<vmem>> -> memref<128xi32, #tpu.memory_space<vmem>>
      %dma_start3A_153 = arith.constant 0 : i32
      %dma_start3A_154 = arith.constant 0 : i32
      %dma_start3A_155 = tpu.memref_slice %arg2[%dma_start3A_153, %dma_start3A_154] : memref<10000x128xf32, #tpu.memory_space<hbm>> -> memref<10000x128xf32, #tpu.memory_space<hbm>>
      tpu.enqueue_indirect_dma source(%dma_start3A_155 : memref<10000x128xf32, #tpu.memory_space<hbm>>) target(%dma_start3A_149 : memref<128x128xf32, #tpu.memory_space<vmem>>) offsets(%dma_start3A_152 : memref<128xi32, #tpu.memory_space<vmem>>) semaphore(%arg11 : memref<!tpu.dma_semaphore, #tpu.memory_space<semaphore_mem>>)
      %add3A_156 = arith.constant 1 : i32
      %add3A_157 = arith.addi %add3A_124, %add3A_156 : i32
      %dma_wait3A_158 = arith.constant 1 : i32
      %dma_wait3A_159 = arith.constant 0 : i32
      %dma_wait3A_160 = arith.constant 0 : i32
      %dma_wait3A_161 = tpu.memref_slice %arg9[%dma_wait3A_158, %dma_wait3A_159, %dma_wait3A_160] : memref<2x128x128xf32, #tpu.memory_space<vmem>> -> memref<1x128x128xf32, #tpu.memory_space<vmem>>
      %dma_wait3A_162 = tpu.memref_squeeze %dma_wait3A_161 : memref<1x128x128xf32, #tpu.memory_space<vmem>> -> memref<128x128xf32, #tpu.memory_space<vmem>>
      %dma_wait3A_163 = arith.constant 0 : i32
      %dma_wait3A_164 = tpu.memref_slice %arg7[%add3A_157, %dma_wait3A_163] : memref<40x128xi32, #tpu.memory_space<vmem>> -> memref<1x128xi32, #tpu.memory_space<vmem>>
      %dma_wait3A_165 = tpu.memref_squeeze %dma_wait3A_164 : memref<1x128xi32, #tpu.memory_space<vmem>> -> memref<128xi32, #tpu.memory_space<vmem>>
      %dma_wait3A_166 = arith.constant 0 : i32
      %dma_wait3A_167 = arith.constant 0 : i32
      %dma_wait3A_168 = tpu.memref_slice %arg2[%dma_wait3A_166, %dma_wait3A_167] : memref<10000x128xf32, #tpu.memory_space<hbm>> -> memref<10000x128xf32, #tpu.memory_space<hbm>>
      tpu.wait_indirect_dma semaphore(%arg12 : memref<!tpu.dma_semaphore, #tpu.memory_space<semaphore_mem>>) src(%dma_wait3A_168 : memref<10000x128xf32, #tpu.memory_space<hbm>>) dst(%dma_wait3A_162 : memref<128x128xf32, #tpu.memory_space<vmem>>)
      %add3A_169 = arith.constant 1 : i32
      %add3A_170 = arith.addi %add3A_124, %add3A_169 : i32
      %run_scoped3A_171 = arith.constant 1 : i32
      "tpu.region"() ({
        %run_scoped3A_187 = tpu.sem_alloc : memref<!tpu.dma_semaphore, #tpu.memory_space<semaphore_mem>>
        %dma_start3A_188 = arith.constant 0 : i32
        %dma_start3A_189 = arith.constant 0 : i32
        %dma_start3A_190 = tpu.memref_slice %arg9[%run_scoped3A_171, %dma_start3A_188, %dma_start3A_189] : memref<2x128x128xf32, #tpu.memory_space<vmem>> -> memref<1x128x128xf32, #tpu.memory_space<vmem>>
        %dma_start3A_191 = tpu.memref_squeeze %dma_start3A_190 : memref<1x128x128xf32, #tpu.memory_space<vmem>> -> memref<128x128xf32, #tpu.memory_space<vmem>>
        %dma_start3A_192 = arith.constant 0 : i32
        %dma_start3A_193 = tpu.memref_slice %arg8[%add3A_170, %dma_start3A_192] : memref<40x128xi32, #tpu.memory_space<vmem>> -> memref<1x128xi32, #tpu.memory_space<vmem>>
        %dma_start3A_194 = tpu.memref_squeeze %dma_start3A_193 : memref<1x128xi32, #tpu.memory_space<vmem>> -> memref<128xi32, #tpu.memory_space<vmem>>
        %dma_start3A_195 = arith.constant 0 : i32
        %dma_start3A_196 = arith.constant 0 : i32
        %dma_start3A_197 = tpu.memref_slice %arg10[%dma_start3A_195, %dma_start3A_196] : memref<10112x128xf32, #tpu.memory_space<vmem_shared>> -> memref<10112x128xf32, #tpu.memory_space<vmem_shared>>
        tpu.enqueue_indirect_dma source(%dma_start3A_191 : memref<128x128xf32, #tpu.memory_space<vmem>>) target(%dma_start3A_197 : memref<10112x128xf32, #tpu.memory_space<vmem_shared>>) offsets(%dma_start3A_194 : memref<128xi32, #tpu.memory_space<vmem>>) semaphore(%run_scoped3A_187 : memref<!tpu.dma_semaphore, #tpu.memory_space<semaphore_mem>>) {add = true}
        %dma_wait3A_198 = arith.constant 0 : i32
        %dma_wait3A_199 = arith.constant 0 : i32
        %dma_wait3A_200 = tpu.memref_slice %arg9[%run_scoped3A_171, %dma_wait3A_198, %dma_wait3A_199] : memref<2x128x128xf32, #tpu.memory_space<vmem>> -> memref<1x128x128xf32, #tpu.memory_space<vmem>>
        %dma_wait3A_201 = tpu.memref_squeeze %dma_wait3A_200 : memref<1x128x128xf32, #tpu.memory_space<vmem>> -> memref<128x128xf32, #tpu.memory_space<vmem>>
        %dma_wait3A_202 = arith.constant 0 : i32
        %dma_wait3A_203 = tpu.memref_slice %arg8[%add3A_170, %dma_wait3A_202] : memref<40x128xi32, #tpu.memory_space<vmem>> -> memref<1x128xi32, #tpu.memory_space<vmem>>
        %dma_wait3A_204 = tpu.memref_squeeze %dma_wait3A_203 : memref<1x128xi32, #tpu.memory_space<vmem>> -> memref<128xi32, #tpu.memory_space<vmem>>
        %dma_wait3A_205 = arith.constant 0 : i32
        %dma_wait3A_206 = arith.constant 0 : i32
        %dma_wait3A_207 = tpu.memref_slice %arg10[%dma_wait3A_205, %dma_wait3A_206] : memref<10112x128xf32, #tpu.memory_space<vmem_shared>> -> memref<10112x128xf32, #tpu.memory_space<vmem_shared>>
        tpu.wait_indirect_dma semaphore(%run_scoped3A_187 : memref<!tpu.dma_semaphore, #tpu.memory_space<semaphore_mem>>) src(%dma_wait3A_201 : memref<128x128xf32, #tpu.memory_space<vmem>>) dst(%dma_wait3A_207 : memref<10112x128xf32, #tpu.memory_space<vmem_shared>>)
        tpu.yield
      }) : () -> ()
      %add3A_172 = arith.constant 1 : i32
      %add3A_173 = arith.addi %add3A_124, %add3A_172 : i32
      %add3A_174 = arith.constant 2 : i32
      %add3A_175 = arith.addi %add3A_173, %add3A_174 : i32
      %dma_start3A_176 = arith.constant 1 : i32
      %dma_start3A_177 = arith.constant 0 : i32
      %dma_start3A_178 = arith.constant 0 : i32
      %dma_start3A_179 = tpu.memref_slice %arg9[%dma_start3A_176, %dma_start3A_177, %dma_start3A_178] : memref<2x128x128xf32, #tpu.memory_space<vmem>> -> memref<1x128x128xf32, #tpu.memory_space<vmem>>
      %dma_start3A_180 = tpu.memref_squeeze %dma_start3A_179 : memref<1x128x128xf32, #tpu.memory_space<vmem>> -> memref<128x128xf32, #tpu.memory_space<vmem>>
      %dma_start3A_181 = arith.constant 0 : i32
      %dma_start3A_182 = tpu.memref_slice %arg7[%add3A_175, %dma_start3A_181] : memref<40x128xi32, #tpu.memory_space<vmem>> -> memref<1x128xi32, #tpu.memory_space<vmem>>
      %dma_start3A_183 = tpu.memref_squeeze %dma_start3A_182 : memref<1x128xi32, #tpu.memory_space<vmem>> -> memref<128xi32, #tpu.memory_space<vmem>>
      %dma_start3A_184 = arith.constant 0 : i32
      %dma_start3A_185 = arith.constant 0 : i32
      %dma_start3A_186 = tpu.memref_slice %arg2[%dma_start3A_184, %dma_start3A_185] : memref<10000x128xf32, #tpu.memory_space<hbm>> -> memref<10000x128xf32, #tpu.memory_space<hbm>>
      tpu.enqueue_indirect_dma source(%dma_start3A_186 : memref<10000x128xf32, #tpu.memory_space<hbm>>) target(%dma_start3A_180 : memref<128x128xf32, #tpu.memory_space<vmem>>) offsets(%dma_start3A_183 : memref<128xi32, #tpu.memory_space<vmem>>) semaphore(%arg12 : memref<!tpu.dma_semaphore, #tpu.memory_space<semaphore_mem>>)
    }
    %scan3A_31 = arith.constant 19 : i32
    %dma_wait3A = arith.constant 38 : i32
    %dma_wait3A_32 = arith.constant 0 : i32
    %dma_wait3A_33 = arith.constant 0 : i32
    %dma_wait3A_34 = arith.constant 0 : i32
    %dma_wait3A_35 = tpu.memref_slice %arg9[%dma_wait3A_32, %dma_wait3A_33, %dma_wait3A_34] : memref<2x128x128xf32, #tpu.memory_space<vmem>> -> memref<1x128x128xf32, #tpu.memory_space<vmem>>
    %dma_wait3A_36 = tpu.memref_squeeze %dma_wait3A_35 : memref<1x128x128xf32, #tpu.memory_space<vmem>> -> memref<128x128xf32, #tpu.memory_space<vmem>>
    %dma_wait3A_37 = arith.constant 0 : i32
    %dma_wait3A_38 = tpu.memref_slice %arg7[%dma_wait3A, %dma_wait3A_37] : memref<40x128xi32, #tpu.memory_space<vmem>> -> memref<1x128xi32, #tpu.memory_space<vmem>>
    %dma_wait3A_39 = tpu.memref_squeeze %dma_wait3A_38 : memref<1x128xi32, #tpu.memory_space<vmem>> -> memref<128xi32, #tpu.memory_space<vmem>>
    %dma_wait3A_40 = arith.constant 0 : i32
    %dma_wait3A_41 = arith.constant 0 : i32
    %dma_wait3A_42 = tpu.memref_slice %arg2[%dma_wait3A_40, %dma_wait3A_41] : memref<10000x128xf32, #tpu.memory_space<hbm>> -> memref<10000x128xf32, #tpu.memory_space<hbm>>
    tpu.wait_indirect_dma semaphore(%arg11 : memref<!tpu.dma_semaphore, #tpu.memory_space<semaphore_mem>>) src(%dma_wait3A_42 : memref<10000x128xf32, #tpu.memory_space<hbm>>) dst(%dma_wait3A_36 : memref<128x128xf32, #tpu.memory_space<vmem>>)
    %run_scoped3A = arith.constant 0 : i32
    %run_scoped3A_43 = arith.constant 38 : i32
    "tpu.region"() ({
      %run_scoped3A_120 = tpu.sem_alloc : memref<!tpu.dma_semaphore, #tpu.memory_space<semaphore_mem>>
      %dma_start3A_121 = arith.constant 0 : i32
      %dma_start3A_122 = arith.constant 0 : i32
      %dma_start3A_123 = tpu.memref_slice %arg9[%run_scoped3A, %dma_start3A_121, %dma_start3A_122] : memref<2x128x128xf32, #tpu.memory_space<vmem>> -> memref<1x128x128xf32, #tpu.memory_space<vmem>>
      %dma_start3A_124 = tpu.memref_squeeze %dma_start3A_123 : memref<1x128x128xf32, #tpu.memory_space<vmem>> -> memref<128x128xf32, #tpu.memory_space<vmem>>
      %dma_start3A_125 = arith.constant 0 : i32
      %dma_start3A_126 = tpu.memref_slice %arg8[%run_scoped3A_43, %dma_start3A_125] : memref<40x128xi32, #tpu.memory_space<vmem>> -> memref<1x128xi32, #tpu.memory_space<vmem>>
      %dma_start3A_127 = tpu.memref_squeeze %dma_start3A_126 : memref<1x128xi32, #tpu.memory_space<vmem>> -> memref<128xi32, #tpu.memory_space<vmem>>
      %dma_start3A_128 = arith.constant 0 : i32
      %dma_start3A_129 = arith.constant 0 : i32
      %dma_start3A_130 = tpu.memref_slice %arg10[%dma_start3A_128, %dma_start3A_129] : memref<10112x128xf32, #tpu.memory_space<vmem_shared>> -> memref<10112x128xf32, #tpu.memory_space<vmem_shared>>
      tpu.enqueue_indirect_dma source(%dma_start3A_124 : memref<128x128xf32, #tpu.memory_space<vmem>>) target(%dma_start3A_130 : memref<10112x128xf32, #tpu.memory_space<vmem_shared>>) offsets(%dma_start3A_127 : memref<128xi32, #tpu.memory_space<vmem>>) semaphore(%run_scoped3A_120 : memref<!tpu.dma_semaphore, #tpu.memory_space<semaphore_mem>>) {add = true}
      %dma_wait3A_131 = arith.constant 0 : i32
      %dma_wait3A_132 = arith.constant 0 : i32
      %dma_wait3A_133 = tpu.memref_slice %arg9[%run_scoped3A, %dma_wait3A_131, %dma_wait3A_132] : memref<2x128x128xf32, #tpu.memory_space<vmem>> -> memref<1x128x128xf32, #tpu.memory_space<vmem>>
      %dma_wait3A_134 = tpu.memref_squeeze %dma_wait3A_133 : memref<1x128x128xf32, #tpu.memory_space<vmem>> -> memref<128x128xf32, #tpu.memory_space<vmem>>
      %dma_wait3A_135 = arith.constant 0 : i32
      %dma_wait3A_136 = tpu.memref_slice %arg8[%run_scoped3A_43, %dma_wait3A_135] : memref<40x128xi32, #tpu.memory_space<vmem>> -> memref<1x128xi32, #tpu.memory_space<vmem>>
      %dma_wait3A_137 = tpu.memref_squeeze %dma_wait3A_136 : memref<1x128xi32, #tpu.memory_space<vmem>> -> memref<128xi32, #tpu.memory_space<vmem>>
      %dma_wait3A_138 = arith.constant 0 : i32
      %dma_wait3A_139 = arith.constant 0 : i32
      %dma_wait3A_140 = tpu.memref_slice %arg10[%dma_wait3A_138, %dma_wait3A_139] : memref<10112x128xf32, #tpu.memory_space<vmem_shared>> -> memref<10112x128xf32, #tpu.memory_space<vmem_shared>>
      tpu.wait_indirect_dma semaphore(%run_scoped3A_120 : memref<!tpu.dma_semaphore, #tpu.memory_space<semaphore_mem>>) src(%dma_wait3A_134 : memref<128x128xf32, #tpu.memory_space<vmem>>) dst(%dma_wait3A_140 : memref<10112x128xf32, #tpu.memory_space<vmem_shared>>)
      tpu.yield
    }) : () -> ()
    %dma_wait3A_44 = arith.constant 39 : i32
    %dma_wait3A_45 = arith.constant 1 : i32
    %dma_wait3A_46 = arith.constant 0 : i32
    %dma_wait3A_47 = arith.constant 0 : i32
    %dma_wait3A_48 = tpu.memref_slice %arg9[%dma_wait3A_45, %dma_wait3A_46, %dma_wait3A_47] : memref<2x128x128xf32, #tpu.memory_space<vmem>> -> memref<1x128x128xf32, #tpu.memory_space<vmem>>
    %dma_wait3A_49 = tpu.memref_squeeze %dma_wait3A_48 : memref<1x128x128xf32, #tpu.memory_space<vmem>> -> memref<128x128xf32, #tpu.memory_space<vmem>>
    %dma_wait3A_50 = arith.constant 0 : i32
    %dma_wait3A_51 = tpu.memref_slice %arg7[%dma_wait3A_44, %dma_wait3A_50] : memref<40x128xi32, #tpu.memory_space<vmem>> -> memref<1x128xi32, #tpu.memory_space<vmem>>
    %dma_wait3A_52 = tpu.memref_squeeze %dma_wait3A_51 : memref<1x128xi32, #tpu.memory_space<vmem>> -> memref<128xi32, #tpu.memory_space<vmem>>
    %dma_wait3A_53 = arith.constant 0 : i32
    %dma_wait3A_54 = arith.constant 0 : i32
    %dma_wait3A_55 = tpu.memref_slice %arg2[%dma_wait3A_53, %dma_wait3A_54] : memref<10000x128xf32, #tpu.memory_space<hbm>> -> memref<10000x128xf32, #tpu.memory_space<hbm>>
    tpu.wait_indirect_dma semaphore(%arg12 : memref<!tpu.dma_semaphore, #tpu.memory_space<semaphore_mem>>) src(%dma_wait3A_55 : memref<10000x128xf32, #tpu.memory_space<hbm>>) dst(%dma_wait3A_49 : memref<128x128xf32, #tpu.memory_space<vmem>>)
    %run_scoped3A_56 = arith.constant 1 : i32
    %run_scoped3A_57 = arith.constant 39 : i32
    "tpu.region"() ({
      %run_scoped3A_120 = tpu.sem_alloc : memref<!tpu.dma_semaphore, #tpu.memory_space<semaphore_mem>>
      %dma_start3A_121 = arith.constant 0 : i32
      %dma_start3A_122 = arith.constant 0 : i32
      %dma_start3A_123 = tpu.memref_slice %arg9[%run_scoped3A_56, %dma_start3A_121, %dma_start3A_122] : memref<2x128x128xf32, #tpu.memory_space<vmem>> -> memref<1x128x128xf32, #tpu.memory_space<vmem>>
      %dma_start3A_124 = tpu.memref_squeeze %dma_start3A_123 : memref<1x128x128xf32, #tpu.memory_space<vmem>> -> memref<128x128xf32, #tpu.memory_space<vmem>>
      %dma_start3A_125 = arith.constant 0 : i32
      %dma_start3A_126 = tpu.memref_slice %arg8[%run_scoped3A_57, %dma_start3A_125] : memref<40x128xi32, #tpu.memory_space<vmem>> -> memref<1x128xi32, #tpu.memory_space<vmem>>
      %dma_start3A_127 = tpu.memref_squeeze %dma_start3A_126 : memref<1x128xi32, #tpu.memory_space<vmem>> -> memref<128xi32, #tpu.memory_space<vmem>>
      %dma_start3A_128 = arith.constant 0 : i32
      %dma_start3A_129 = arith.constant 0 : i32
      %dma_start3A_130 = tpu.memref_slice %arg10[%dma_start3A_128, %dma_start3A_129] : memref<10112x128xf32, #tpu.memory_space<vmem_shared>> -> memref<10112x128xf32, #tpu.memory_space<vmem_shared>>
      tpu.enqueue_indirect_dma source(%dma_start3A_124 : memref<128x128xf32, #tpu.memory_space<vmem>>) target(%dma_start3A_130 : memref<10112x128xf32, #tpu.memory_space<vmem_shared>>) offsets(%dma_start3A_127 : memref<128xi32, #tpu.memory_space<vmem>>) semaphore(%run_scoped3A_120 : memref<!tpu.dma_semaphore, #tpu.memory_space<semaphore_mem>>) {add = true}
      %dma_wait3A_131 = arith.constant 0 : i32
      %dma_wait3A_132 = arith.constant 0 : i32
      %dma_wait3A_133 = tpu.memref_slice %arg9[%run_scoped3A_56, %dma_wait3A_131, %dma_wait3A_132] : memref<2x128x128xf32, #tpu.memory_space<vmem>> -> memref<1x128x128xf32, #tpu.memory_space<vmem>>
      %dma_wait3A_134 = tpu.memref_squeeze %dma_wait3A_133 : memref<1x128x128xf32, #tpu.memory_space<vmem>> -> memref<128x128xf32, #tpu.memory_space<vmem>>
      %dma_wait3A_135 = arith.constant 0 : i32
      %dma_wait3A_136 = tpu.memref_slice %arg8[%run_scoped3A_57, %dma_wait3A_135] : memref<40x128xi32, #tpu.memory_space<vmem>> -> memref<1x128xi32, #tpu.memory_space<vmem>>
      %dma_wait3A_137 = tpu.memref_squeeze %dma_wait3A_136 : memref<1x128xi32, #tpu.memory_space<vmem>> -> memref<128xi32, #tpu.memory_space<vmem>>
      %dma_wait3A_138 = arith.constant 0 : i32
      %dma_wait3A_139 = arith.constant 0 : i32
      %dma_wait3A_140 = tpu.memref_slice %arg10[%dma_wait3A_138, %dma_wait3A_139] : memref<10112x128xf32, #tpu.memory_space<vmem_shared>> -> memref<10112x128xf32, #tpu.memory_space<vmem_shared>>
      tpu.wait_indirect_dma semaphore(%run_scoped3A_120 : memref<!tpu.dma_semaphore, #tpu.memory_space<semaphore_mem>>) src(%dma_wait3A_134 : memref<128x128xf32, #tpu.memory_space<vmem>>) dst(%dma_wait3A_140 : memref<10112x128xf32, #tpu.memory_space<vmem_shared>>)
      tpu.yield
    }) : () -> ()
    "tpu.region"() ({
      %run_scoped3A_120 = tpu.sem_alloc : memref<!tpu.dma_semaphore, #tpu.memory_space<semaphore_mem>>
      %dma_start3A_121 = arith.constant 40 : i32
      %dma_start3A_122 = arith.constant 0 : i32
      %dma_start3A_123 = tpu.memref_slice %arg3[%add3A, %dma_start3A_121, %dma_start3A_122] : memref<32x80x128xi32, #tpu.memory_space<hbm>> -> memref<1x40x128xi32, #tpu.memory_space<hbm>>
      %dma_start3A_124 = tpu.memref_squeeze %dma_start3A_123 : memref<1x40x128xi32, #tpu.memory_space<hbm>> -> memref<40x128xi32, #tpu.memory_space<hbm>>
      %dma_start3A_125 = arith.constant 40 : i32
      %dma_start3A_126 = arith.constant 0 : i32
      %dma_start3A_127 = tpu.memref_slice %arg3[%add3A, %dma_start3A_125, %dma_start3A_126] : memref<32x80x128xi32, #tpu.memory_space<hbm>> -> memref<1x40x128xi32, #tpu.memory_space<hbm>>
      %dma_start3A_128 = tpu.memref_squeeze %dma_start3A_127 : memref<1x40x128xi32, #tpu.memory_space<hbm>> -> memref<40x128xi32, #tpu.memory_space<hbm>>
      tpu.enqueue_dma source(%dma_start3A_128 : memref<40x128xi32, #tpu.memory_space<hbm>>) target(%arg7 : memref<40x128xi32, #tpu.memory_space<vmem>>) target_semaphore(%run_scoped3A_120 : memref<!tpu.dma_semaphore, #tpu.memory_space<semaphore_mem>>)
      %dma_wait3A_129 = arith.constant 40 : i32
      %dma_wait3A_130 = arith.constant 0 : i32
      %dma_wait3A_131 = tpu.memref_slice %arg3[%add3A, %dma_wait3A_129, %dma_wait3A_130] : memref<32x80x128xi32, #tpu.memory_space<hbm>> -> memref<1x40x128xi32, #tpu.memory_space<hbm>>
      %dma_wait3A_132 = tpu.memref_squeeze %dma_wait3A_131 : memref<1x40x128xi32, #tpu.memory_space<hbm>> -> memref<40x128xi32, #tpu.memory_space<hbm>>
      %dma_wait3A_133 = arith.constant 40 : i32
      %dma_wait3A_134 = arith.constant 0 : i32
      %dma_wait3A_135 = tpu.memref_slice %arg3[%add3A, %dma_wait3A_133, %dma_wait3A_134] : memref<32x80x128xi32, #tpu.memory_space<hbm>> -> memref<1x40x128xi32, #tpu.memory_space<hbm>>
      %dma_wait3A_136 = tpu.memref_squeeze %dma_wait3A_135 : memref<1x40x128xi32, #tpu.memory_space<hbm>> -> memref<40x128xi32, #tpu.memory_space<hbm>>
      tpu.wait_dma2 semaphore(%run_scoped3A_120 : memref<!tpu.dma_semaphore, #tpu.memory_space<semaphore_mem>>) src(%dma_wait3A_136 : memref<40x128xi32, #tpu.memory_space<hbm>>) dst(%arg7 : memref<40x128xi32, #tpu.memory_space<vmem>>)
      tpu.yield
    }) : () -> ()
    "tpu.region"() ({
      %run_scoped3A_120 = tpu.sem_alloc : memref<!tpu.dma_semaphore, #tpu.memory_space<semaphore_mem>>
      %dma_start3A_121 = arith.constant 40 : i32
      %dma_start3A_122 = arith.constant 0 : i32
      %dma_start3A_123 = tpu.memref_slice %arg4[%add3A, %dma_start3A_121, %dma_start3A_122] : memref<32x80x128xi32, #tpu.memory_space<hbm>> -> memref<1x40x128xi32, #tpu.memory_space<hbm>>
      %dma_start3A_124 = tpu.memref_squeeze %dma_start3A_123 : memref<1x40x128xi32, #tpu.memory_space<hbm>> -> memref<40x128xi32, #tpu.memory_space<hbm>>
      %dma_start3A_125 = arith.constant 40 : i32
      %dma_start3A_126 = arith.constant 0 : i32
      %dma_start3A_127 = tpu.memref_slice %arg4[%add3A, %dma_start3A_125, %dma_start3A_126] : memref<32x80x128xi32, #tpu.memory_space<hbm>> -> memref<1x40x128xi32, #tpu.memory_space<hbm>>
      %dma_start3A_128 = tpu.memref_squeeze %dma_start3A_127 : memref<1x40x128xi32, #tpu.memory_space<hbm>> -> memref<40x128xi32, #tpu.memory_space<hbm>>
      tpu.enqueue_dma source(%dma_start3A_128 : memref<40x128xi32, #tpu.memory_space<hbm>>) target(%arg8 : memref<40x128xi32, #tpu.memory_space<vmem>>) target_semaphore(%run_scoped3A_120 : memref<!tpu.dma_semaphore, #tpu.memory_space<semaphore_mem>>)
      %dma_wait3A_129 = arith.constant 40 : i32
      %dma_wait3A_130 = arith.constant 0 : i32
      %dma_wait3A_131 = tpu.memref_slice %arg4[%add3A, %dma_wait3A_129, %dma_wait3A_130] : memref<32x80x128xi32, #tpu.memory_space<hbm>> -> memref<1x40x128xi32, #tpu.memory_space<hbm>>
      %dma_wait3A_132 = tpu.memref_squeeze %dma_wait3A_131 : memref<1x40x128xi32, #tpu.memory_space<hbm>> -> memref<40x128xi32, #tpu.memory_space<hbm>>
      %dma_wait3A_133 = arith.constant 40 : i32
      %dma_wait3A_134 = arith.constant 0 : i32
      %dma_wait3A_135 = tpu.memref_slice %arg4[%add3A, %dma_wait3A_133, %dma_wait3A_134] : memref<32x80x128xi32, #tpu.memory_space<hbm>> -> memref<1x40x128xi32, #tpu.memory_space<hbm>>
      %dma_wait3A_136 = tpu.memref_squeeze %dma_wait3A_135 : memref<1x40x128xi32, #tpu.memory_space<hbm>> -> memref<40x128xi32, #tpu.memory_space<hbm>>
      tpu.wait_dma2 semaphore(%run_scoped3A_120 : memref<!tpu.dma_semaphore, #tpu.memory_space<semaphore_mem>>) src(%dma_wait3A_136 : memref<40x128xi32, #tpu.memory_space<hbm>>) dst(%arg8 : memref<40x128xi32, #tpu.memory_space<vmem>>)
      tpu.yield
    }) : () -> ()
    %dma_start3A_58 = arith.constant 0 : i32
    %dma_start3A_59 = arith.constant 0 : i32
    %dma_start3A_60 = arith.constant 0 : i32
    %dma_start3A_61 = arith.constant 0 : i32
    %dma_start3A_62 = tpu.memref_slice %arg9[%dma_start3A_59, %dma_start3A_60, %dma_start3A_61] : memref<2x128x128xf32, #tpu.memory_space<vmem>> -> memref<1x128x128xf32, #tpu.memory_space<vmem>>
    %dma_start3A_63 = tpu.memref_squeeze %dma_start3A_62 : memref<1x128x128xf32, #tpu.memory_space<vmem>> -> memref<128x128xf32, #tpu.memory_space<vmem>>
    %dma_start3A_64 = arith.constant 0 : i32
    %dma_start3A_65 = tpu.memref_slice %arg7[%dma_start3A_58, %dma_start3A_64] : memref<40x128xi32, #tpu.memory_space<vmem>> -> memref<1x128xi32, #tpu.memory_space<vmem>>
    %dma_start3A_66 = tpu.memref_squeeze %dma_start3A_65 : memref<1x128xi32, #tpu.memory_space<vmem>> -> memref<128xi32, #tpu.memory_space<vmem>>
    %dma_start3A_67 = arith.constant 0 : i32
    %dma_start3A_68 = arith.constant 0 : i32
    %dma_start3A_69 = tpu.memref_slice %arg2[%dma_start3A_67, %dma_start3A_68] : memref<10000x128xf32, #tpu.memory_space<hbm>> -> memref<10000x128xf32, #tpu.memory_space<hbm>>
    tpu.enqueue_indirect_dma source(%dma_start3A_69 : memref<10000x128xf32, #tpu.memory_space<hbm>>) target(%dma_start3A_63 : memref<128x128xf32, #tpu.memory_space<vmem>>) offsets(%dma_start3A_66 : memref<128xi32, #tpu.memory_space<vmem>>) semaphore(%arg11 : memref<!tpu.dma_semaphore, #tpu.memory_space<semaphore_mem>>)
    %dma_start3A_70 = arith.constant 1 : i32
    %dma_start3A_71 = arith.constant 1 : i32
    %dma_start3A_72 = arith.constant 0 : i32
    %dma_start3A_73 = arith.constant 0 : i32
    %dma_start3A_74 = tpu.memref_slice %arg9[%dma_start3A_71, %dma_start3A_72, %dma_start3A_73] : memref<2x128x128xf32, #tpu.memory_space<vmem>> -> memref<1x128x128xf32, #tpu.memory_space<vmem>>
    %dma_start3A_75 = tpu.memref_squeeze %dma_start3A_74 : memref<1x128x128xf32, #tpu.memory_space<vmem>> -> memref<128x128xf32, #tpu.memory_space<vmem>>
    %dma_start3A_76 = arith.constant 0 : i32
    %dma_start3A_77 = tpu.memref_slice %arg7[%dma_start3A_70, %dma_start3A_76] : memref<40x128xi32, #tpu.memory_space<vmem>> -> memref<1x128xi32, #tpu.memory_space<vmem>>
    %dma_start3A_78 = tpu.memref_squeeze %dma_start3A_77 : memref<1x128xi32, #tpu.memory_space<vmem>> -> memref<128xi32, #tpu.memory_space<vmem>>
    %dma_start3A_79 = arith.constant 0 : i32
    %dma_start3A_80 = arith.constant 0 : i32
    %dma_start3A_81 = tpu.memref_slice %arg2[%dma_start3A_79, %dma_start3A_80] : memref<10000x128xf32, #tpu.memory_space<hbm>> -> memref<10000x128xf32, #tpu.memory_space<hbm>>
    tpu.enqueue_indirect_dma source(%dma_start3A_81 : memref<10000x128xf32, #tpu.memory_space<hbm>>) target(%dma_start3A_75 : memref<128x128xf32, #tpu.memory_space<vmem>>) offsets(%dma_start3A_78 : memref<128xi32, #tpu.memory_space<vmem>>) semaphore(%arg12 : memref<!tpu.dma_semaphore, #tpu.memory_space<semaphore_mem>>)
    %scan3A_82 = arith.constant 0 : i32
    %scan3A_83 = arith.constant 19 : i32
    %scan3A_84 = arith.addi %scan3A_82, %scan3A_83 : i32
    %scan3A_85 = arith.constant 1 : i32
    scf.for %scan3A_120 = %scan3A_82 to %scan3A_84 step %scan3A_85  : i32 {
      %mul3A_121 = arith.constant 2 : i32
      %mul3A_122 = arith.muli %scan3A_120, %mul3A_121 : i32
      %add3A_123 = arith.constant 0 : i32
      %add3A_124 = arith.addi %add3A_123, %mul3A_122 : i32
      %add3A_125 = arith.constant 0 : i32
      %add3A_126 = arith.addi %add3A_124, %add3A_125 : i32
      %dma_wait3A_127 = arith.constant 0 : i32
      %dma_wait3A_128 = arith.constant 0 : i32
      %dma_wait3A_129 = arith.constant 0 : i32
      %dma_wait3A_130 = tpu.memref_slice %arg9[%dma_wait3A_127, %dma_wait3A_128, %dma_wait3A_129] : memref<2x128x128xf32, #tpu.memory_space<vmem>> -> memref<1x128x128xf32, #tpu.memory_space<vmem>>
      %dma_wait3A_131 = tpu.memref_squeeze %dma_wait3A_130 : memref<1x128x128xf32, #tpu.memory_space<vmem>> -> memref<128x128xf32, #tpu.memory_space<vmem>>
      %dma_wait3A_132 = arith.constant 0 : i32
      %dma_wait3A_133 = tpu.memref_slice %arg7[%add3A_126, %dma_wait3A_132] : memref<40x128xi32, #tpu.memory_space<vmem>> -> memref<1x128xi32, #tpu.memory_space<vmem>>
      %dma_wait3A_134 = tpu.memref_squeeze %dma_wait3A_133 : memref<1x128xi32, #tpu.memory_space<vmem>> -> memref<128xi32, #tpu.memory_space<vmem>>
      %dma_wait3A_135 = arith.constant 0 : i32
      %dma_wait3A_136 = arith.constant 0 : i32
      %dma_wait3A_137 = tpu.memref_slice %arg2[%dma_wait3A_135, %dma_wait3A_136] : memref<10000x128xf32, #tpu.memory_space<hbm>> -> memref<10000x128xf32, #tpu.memory_space<hbm>>
      tpu.wait_indirect_dma semaphore(%arg11 : memref<!tpu.dma_semaphore, #tpu.memory_space<semaphore_mem>>) src(%dma_wait3A_137 : memref<10000x128xf32, #tpu.memory_space<hbm>>) dst(%dma_wait3A_131 : memref<128x128xf32, #tpu.memory_space<vmem>>)
      %add3A_138 = arith.constant 0 : i32
      %add3A_139 = arith.addi %add3A_124, %add3A_138 : i32
      %run_scoped3A_140 = arith.constant 0 : i32
      "tpu.region"() ({
        %run_scoped3A_187 = tpu.sem_alloc : memref<!tpu.dma_semaphore, #tpu.memory_space<semaphore_mem>>
        %dma_start3A_188 = arith.constant 0 : i32
        %dma_start3A_189 = arith.constant 0 : i32
        %dma_start3A_190 = tpu.memref_slice %arg9[%run_scoped3A_140, %dma_start3A_188, %dma_start3A_189] : memref<2x128x128xf32, #tpu.memory_space<vmem>> -> memref<1x128x128xf32, #tpu.memory_space<vmem>>
        %dma_start3A_191 = tpu.memref_squeeze %dma_start3A_190 : memref<1x128x128xf32, #tpu.memory_space<vmem>> -> memref<128x128xf32, #tpu.memory_space<vmem>>
        %dma_start3A_192 = arith.constant 0 : i32
        %dma_start3A_193 = tpu.memref_slice %arg8[%add3A_139, %dma_start3A_192] : memref<40x128xi32, #tpu.memory_space<vmem>> -> memref<1x128xi32, #tpu.memory_space<vmem>>
        %dma_start3A_194 = tpu.memref_squeeze %dma_start3A_193 : memref<1x128xi32, #tpu.memory_space<vmem>> -> memref<128xi32, #tpu.memory_space<vmem>>
        %dma_start3A_195 = arith.constant 0 : i32
        %dma_start3A_196 = arith.constant 0 : i32
        %dma_start3A_197 = tpu.memref_slice %arg10[%dma_start3A_195, %dma_start3A_196] : memref<10112x128xf32, #tpu.memory_space<vmem_shared>> -> memref<10112x128xf32, #tpu.memory_space<vmem_shared>>
        tpu.enqueue_indirect_dma source(%dma_start3A_191 : memref<128x128xf32, #tpu.memory_space<vmem>>) target(%dma_start3A_197 : memref<10112x128xf32, #tpu.memory_space<vmem_shared>>) offsets(%dma_start3A_194 : memref<128xi32, #tpu.memory_space<vmem>>) semaphore(%run_scoped3A_187 : memref<!tpu.dma_semaphore, #tpu.memory_space<semaphore_mem>>) {add = true}
        %dma_wait3A_198 = arith.constant 0 : i32
        %dma_wait3A_199 = arith.constant 0 : i32
        %dma_wait3A_200 = tpu.memref_slice %arg9[%run_scoped3A_140, %dma_wait3A_198, %dma_wait3A_199] : memref<2x128x128xf32, #tpu.memory_space<vmem>> -> memref<1x128x128xf32, #tpu.memory_space<vmem>>
        %dma_wait3A_201 = tpu.memref_squeeze %dma_wait3A_200 : memref<1x128x128xf32, #tpu.memory_space<vmem>> -> memref<128x128xf32, #tpu.memory_space<vmem>>
        %dma_wait3A_202 = arith.constant 0 : i32
        %dma_wait3A_203 = tpu.memref_slice %arg8[%add3A_139, %dma_wait3A_202] : memref<40x128xi32, #tpu.memory_space<vmem>> -> memref<1x128xi32, #tpu.memory_space<vmem>>
        %dma_wait3A_204 = tpu.memref_squeeze %dma_wait3A_203 : memref<1x128xi32, #tpu.memory_space<vmem>> -> memref<128xi32, #tpu.memory_space<vmem>>
        %dma_wait3A_205 = arith.constant 0 : i32
        %dma_wait3A_206 = arith.constant 0 : i32
        %dma_wait3A_207 = tpu.memref_slice %arg10[%dma_wait3A_205, %dma_wait3A_206] : memref<10112x128xf32, #tpu.memory_space<vmem_shared>> -> memref<10112x128xf32, #tpu.memory_space<vmem_shared>>
        tpu.wait_indirect_dma semaphore(%run_scoped3A_187 : memref<!tpu.dma_semaphore, #tpu.memory_space<semaphore_mem>>) src(%dma_wait3A_201 : memref<128x128xf32, #tpu.memory_space<vmem>>) dst(%dma_wait3A_207 : memref<10112x128xf32, #tpu.memory_space<vmem_shared>>)
        tpu.yield
      }) : () -> ()
      %add3A_141 = arith.constant 0 : i32
      %add3A_142 = arith.addi %add3A_124, %add3A_141 : i32
      %add3A_143 = arith.constant 2 : i32
      %add3A_144 = arith.addi %add3A_142, %add3A_143 : i32
      %dma_start3A_145 = arith.constant 0 : i32
      %dma_start3A_146 = arith.constant 0 : i32
      %dma_start3A_147 = arith.constant 0 : i32
      %dma_start3A_148 = tpu.memref_slice %arg9[%dma_start3A_145, %dma_start3A_146, %dma_start3A_147] : memref<2x128x128xf32, #tpu.memory_space<vmem>> -> memref<1x128x128xf32, #tpu.memory_space<vmem>>
      %dma_start3A_149 = tpu.memref_squeeze %dma_start3A_148 : memref<1x128x128xf32, #tpu.memory_space<vmem>> -> memref<128x128xf32, #tpu.memory_space<vmem>>
      %dma_start3A_150 = arith.constant 0 : i32
      %dma_start3A_151 = tpu.memref_slice %arg7[%add3A_144, %dma_start3A_150] : memref<40x128xi32, #tpu.memory_space<vmem>> -> memref<1x128xi32, #tpu.memory_space<vmem>>
      %dma_start3A_152 = tpu.memref_squeeze %dma_start3A_151 : memref<1x128xi32, #tpu.memory_space<vmem>> -> memref<128xi32, #tpu.memory_space<vmem>>
      %dma_start3A_153 = arith.constant 0 : i32
      %dma_start3A_154 = arith.constant 0 : i32
      %dma_start3A_155 = tpu.memref_slice %arg2[%dma_start3A_153, %dma_start3A_154] : memref<10000x128xf32, #tpu.memory_space<hbm>> -> memref<10000x128xf32, #tpu.memory_space<hbm>>
      tpu.enqueue_indirect_dma source(%dma_start3A_155 : memref<10000x128xf32, #tpu.memory_space<hbm>>) target(%dma_start3A_149 : memref<128x128xf32, #tpu.memory_space<vmem>>) offsets(%dma_start3A_152 : memref<128xi32, #tpu.memory_space<vmem>>) semaphore(%arg11 : memref<!tpu.dma_semaphore, #tpu.memory_space<semaphore_mem>>)
      %add3A_156 = arith.constant 1 : i32
      %add3A_157 = arith.addi %add3A_124, %add3A_156 : i32
      %dma_wait3A_158 = arith.constant 1 : i32
      %dma_wait3A_159 = arith.constant 0 : i32
      %dma_wait3A_160 = arith.constant 0 : i32
      %dma_wait3A_161 = tpu.memref_slice %arg9[%dma_wait3A_158, %dma_wait3A_159, %dma_wait3A_160] : memref<2x128x128xf32, #tpu.memory_space<vmem>> -> memref<1x128x128xf32, #tpu.memory_space<vmem>>
      %dma_wait3A_162 = tpu.memref_squeeze %dma_wait3A_161 : memref<1x128x128xf32, #tpu.memory_space<vmem>> -> memref<128x128xf32, #tpu.memory_space<vmem>>
      %dma_wait3A_163 = arith.constant 0 : i32
      %dma_wait3A_164 = tpu.memref_slice %arg7[%add3A_157, %dma_wait3A_163] : memref<40x128xi32, #tpu.memory_space<vmem>> -> memref<1x128xi32, #tpu.memory_space<vmem>>
      %dma_wait3A_165 = tpu.memref_squeeze %dma_wait3A_164 : memref<1x128xi32, #tpu.memory_space<vmem>> -> memref<128xi32, #tpu.memory_space<vmem>>
      %dma_wait3A_166 = arith.constant 0 : i32
      %dma_wait3A_167 = arith.constant 0 : i32
      %dma_wait3A_168 = tpu.memref_slice %arg2[%dma_wait3A_166, %dma_wait3A_167] : memref<10000x128xf32, #tpu.memory_space<hbm>> -> memref<10000x128xf32, #tpu.memory_space<hbm>>
      tpu.wait_indirect_dma semaphore(%arg12 : memref<!tpu.dma_semaphore, #tpu.memory_space<semaphore_mem>>) src(%dma_wait3A_168 : memref<10000x128xf32, #tpu.memory_space<hbm>>) dst(%dma_wait3A_162 : memref<128x128xf32, #tpu.memory_space<vmem>>)
      %add3A_169 = arith.constant 1 : i32
      %add3A_170 = arith.addi %add3A_124, %add3A_169 : i32
      %run_scoped3A_171 = arith.constant 1 : i32
      "tpu.region"() ({
        %run_scoped3A_187 = tpu.sem_alloc : memref<!tpu.dma_semaphore, #tpu.memory_space<semaphore_mem>>
        %dma_start3A_188 = arith.constant 0 : i32
        %dma_start3A_189 = arith.constant 0 : i32
        %dma_start3A_190 = tpu.memref_slice %arg9[%run_scoped3A_171, %dma_start3A_188, %dma_start3A_189] : memref<2x128x128xf32, #tpu.memory_space<vmem>> -> memref<1x128x128xf32, #tpu.memory_space<vmem>>
        %dma_start3A_191 = tpu.memref_squeeze %dma_start3A_190 : memref<1x128x128xf32, #tpu.memory_space<vmem>> -> memref<128x128xf32, #tpu.memory_space<vmem>>
        %dma_start3A_192 = arith.constant 0 : i32
        %dma_start3A_193 = tpu.memref_slice %arg8[%add3A_170, %dma_start3A_192] : memref<40x128xi32, #tpu.memory_space<vmem>> -> memref<1x128xi32, #tpu.memory_space<vmem>>
        %dma_start3A_194 = tpu.memref_squeeze %dma_start3A_193 : memref<1x128xi32, #tpu.memory_space<vmem>> -> memref<128xi32, #tpu.memory_space<vmem>>
        %dma_start3A_195 = arith.constant 0 : i32
        %dma_start3A_196 = arith.constant 0 : i32
        %dma_start3A_197 = tpu.memref_slice %arg10[%dma_start3A_195, %dma_start3A_196] : memref<10112x128xf32, #tpu.memory_space<vmem_shared>> -> memref<10112x128xf32, #tpu.memory_space<vmem_shared>>
        tpu.enqueue_indirect_dma source(%dma_start3A_191 : memref<128x128xf32, #tpu.memory_space<vmem>>) target(%dma_start3A_197 : memref<10112x128xf32, #tpu.memory_space<vmem_shared>>) offsets(%dma_start3A_194 : memref<128xi32, #tpu.memory_space<vmem>>) semaphore(%run_scoped3A_187 : memref<!tpu.dma_semaphore, #tpu.memory_space<semaphore_mem>>) {add = true}
        %dma_wait3A_198 = arith.constant 0 : i32
        %dma_wait3A_199 = arith.constant 0 : i32
        %dma_wait3A_200 = tpu.memref_slice %arg9[%run_scoped3A_171, %dma_wait3A_198, %dma_wait3A_199] : memref<2x128x128xf32, #tpu.memory_space<vmem>> -> memref<1x128x128xf32, #tpu.memory_space<vmem>>
        %dma_wait3A_201 = tpu.memref_squeeze %dma_wait3A_200 : memref<1x128x128xf32, #tpu.memory_space<vmem>> -> memref<128x128xf32, #tpu.memory_space<vmem>>
        %dma_wait3A_202 = arith.constant 0 : i32
        %dma_wait3A_203 = tpu.memref_slice %arg8[%add3A_170, %dma_wait3A_202] : memref<40x128xi32, #tpu.memory_space<vmem>> -> memref<1x128xi32, #tpu.memory_space<vmem>>
        %dma_wait3A_204 = tpu.memref_squeeze %dma_wait3A_203 : memref<1x128xi32, #tpu.memory_space<vmem>> -> memref<128xi32, #tpu.memory_space<vmem>>
        %dma_wait3A_205 = arith.constant 0 : i32
        %dma_wait3A_206 = arith.constant 0 : i32
        %dma_wait3A_207 = tpu.memref_slice %arg10[%dma_wait3A_205, %dma_wait3A_206] : memref<10112x128xf32, #tpu.memory_space<vmem_shared>> -> memref<10112x128xf32, #tpu.memory_space<vmem_shared>>
        tpu.wait_indirect_dma semaphore(%run_scoped3A_187 : memref<!tpu.dma_semaphore, #tpu.memory_space<semaphore_mem>>) src(%dma_wait3A_201 : memref<128x128xf32, #tpu.memory_space<vmem>>) dst(%dma_wait3A_207 : memref<10112x128xf32, #tpu.memory_space<vmem_shared>>)
        tpu.yield
      }) : () -> ()
      %add3A_172 = arith.constant 1 : i32
      %add3A_173 = arith.addi %add3A_124, %add3A_172 : i32
      %add3A_174 = arith.constant 2 : i32
      %add3A_175 = arith.addi %add3A_173, %add3A_174 : i32
      %dma_start3A_176 = arith.constant 1 : i32
      %dma_start3A_177 = arith.constant 0 : i32
      %dma_start3A_178 = arith.constant 0 : i32
      %dma_start3A_179 = tpu.memref_slice %arg9[%dma_start3A_176, %dma_start3A_177, %dma_start3A_178] : memref<2x128x128xf32, #tpu.memory_space<vmem>> -> memref<1x128x128xf32, #tpu.memory_space<vmem>>
      %dma_start3A_180 = tpu.memref_squeeze %dma_start3A_179 : memref<1x128x128xf32, #tpu.memory_space<vmem>> -> memref<128x128xf32, #tpu.memory_space<vmem>>
      %dma_start3A_181 = arith.constant 0 : i32
      %dma_start3A_182 = tpu.memref_slice %arg7[%add3A_175, %dma_start3A_181] : memref<40x128xi32, #tpu.memory_space<vmem>> -> memref<1x128xi32, #tpu.memory_space<vmem>>
      %dma_start3A_183 = tpu.memref_squeeze %dma_start3A_182 : memref<1x128xi32, #tpu.memory_space<vmem>> -> memref<128xi32, #tpu.memory_space<vmem>>
      %dma_start3A_184 = arith.constant 0 : i32
      %dma_start3A_185 = arith.constant 0 : i32
      %dma_start3A_186 = tpu.memref_slice %arg2[%dma_start3A_184, %dma_start3A_185] : memref<10000x128xf32, #tpu.memory_space<hbm>> -> memref<10000x128xf32, #tpu.memory_space<hbm>>
      tpu.enqueue_indirect_dma source(%dma_start3A_186 : memref<10000x128xf32, #tpu.memory_space<hbm>>) target(%dma_start3A_180 : memref<128x128xf32, #tpu.memory_space<vmem>>) offsets(%dma_start3A_183 : memref<128xi32, #tpu.memory_space<vmem>>) semaphore(%arg12 : memref<!tpu.dma_semaphore, #tpu.memory_space<semaphore_mem>>)
    }
    %scan3A_86 = arith.constant 19 : i32
    %dma_wait3A_87 = arith.constant 38 : i32
    %dma_wait3A_88 = arith.constant 0 : i32
    %dma_wait3A_89 = arith.constant 0 : i32
    %dma_wait3A_90 = arith.constant 0 : i32
    %dma_wait3A_91 = tpu.memref_slice %arg9[%dma_wait3A_88, %dma_wait3A_89, %dma_wait3A_90] : memref<2x128x128xf32, #tpu.memory_space<vmem>> -> memref<1x128x128xf32, #tpu.memory_space<vmem>>
    %dma_wait3A_92 = tpu.memref_squeeze %dma_wait3A_91 : memref<1x128x128xf32, #tpu.memory_space<vmem>> -> memref<128x128xf32, #tpu.memory_space<vmem>>
    %dma_wait3A_93 = arith.constant 0 : i32
    %dma_wait3A_94 = tpu.memref_slice %arg7[%dma_wait3A_87, %dma_wait3A_93] : memref<40x128xi32, #tpu.memory_space<vmem>> -> memref<1x128xi32, #tpu.memory_space<vmem>>
    %dma_wait3A_95 = tpu.memref_squeeze %dma_wait3A_94 : memref<1x128xi32, #tpu.memory_space<vmem>> -> memref<128xi32, #tpu.memory_space<vmem>>
    %dma_wait3A_96 = arith.constant 0 : i32
    %dma_wait3A_97 = arith.constant 0 : i32
    %dma_wait3A_98 = tpu.memref_slice %arg2[%dma_wait3A_96, %dma_wait3A_97] : memref<10000x128xf32, #tpu.memory_space<hbm>> -> memref<10000x128xf32, #tpu.memory_space<hbm>>
    tpu.wait_indirect_dma semaphore(%arg11 : memref<!tpu.dma_semaphore, #tpu.memory_space<semaphore_mem>>) src(%dma_wait3A_98 : memref<10000x128xf32, #tpu.memory_space<hbm>>) dst(%dma_wait3A_92 : memref<128x128xf32, #tpu.memory_space<vmem>>)
    %run_scoped3A_99 = arith.constant 0 : i32
    %run_scoped3A_100 = arith.constant 38 : i32
    "tpu.region"() ({
      %run_scoped3A_120 = tpu.sem_alloc : memref<!tpu.dma_semaphore, #tpu.memory_space<semaphore_mem>>
      %dma_start3A_121 = arith.constant 0 : i32
      %dma_start3A_122 = arith.constant 0 : i32
      %dma_start3A_123 = tpu.memref_slice %arg9[%run_scoped3A_99, %dma_start3A_121, %dma_start3A_122] : memref<2x128x128xf32, #tpu.memory_space<vmem>> -> memref<1x128x128xf32, #tpu.memory_space<vmem>>
      %dma_start3A_124 = tpu.memref_squeeze %dma_start3A_123 : memref<1x128x128xf32, #tpu.memory_space<vmem>> -> memref<128x128xf32, #tpu.memory_space<vmem>>
      %dma_start3A_125 = arith.constant 0 : i32
      %dma_start3A_126 = tpu.memref_slice %arg8[%run_scoped3A_100, %dma_start3A_125] : memref<40x128xi32, #tpu.memory_space<vmem>> -> memref<1x128xi32, #tpu.memory_space<vmem>>
      %dma_start3A_127 = tpu.memref_squeeze %dma_start3A_126 : memref<1x128xi32, #tpu.memory_space<vmem>> -> memref<128xi32, #tpu.memory_space<vmem>>
      %dma_start3A_128 = arith.constant 0 : i32
      %dma_start3A_129 = arith.constant 0 : i32
      %dma_start3A_130 = tpu.memref_slice %arg10[%dma_start3A_128, %dma_start3A_129] : memref<10112x128xf32, #tpu.memory_space<vmem_shared>> -> memref<10112x128xf32, #tpu.memory_space<vmem_shared>>
      tpu.enqueue_indirect_dma source(%dma_start3A_124 : memref<128x128xf32, #tpu.memory_space<vmem>>) target(%dma_start3A_130 : memref<10112x128xf32, #tpu.memory_space<vmem_shared>>) offsets(%dma_start3A_127 : memref<128xi32, #tpu.memory_space<vmem>>) semaphore(%run_scoped3A_120 : memref<!tpu.dma_semaphore, #tpu.memory_space<semaphore_mem>>) {add = true}
      %dma_wait3A_131 = arith.constant 0 : i32
      %dma_wait3A_132 = arith.constant 0 : i32
      %dma_wait3A_133 = tpu.memref_slice %arg9[%run_scoped3A_99, %dma_wait3A_131, %dma_wait3A_132] : memref<2x128x128xf32, #tpu.memory_space<vmem>> -> memref<1x128x128xf32, #tpu.memory_space<vmem>>
      %dma_wait3A_134 = tpu.memref_squeeze %dma_wait3A_133 : memref<1x128x128xf32, #tpu.memory_space<vmem>> -> memref<128x128xf32, #tpu.memory_space<vmem>>
      %dma_wait3A_135 = arith.constant 0 : i32
      %dma_wait3A_136 = tpu.memref_slice %arg8[%run_scoped3A_100, %dma_wait3A_135] : memref<40x128xi32, #tpu.memory_space<vmem>> -> memref<1x128xi32, #tpu.memory_space<vmem>>
      %dma_wait3A_137 = tpu.memref_squeeze %dma_wait3A_136 : memref<1x128xi32, #tpu.memory_space<vmem>> -> memref<128xi32, #tpu.memory_space<vmem>>
      %dma_wait3A_138 = arith.constant 0 : i32
      %dma_wait3A_139 = arith.constant 0 : i32
      %dma_wait3A_140 = tpu.memref_slice %arg10[%dma_wait3A_138, %dma_wait3A_139] : memref<10112x128xf32, #tpu.memory_space<vmem_shared>> -> memref<10112x128xf32, #tpu.memory_space<vmem_shared>>
      tpu.wait_indirect_dma semaphore(%run_scoped3A_120 : memref<!tpu.dma_semaphore, #tpu.memory_space<semaphore_mem>>) src(%dma_wait3A_134 : memref<128x128xf32, #tpu.memory_space<vmem>>) dst(%dma_wait3A_140 : memref<10112x128xf32, #tpu.memory_space<vmem_shared>>)
      tpu.yield
    }) : () -> ()
    %dma_wait3A_101 = arith.constant 39 : i32
    %dma_wait3A_102 = arith.constant 1 : i32
    %dma_wait3A_103 = arith.constant 0 : i32
    %dma_wait3A_104 = arith.constant 0 : i32
    %dma_wait3A_105 = tpu.memref_slice %arg9[%dma_wait3A_102, %dma_wait3A_103, %dma_wait3A_104] : memref<2x128x128xf32, #tpu.memory_space<vmem>> -> memref<1x128x128xf32, #tpu.memory_space<vmem>>
    %dma_wait3A_106 = tpu.memref_squeeze %dma_wait3A_105 : memref<1x128x128xf32, #tpu.memory_space<vmem>> -> memref<128x128xf32, #tpu.memory_space<vmem>>
    %dma_wait3A_107 = arith.constant 0 : i32
    %dma_wait3A_108 = tpu.memref_slice %arg7[%dma_wait3A_101, %dma_wait3A_107] : memref<40x128xi32, #tpu.memory_space<vmem>> -> memref<1x128xi32, #tpu.memory_space<vmem>>
    %dma_wait3A_109 = tpu.memref_squeeze %dma_wait3A_108 : memref<1x128xi32, #tpu.memory_space<vmem>> -> memref<128xi32, #tpu.memory_space<vmem>>
    %dma_wait3A_110 = arith.constant 0 : i32
    %dma_wait3A_111 = arith.constant 0 : i32
    %dma_wait3A_112 = tpu.memref_slice %arg2[%dma_wait3A_110, %dma_wait3A_111] : memref<10000x128xf32, #tpu.memory_space<hbm>> -> memref<10000x128xf32, #tpu.memory_space<hbm>>
    tpu.wait_indirect_dma semaphore(%arg12 : memref<!tpu.dma_semaphore, #tpu.memory_space<semaphore_mem>>) src(%dma_wait3A_112 : memref<10000x128xf32, #tpu.memory_space<hbm>>) dst(%dma_wait3A_106 : memref<128x128xf32, #tpu.memory_space<vmem>>)
    %run_scoped3A_113 = arith.constant 1 : i32
    %run_scoped3A_114 = arith.constant 39 : i32
    "tpu.region"() ({
      %run_scoped3A_120 = tpu.sem_alloc : memref<!tpu.dma_semaphore, #tpu.memory_space<semaphore_mem>>
      %dma_start3A_121 = arith.constant 0 : i32
      %dma_start3A_122 = arith.constant 0 : i32
      %dma_start3A_123 = tpu.memref_slice %arg9[%run_scoped3A_113, %dma_start3A_121, %dma_start3A_122] : memref<2x128x128xf32, #tpu.memory_space<vmem>> -> memref<1x128x128xf32, #tpu.memory_space<vmem>>
      %dma_start3A_124 = tpu.memref_squeeze %dma_start3A_123 : memref<1x128x128xf32, #tpu.memory_space<vmem>> -> memref<128x128xf32, #tpu.memory_space<vmem>>
      %dma_start3A_125 = arith.constant 0 : i32
      %dma_start3A_126 = tpu.memref_slice %arg8[%run_scoped3A_114, %dma_start3A_125] : memref<40x128xi32, #tpu.memory_space<vmem>> -> memref<1x128xi32, #tpu.memory_space<vmem>>
      %dma_start3A_127 = tpu.memref_squeeze %dma_start3A_126 : memref<1x128xi32, #tpu.memory_space<vmem>> -> memref<128xi32, #tpu.memory_space<vmem>>
      %dma_start3A_128 = arith.constant 0 : i32
      %dma_start3A_129 = arith.constant 0 : i32
      %dma_start3A_130 = tpu.memref_slice %arg10[%dma_start3A_128, %dma_start3A_129] : memref<10112x128xf32, #tpu.memory_space<vmem_shared>> -> memref<10112x128xf32, #tpu.memory_space<vmem_shared>>
      tpu.enqueue_indirect_dma source(%dma_start3A_124 : memref<128x128xf32, #tpu.memory_space<vmem>>) target(%dma_start3A_130 : memref<10112x128xf32, #tpu.memory_space<vmem_shared>>) offsets(%dma_start3A_127 : memref<128xi32, #tpu.memory_space<vmem>>) semaphore(%run_scoped3A_120 : memref<!tpu.dma_semaphore, #tpu.memory_space<semaphore_mem>>) {add = true}
      %dma_wait3A_131 = arith.constant 0 : i32
      %dma_wait3A_132 = arith.constant 0 : i32
      %dma_wait3A_133 = tpu.memref_slice %arg9[%run_scoped3A_113, %dma_wait3A_131, %dma_wait3A_132] : memref<2x128x128xf32, #tpu.memory_space<vmem>> -> memref<1x128x128xf32, #tpu.memory_space<vmem>>
      %dma_wait3A_134 = tpu.memref_squeeze %dma_wait3A_133 : memref<1x128x128xf32, #tpu.memory_space<vmem>> -> memref<128x128xf32, #tpu.memory_space<vmem>>
      %dma_wait3A_135 = arith.constant 0 : i32
      %dma_wait3A_136 = tpu.memref_slice %arg8[%run_scoped3A_114, %dma_wait3A_135] : memref<40x128xi32, #tpu.memory_space<vmem>> -> memref<1x128xi32, #tpu.memory_space<vmem>>
      %dma_wait3A_137 = tpu.memref_squeeze %dma_wait3A_136 : memref<1x128xi32, #tpu.memory_space<vmem>> -> memref<128xi32, #tpu.memory_space<vmem>>
      %dma_wait3A_138 = arith.constant 0 : i32
      %dma_wait3A_139 = arith.constant 0 : i32
      %dma_wait3A_140 = tpu.memref_slice %arg10[%dma_wait3A_138, %dma_wait3A_139] : memref<10112x128xf32, #tpu.memory_space<vmem_shared>> -> memref<10112x128xf32, #tpu.memory_space<vmem_shared>>
      tpu.wait_indirect_dma semaphore(%run_scoped3A_120 : memref<!tpu.dma_semaphore, #tpu.memory_space<semaphore_mem>>) src(%dma_wait3A_134 : memref<128x128xf32, #tpu.memory_space<vmem>>) dst(%dma_wait3A_140 : memref<10112x128xf32, #tpu.memory_space<vmem_shared>>)
      tpu.yield
    }) : () -> ()
    %barrier3A_115 = arith.constant 0 : index
    tpu.barrier barrier_id(%barrier3A_115)
    %mul3A_116 = arith.constant 632 : i32
    %mul3A_117 = arith.muli %arg1, %mul3A_116 : i32
    %mul3A_118 = arith.constant 632 : i32
    %mul3A_119 = arith.muli %arg1, %mul3A_118 : i32
    "tpu.region"() ({
      %run_scoped3A_120 = tpu.sem_alloc : memref<!tpu.dma_semaphore, #tpu.memory_space<semaphore_mem>>
      %dma_start3A_121 = arith.constant 0 : i32
      %dma_start3A_122 = tpu.memref_slice %arg6[%arg0, %mul3A_119, %dma_start3A_121] : memref<2x10112x128xf32, #tpu.memory_space<hbm>> -> memref<1x632x128xf32, #tpu.memory_space<hbm>>
      %dma_start3A_123 = tpu.memref_squeeze %dma_start3A_122 : memref<1x632x128xf32, #tpu.memory_space<hbm>> -> memref<632x128xf32, #tpu.memory_space<hbm>>
      %dma_start3A_124 = arith.constant 0 : i32
      %dma_start3A_125 = tpu.memref_slice %arg10[%mul3A_117, %dma_start3A_124] : memref<10112x128xf32, #tpu.memory_space<vmem_shared>> -> memref<632x128xf32, #tpu.memory_space<vmem_shared>>
      tpu.enqueue_dma source(%dma_start3A_125 : memref<632x128xf32, #tpu.memory_space<vmem_shared>>) target(%dma_start3A_123 : memref<632x128xf32, #tpu.memory_space<hbm>>) target_semaphore(%run_scoped3A_120 : memref<!tpu.dma_semaphore, #tpu.memory_space<semaphore_mem>>)
      %dma_wait3A_126 = arith.constant 0 : i32
      %dma_wait3A_127 = tpu.memref_slice %arg6[%arg0, %mul3A_119, %dma_wait3A_126] : memref<2x10112x128xf32, #tpu.memory_space<hbm>> -> memref<1x632x128xf32, #tpu.memory_space<hbm>>
      %dma_wait3A_128 = tpu.memref_squeeze %dma_wait3A_127 : memref<1x632x128xf32, #tpu.memory_space<hbm>> -> memref<632x128xf32, #tpu.memory_space<hbm>>
      %dma_wait3A_129 = arith.constant 0 : i32
      %dma_wait3A_130 = tpu.memref_slice %arg10[%mul3A_117, %dma_wait3A_129] : memref<10112x128xf32, #tpu.memory_space<vmem_shared>> -> memref<632x128xf32, #tpu.memory_space<vmem_shared>>
      tpu.wait_dma2 semaphore(%run_scoped3A_120 : memref<!tpu.dma_semaphore, #tpu.memory_space<semaphore_mem>>) src(%dma_wait3A_130 : memref<632x128xf32, #tpu.memory_space<vmem_shared>>) dst(%dma_wait3A_128 : memref<632x128xf32, #tpu.memory_space<hbm>>)
      tpu.yield
    }) : () -> ()
    return
  }
}

#map = affine_map<(d0, d1) -> (0, 0, 0)>
#map1 = affine_map<(d0, d1) -> (0, 0)>
module attributes {stable_mosaic.version = 14 : i64} {
  func.func @_sc_degree(%arg0: i32, %arg1: i32, %arg2: memref<32x80x128xi32, #tpu.memory_space<hbm>>, %arg3: memref<2x10240xf32, #tpu.memory_space<hbm>>, %arg4: memref<80x128xi32, #tpu.memory_space<vmem>>, %arg5: memref<128xf32, #tpu.memory_space<vmem>>, %arg6: memref<640xf32, #tpu.memory_space<vmem>>, %arg7: memref<10240xf32, #tpu.memory_space<vmem_shared>>) attributes {dimension_semantics = [#tpu.dimension_semantics<core_parallel>, #tpu.dimension_semantics<subcore_parallel>], iteration_bounds = array<i64: 2, 16>, scalar_prefetch = 0 : i64, scratch_operands = 4 : i64, tpu.core_type = #tpu.core_type<sc_vector_subcore>, window_params = [{transform_indices = #map}, {transform_indices = #map1}]} {
    %mul3A = arith.constant 16 : i32
    %mul3A_0 = arith.muli %arg0, %mul3A : i32
    %add3A = arith.addi %mul3A_0, %arg1 : i32
    %broadcast_in_dim3A = arith.constant 1.000000e+00 : f32
    %broadcast_in_dim3A_1 = vector.broadcast %broadcast_in_dim3A : f32 to vector<16xf32>
    %swap3A = arith.constant 0 : index
    %swap3A_2 = tpu.vector_load %arg5[%swap3A] {strides = array<i32>} : memref<128xf32, #tpu.memory_space<vmem>>, vector<16xf32>,
    %swap3A_3 = vector.shape_cast %swap3A_2 : vector<16xf32> to vector<16xf32>
    %swap3A_4 = vector.shape_cast %broadcast_in_dim3A_1 : vector<16xf32> to vector<16xf32>
    tpu.vector_store %arg5[%swap3A], %swap3A_4 {strides = array<i32>} : memref<128xf32, #tpu.memory_space<vmem>>, vector<16xf32>,
    %broadcast_in_dim3A_5 = arith.constant 1.000000e+00 : f32
    %broadcast_in_dim3A_6 = vector.broadcast %broadcast_in_dim3A_5 : f32 to vector<16xf32>
    %swap3A_7 = arith.constant 16 : index
    %swap3A_8 = tpu.vector_load %arg5[%swap3A_7] {strides = array<i32>} : memref<128xf32, #tpu.memory_space<vmem>>, vector<16xf32>,
    %swap3A_9 = vector.shape_cast %swap3A_8 : vector<16xf32> to vector<16xf32>
    %swap3A_10 = vector.shape_cast %broadcast_in_dim3A_6 : vector<16xf32> to vector<16xf32>
    tpu.vector_store %arg5[%swap3A_7], %swap3A_10 {strides = array<i32>} : memref<128xf32, #tpu.memory_space<vmem>>, vector<16xf32>,
    %broadcast_in_dim3A_11 = arith.constant 1.000000e+00 : f32
    %broadcast_in_dim3A_12 = vector.broadcast %broadcast_in_dim3A_11 : f32 to vector<16xf32>
    %swap3A_13 = arith.constant 32 : index
    %swap3A_14 = tpu.vector_load %arg5[%swap3A_13] {strides = array<i32>} : memref<128xf32, #tpu.memory_space<vmem>>, vector<16xf32>,
    %swap3A_15 = vector.shape_cast %swap3A_14 : vector<16xf32> to vector<16xf32>
    %swap3A_16 = vector.shape_cast %broadcast_in_dim3A_12 : vector<16xf32> to vector<16xf32>
    tpu.vector_store %arg5[%swap3A_13], %swap3A_16 {strides = array<i32>} : memref<128xf32, #tpu.memory_space<vmem>>, vector<16xf32>,
    %broadcast_in_dim3A_17 = arith.constant 1.000000e+00 : f32
    %broadcast_in_dim3A_18 = vector.broadcast %broadcast_in_dim3A_17 : f32 to vector<16xf32>
    %swap3A_19 = arith.constant 48 : index
    %swap3A_20 = tpu.vector_load %arg5[%swap3A_19] {strides = array<i32>} : memref<128xf32, #tpu.memory_space<vmem>>, vector<16xf32>,
    %swap3A_21 = vector.shape_cast %swap3A_20 : vector<16xf32> to vector<16xf32>
    %swap3A_22 = vector.shape_cast %broadcast_in_dim3A_18 : vector<16xf32> to vector<16xf32>
    tpu.vector_store %arg5[%swap3A_19], %swap3A_22 {strides = array<i32>} : memref<128xf32, #tpu.memory_space<vmem>>, vector<16xf32>,
    %broadcast_in_dim3A_23 = arith.constant 1.000000e+00 : f32
    %broadcast_in_dim3A_24 = vector.broadcast %broadcast_in_dim3A_23 : f32 to vector<16xf32>
    %swap3A_25 = arith.constant 64 : index
    %swap3A_26 = tpu.vector_load %arg5[%swap3A_25] {strides = array<i32>} : memref<128xf32, #tpu.memory_space<vmem>>, vector<16xf32>,
    %swap3A_27 = vector.shape_cast %swap3A_26 : vector<16xf32> to vector<16xf32>
    %swap3A_28 = vector.shape_cast %broadcast_in_dim3A_24 : vector<16xf32> to vector<16xf32>
    tpu.vector_store %arg5[%swap3A_25], %swap3A_28 {strides = array<i32>} : memref<128xf32, #tpu.memory_space<vmem>>, vector<16xf32>,
    %broadcast_in_dim3A_29 = arith.constant 1.000000e+00 : f32
    %broadcast_in_dim3A_30 = vector.broadcast %broadcast_in_dim3A_29 : f32 to vector<16xf32>
    %swap3A_31 = arith.constant 80 : index
    %swap3A_32 = tpu.vector_load %arg5[%swap3A_31] {strides = array<i32>} : memref<128xf32, #tpu.memory_space<vmem>>, vector<16xf32>,
    %swap3A_33 = vector.shape_cast %swap3A_32 : vector<16xf32> to vector<16xf32>
    %swap3A_34 = vector.shape_cast %broadcast_in_dim3A_30 : vector<16xf32> to vector<16xf32>
    tpu.vector_store %arg5[%swap3A_31], %swap3A_34 {strides = array<i32>} : memref<128xf32, #tpu.memory_space<vmem>>, vector<16xf32>,
    %broadcast_in_dim3A_35 = arith.constant 1.000000e+00 : f32
    %broadcast_in_dim3A_36 = vector.broadcast %broadcast_in_dim3A_35 : f32 to vector<16xf32>
    %swap3A_37 = arith.constant 96 : index
    %swap3A_38 = tpu.vector_load %arg5[%swap3A_37] {strides = array<i32>} : memref<128xf32, #tpu.memory_space<vmem>>, vector<16xf32>,
    %swap3A_39 = vector.shape_cast %swap3A_38 : vector<16xf32> to vector<16xf32>
    %swap3A_40 = vector.shape_cast %broadcast_in_dim3A_36 : vector<16xf32> to vector<16xf32>
    tpu.vector_store %arg5[%swap3A_37], %swap3A_40 {strides = array<i32>} : memref<128xf32, #tpu.memory_space<vmem>>, vector<16xf32>,
    %broadcast_in_dim3A_41 = arith.constant 1.000000e+00 : f32
    %broadcast_in_dim3A_42 = vector.broadcast %broadcast_in_dim3A_41 : f32 to vector<16xf32>
    %swap3A_43 = arith.constant 112 : index
    %swap3A_44 = tpu.vector_load %arg5[%swap3A_43] {strides = array<i32>} : memref<128xf32, #tpu.memory_space<vmem>>, vector<16xf32>,
    %swap3A_45 = vector.shape_cast %swap3A_44 : vector<16xf32> to vector<16xf32>
    %swap3A_46 = vector.shape_cast %broadcast_in_dim3A_42 : vector<16xf32> to vector<16xf32>
    tpu.vector_store %arg5[%swap3A_43], %swap3A_46 {strides = array<i32>} : memref<128xf32, #tpu.memory_space<vmem>>, vector<16xf32>,
    %broadcast_in_dim3A_47 = arith.constant 0.000000e+00 : f32
    %broadcast_in_dim3A_48 = vector.broadcast %broadcast_in_dim3A_47 : f32 to vector<16xf32>
    %swap3A_49 = arith.constant 0 : index
    %swap3A_50 = tpu.vector_load %arg6[%swap3A_49] {strides = array<i32>} : memref<640xf32, #tpu.memory_space<vmem>>, vector<16xf32>,
    %swap3A_51 = vector.shape_cast %swap3A_50 : vector<16xf32> to vector<16xf32>
    %swap3A_52 = vector.shape_cast %broadcast_in_dim3A_48 : vector<16xf32> to vector<16xf32>
    tpu.vector_store %arg6[%swap3A_49], %swap3A_52 {strides = array<i32>} : memref<640xf32, #tpu.memory_space<vmem>>, vector<16xf32>,
    %broadcast_in_dim3A_53 = arith.constant 0.000000e+00 : f32
    %broadcast_in_dim3A_54 = vector.broadcast %broadcast_in_dim3A_53 : f32 to vector<16xf32>
    %swap3A_55 = arith.constant 16 : index
    %swap3A_56 = tpu.vector_load %arg6[%swap3A_55] {strides = array<i32>} : memref<640xf32, #tpu.memory_space<vmem>>, vector<16xf32>,
    %swap3A_57 = vector.shape_cast %swap3A_56 : vector<16xf32> to vector<16xf32>
    %swap3A_58 = vector.shape_cast %broadcast_in_dim3A_54 : vector<16xf32> to vector<16xf32>
    tpu.vector_store %arg6[%swap3A_55], %swap3A_58 {strides = array<i32>} : memref<640xf32, #tpu.memory_space<vmem>>, vector<16xf32>,
    %broadcast_in_dim3A_59 = arith.constant 0.000000e+00 : f32
    %broadcast_in_dim3A_60 = vector.broadcast %broadcast_in_dim3A_59 : f32 to vector<16xf32>
    %swap3A_61 = arith.constant 32 : index
    %swap3A_62 = tpu.vector_load %arg6[%swap3A_61] {strides = array<i32>} : memref<640xf32, #tpu.memory_space<vmem>>, vector<16xf32>,
    %swap3A_63 = vector.shape_cast %swap3A_62 : vector<16xf32> to vector<16xf32>
    %swap3A_64 = vector.shape_cast %broadcast_in_dim3A_60 : vector<16xf32> to vector<16xf32>
    tpu.vector_store %arg6[%swap3A_61], %swap3A_64 {strides = array<i32>} : memref<640xf32, #tpu.memory_space<vmem>>, vector<16xf32>,
    %broadcast_in_dim3A_65 = arith.constant 0.000000e+00 : f32
    %broadcast_in_dim3A_66 = vector.broadcast %broadcast_in_dim3A_65 : f32 to vector<16xf32>
    %swap3A_67 = arith.constant 48 : index
    %swap3A_68 = tpu.vector_load %arg6[%swap3A_67] {strides = array<i32>} : memref<640xf32, #tpu.memory_space<vmem>>, vector<16xf32>,
    %swap3A_69 = vector.shape_cast %swap3A_68 : vector<16xf32> to vector<16xf32>
    %swap3A_70 = vector.shape_cast %broadcast_in_dim3A_66 : vector<16xf32> to vector<16xf32>
    tpu.vector_store %arg6[%swap3A_67], %swap3A_70 {strides = array<i32>} : memref<640xf32, #tpu.memory_space<vmem>>, vector<16xf32>,
    %broadcast_in_dim3A_71 = arith.constant 0.000000e+00 : f32
    %broadcast_in_dim3A_72 = vector.broadcast %broadcast_in_dim3A_71 : f32 to vector<16xf32>
    %swap3A_73 = arith.constant 64 : index
    %swap3A_74 = tpu.vector_load %arg6[%swap3A_73] {strides = array<i32>} : memref<640xf32, #tpu.memory_space<vmem>>, vector<16xf32>,
    %swap3A_75 = vector.shape_cast %swap3A_74 : vector<16xf32> to vector<16xf32>
    %swap3A_76 = vector.shape_cast %broadcast_in_dim3A_72 : vector<16xf32> to vector<16xf32>
    tpu.vector_store %arg6[%swap3A_73], %swap3A_76 {strides = array<i32>} : memref<640xf32, #tpu.memory_space<vmem>>, vector<16xf32>,
    %broadcast_in_dim3A_77 = arith.constant 0.000000e+00 : f32
    %broadcast_in_dim3A_78 = vector.broadcast %broadcast_in_dim3A_77 : f32 to vector<16xf32>
    %swap3A_79 = arith.constant 80 : index
    %swap3A_80 = tpu.vector_load %arg6[%swap3A_79] {strides = array<i32>} : memref<640xf32, #tpu.memory_space<vmem>>, vector<16xf32>,
    %swap3A_81 = vector.shape_cast %swap3A_80 : vector<16xf32> to vector<16xf32>
    %swap3A_82 = vector.shape_cast %broadcast_in_dim3A_78 : vector<16xf32> to vector<16xf32>
    tpu.vector_store %arg6[%swap3A_79], %swap3A_82 {strides = array<i32>} : memref<640xf32, #tpu.memory_space<vmem>>, vector<16xf32>,
    %broadcast_in_dim3A_83 = arith.constant 0.000000e+00 : f32
    %broadcast_in_dim3A_84 = vector.broadcast %broadcast_in_dim3A_83 : f32 to vector<16xf32>
    %swap3A_85 = arith.constant 96 : index
    %swap3A_86 = tpu.vector_load %arg6[%swap3A_85] {strides = array<i32>} : memref<640xf32, #tpu.memory_space<vmem>>, vector<16xf32>,
    %swap3A_87 = vector.shape_cast %swap3A_86 : vector<16xf32> to vector<16xf32>
    %swap3A_88 = vector.shape_cast %broadcast_in_dim3A_84 : vector<16xf32> to vector<16xf32>
    tpu.vector_store %arg6[%swap3A_85], %swap3A_88 {strides = array<i32>} : memref<640xf32, #tpu.memory_space<vmem>>, vector<16xf32>,
    %broadcast_in_dim3A_89 = arith.constant 0.000000e+00 : f32
    %broadcast_in_dim3A_90 = vector.broadcast %broadcast_in_dim3A_89 : f32 to vector<16xf32>
    %swap3A_91 = arith.constant 112 : index
    %swap3A_92 = tpu.vector_load %arg6[%swap3A_91] {strides = array<i32>} : memref<640xf32, #tpu.memory_space<vmem>>, vector<16xf32>,
    %swap3A_93 = vector.shape_cast %swap3A_92 : vector<16xf32> to vector<16xf32>
    %swap3A_94 = vector.shape_cast %broadcast_in_dim3A_90 : vector<16xf32> to vector<16xf32>
    tpu.vector_store %arg6[%swap3A_91], %swap3A_94 {strides = array<i32>} : memref<640xf32, #tpu.memory_space<vmem>>, vector<16xf32>,
    %broadcast_in_dim3A_95 = arith.constant 0.000000e+00 : f32
    %broadcast_in_dim3A_96 = vector.broadcast %broadcast_in_dim3A_95 : f32 to vector<16xf32>
    %swap3A_97 = arith.constant 128 : index
    %swap3A_98 = tpu.vector_load %arg6[%swap3A_97] {strides = array<i32>} : memref<640xf32, #tpu.memory_space<vmem>>, vector<16xf32>,
    %swap3A_99 = vector.shape_cast %swap3A_98 : vector<16xf32> to vector<16xf32>
    %swap3A_100 = vector.shape_cast %broadcast_in_dim3A_96 : vector<16xf32> to vector<16xf32>
    tpu.vector_store %arg6[%swap3A_97], %swap3A_100 {strides = array<i32>} : memref<640xf32, #tpu.memory_space<vmem>>, vector<16xf32>,
    %broadcast_in_dim3A_101 = arith.constant 0.000000e+00 : f32
    %broadcast_in_dim3A_102 = vector.broadcast %broadcast_in_dim3A_101 : f32 to vector<16xf32>
    %swap3A_103 = arith.constant 144 : index
    %swap3A_104 = tpu.vector_load %arg6[%swap3A_103] {strides = array<i32>} : memref<640xf32, #tpu.memory_space<vmem>>, vector<16xf32>,
    %swap3A_105 = vector.shape_cast %swap3A_104 : vector<16xf32> to vector<16xf32>
    %swap3A_106 = vector.shape_cast %broadcast_in_dim3A_102 : vector<16xf32> to vector<16xf32>
    tpu.vector_store %arg6[%swap3A_103], %swap3A_106 {strides = array<i32>} : memref<640xf32, #tpu.memory_space<vmem>>, vector<16xf32>,
    %broadcast_in_dim3A_107 = arith.constant 0.000000e+00 : f32
    %broadcast_in_dim3A_108 = vector.broadcast %broadcast_in_dim3A_107 : f32 to vector<16xf32>
    %swap3A_109 = arith.constant 160 : index
    %swap3A_110 = tpu.vector_load %arg6[%swap3A_109] {strides = array<i32>} : memref<640xf32, #tpu.memory_space<vmem>>, vector<16xf32>,
    %swap3A_111 = vector.shape_cast %swap3A_110 : vector<16xf32> to vector<16xf32>
    %swap3A_112 = vector.shape_cast %broadcast_in_dim3A_108 : vector<16xf32> to vector<16xf32>
    tpu.vector_store %arg6[%swap3A_109], %swap3A_112 {strides = array<i32>} : memref<640xf32, #tpu.memory_space<vmem>>, vector<16xf32>,
    %broadcast_in_dim3A_113 = arith.constant 0.000000e+00 : f32
    %broadcast_in_dim3A_114 = vector.broadcast %broadcast_in_dim3A_113 : f32 to vector<16xf32>
    %swap3A_115 = arith.constant 176 : index
    %swap3A_116 = tpu.vector_load %arg6[%swap3A_115] {strides = array<i32>} : memref<640xf32, #tpu.memory_space<vmem>>, vector<16xf32>,
    %swap3A_117 = vector.shape_cast %swap3A_116 : vector<16xf32> to vector<16xf32>
    %swap3A_118 = vector.shape_cast %broadcast_in_dim3A_114 : vector<16xf32> to vector<16xf32>
    tpu.vector_store %arg6[%swap3A_115], %swap3A_118 {strides = array<i32>} : memref<640xf32, #tpu.memory_space<vmem>>, vector<16xf32>,
    %broadcast_in_dim3A_119 = arith.constant 0.000000e+00 : f32
    %broadcast_in_dim3A_120 = vector.broadcast %broadcast_in_dim3A_119 : f32 to vector<16xf32>
    %swap3A_121 = arith.constant 192 : index
    %swap3A_122 = tpu.vector_load %arg6[%swap3A_121] {strides = array<i32>} : memref<640xf32, #tpu.memory_space<vmem>>, vector<16xf32>,
    %swap3A_123 = vector.shape_cast %swap3A_122 : vector<16xf32> to vector<16xf32>
    %swap3A_124 = vector.shape_cast %broadcast_in_dim3A_120 : vector<16xf32> to vector<16xf32>
    tpu.vector_store %arg6[%swap3A_121], %swap3A_124 {strides = array<i32>} : memref<640xf32, #tpu.memory_space<vmem>>, vector<16xf32>,
    %broadcast_in_dim3A_125 = arith.constant 0.000000e+00 : f32
    %broadcast_in_dim3A_126 = vector.broadcast %broadcast_in_dim3A_125 : f32 to vector<16xf32>
    %swap3A_127 = arith.constant 208 : index
    %swap3A_128 = tpu.vector_load %arg6[%swap3A_127] {strides = array<i32>} : memref<640xf32, #tpu.memory_space<vmem>>, vector<16xf32>,
    %swap3A_129 = vector.shape_cast %swap3A_128 : vector<16xf32> to vector<16xf32>
    %swap3A_130 = vector.shape_cast %broadcast_in_dim3A_126 : vector<16xf32> to vector<16xf32>
    tpu.vector_store %arg6[%swap3A_127], %swap3A_130 {strides = array<i32>} : memref<640xf32, #tpu.memory_space<vmem>>, vector<16xf32>,
    %broadcast_in_dim3A_131 = arith.constant 0.000000e+00 : f32
    %broadcast_in_dim3A_132 = vector.broadcast %broadcast_in_dim3A_131 : f32 to vector<16xf32>
    %swap3A_133 = arith.constant 224 : index
    %swap3A_134 = tpu.vector_load %arg6[%swap3A_133] {strides = array<i32>} : memref<640xf32, #tpu.memory_space<vmem>>, vector<16xf32>,
    %swap3A_135 = vector.shape_cast %swap3A_134 : vector<16xf32> to vector<16xf32>
    %swap3A_136 = vector.shape_cast %broadcast_in_dim3A_132 : vector<16xf32> to vector<16xf32>
    tpu.vector_store %arg6[%swap3A_133], %swap3A_136 {strides = array<i32>} : memref<640xf32, #tpu.memory_space<vmem>>, vector<16xf32>,
    %broadcast_in_dim3A_137 = arith.constant 0.000000e+00 : f32
    %broadcast_in_dim3A_138 = vector.broadcast %broadcast_in_dim3A_137 : f32 to vector<16xf32>
    %swap3A_139 = arith.constant 240 : index
    %swap3A_140 = tpu.vector_load %arg6[%swap3A_139] {strides = array<i32>} : memref<640xf32, #tpu.memory_space<vmem>>, vector<16xf32>,
    %swap3A_141 = vector.shape_cast %swap3A_140 : vector<16xf32> to vector<16xf32>
    %swap3A_142 = vector.shape_cast %broadcast_in_dim3A_138 : vector<16xf32> to vector<16xf32>
    tpu.vector_store %arg6[%swap3A_139], %swap3A_142 {strides = array<i32>} : memref<640xf32, #tpu.memory_space<vmem>>, vector<16xf32>,
    %broadcast_in_dim3A_143 = arith.constant 0.000000e+00 : f32
    %broadcast_in_dim3A_144 = vector.broadcast %broadcast_in_dim3A_143 : f32 to vector<16xf32>
    %swap3A_145 = arith.constant 256 : index
    %swap3A_146 = tpu.vector_load %arg6[%swap3A_145] {strides = array<i32>} : memref<640xf32, #tpu.memory_space<vmem>>, vector<16xf32>,
    %swap3A_147 = vector.shape_cast %swap3A_146 : vector<16xf32> to vector<16xf32>
    %swap3A_148 = vector.shape_cast %broadcast_in_dim3A_144 : vector<16xf32> to vector<16xf32>
    tpu.vector_store %arg6[%swap3A_145], %swap3A_148 {strides = array<i32>} : memref<640xf32, #tpu.memory_space<vmem>>, vector<16xf32>,
    %broadcast_in_dim3A_149 = arith.constant 0.000000e+00 : f32
    %broadcast_in_dim3A_150 = vector.broadcast %broadcast_in_dim3A_149 : f32 to vector<16xf32>
    %swap3A_151 = arith.constant 272 : index
    %swap3A_152 = tpu.vector_load %arg6[%swap3A_151] {strides = array<i32>} : memref<640xf32, #tpu.memory_space<vmem>>, vector<16xf32>,
    %swap3A_153 = vector.shape_cast %swap3A_152 : vector<16xf32> to vector<16xf32>
    %swap3A_154 = vector.shape_cast %broadcast_in_dim3A_150 : vector<16xf32> to vector<16xf32>
    tpu.vector_store %arg6[%swap3A_151], %swap3A_154 {strides = array<i32>} : memref<640xf32, #tpu.memory_space<vmem>>, vector<16xf32>,
    %broadcast_in_dim3A_155 = arith.constant 0.000000e+00 : f32
    %broadcast_in_dim3A_156 = vector.broadcast %broadcast_in_dim3A_155 : f32 to vector<16xf32>
    %swap3A_157 = arith.constant 288 : index
    %swap3A_158 = tpu.vector_load %arg6[%swap3A_157] {strides = array<i32>} : memref<640xf32, #tpu.memory_space<vmem>>, vector<16xf32>,
    %swap3A_159 = vector.shape_cast %swap3A_158 : vector<16xf32> to vector<16xf32>
    %swap3A_160 = vector.shape_cast %broadcast_in_dim3A_156 : vector<16xf32> to vector<16xf32>
    tpu.vector_store %arg6[%swap3A_157], %swap3A_160 {strides = array<i32>} : memref<640xf32, #tpu.memory_space<vmem>>, vector<16xf32>,
    %broadcast_in_dim3A_161 = arith.constant 0.000000e+00 : f32
    %broadcast_in_dim3A_162 = vector.broadcast %broadcast_in_dim3A_161 : f32 to vector<16xf32>
    %swap3A_163 = arith.constant 304 : index
    %swap3A_164 = tpu.vector_load %arg6[%swap3A_163] {strides = array<i32>} : memref<640xf32, #tpu.memory_space<vmem>>, vector<16xf32>,
    %swap3A_165 = vector.shape_cast %swap3A_164 : vector<16xf32> to vector<16xf32>
    %swap3A_166 = vector.shape_cast %broadcast_in_dim3A_162 : vector<16xf32> to vector<16xf32>
    tpu.vector_store %arg6[%swap3A_163], %swap3A_166 {strides = array<i32>} : memref<640xf32, #tpu.memory_space<vmem>>, vector<16xf32>,
    %broadcast_in_dim3A_167 = arith.constant 0.000000e+00 : f32
    %broadcast_in_dim3A_168 = vector.broadcast %broadcast_in_dim3A_167 : f32 to vector<16xf32>
    %swap3A_169 = arith.constant 320 : index
    %swap3A_170 = tpu.vector_load %arg6[%swap3A_169] {strides = array<i32>} : memref<640xf32, #tpu.memory_space<vmem>>, vector<16xf32>,
    %swap3A_171 = vector.shape_cast %swap3A_170 : vector<16xf32> to vector<16xf32>
    %swap3A_172 = vector.shape_cast %broadcast_in_dim3A_168 : vector<16xf32> to vector<16xf32>
    tpu.vector_store %arg6[%swap3A_169], %swap3A_172 {strides = array<i32>} : memref<640xf32, #tpu.memory_space<vmem>>, vector<16xf32>,
    %broadcast_in_dim3A_173 = arith.constant 0.000000e+00 : f32
    %broadcast_in_dim3A_174 = vector.broadcast %broadcast_in_dim3A_173 : f32 to vector<16xf32>
    %swap3A_175 = arith.constant 336 : index
    %swap3A_176 = tpu.vector_load %arg6[%swap3A_175] {strides = array<i32>} : memref<640xf32, #tpu.memory_space<vmem>>, vector<16xf32>,
    %swap3A_177 = vector.shape_cast %swap3A_176 : vector<16xf32> to vector<16xf32>
    %swap3A_178 = vector.shape_cast %broadcast_in_dim3A_174 : vector<16xf32> to vector<16xf32>
    tpu.vector_store %arg6[%swap3A_175], %swap3A_178 {strides = array<i32>} : memref<640xf32, #tpu.memory_space<vmem>>, vector<16xf32>,
    %broadcast_in_dim3A_179 = arith.constant 0.000000e+00 : f32
    %broadcast_in_dim3A_180 = vector.broadcast %broadcast_in_dim3A_179 : f32 to vector<16xf32>
    %swap3A_181 = arith.constant 352 : index
    %swap3A_182 = tpu.vector_load %arg6[%swap3A_181] {strides = array<i32>} : memref<640xf32, #tpu.memory_space<vmem>>, vector<16xf32>,
    %swap3A_183 = vector.shape_cast %swap3A_182 : vector<16xf32> to vector<16xf32>
    %swap3A_184 = vector.shape_cast %broadcast_in_dim3A_180 : vector<16xf32> to vector<16xf32>
    tpu.vector_store %arg6[%swap3A_181], %swap3A_184 {strides = array<i32>} : memref<640xf32, #tpu.memory_space<vmem>>, vector<16xf32>,
    %broadcast_in_dim3A_185 = arith.constant 0.000000e+00 : f32
    %broadcast_in_dim3A_186 = vector.broadcast %broadcast_in_dim3A_185 : f32 to vector<16xf32>
    %swap3A_187 = arith.constant 368 : index
    %swap3A_188 = tpu.vector_load %arg6[%swap3A_187] {strides = array<i32>} : memref<640xf32, #tpu.memory_space<vmem>>, vector<16xf32>,
    %swap3A_189 = vector.shape_cast %swap3A_188 : vector<16xf32> to vector<16xf32>
    %swap3A_190 = vector.shape_cast %broadcast_in_dim3A_186 : vector<16xf32> to vector<16xf32>
    tpu.vector_store %arg6[%swap3A_187], %swap3A_190 {strides = array<i32>} : memref<640xf32, #tpu.memory_space<vmem>>, vector<16xf32>,
    %broadcast_in_dim3A_191 = arith.constant 0.000000e+00 : f32
    %broadcast_in_dim3A_192 = vector.broadcast %broadcast_in_dim3A_191 : f32 to vector<16xf32>
    %swap3A_193 = arith.constant 384 : index
    %swap3A_194 = tpu.vector_load %arg6[%swap3A_193] {strides = array<i32>} : memref<640xf32, #tpu.memory_space<vmem>>, vector<16xf32>,
    %swap3A_195 = vector.shape_cast %swap3A_194 : vector<16xf32> to vector<16xf32>
    %swap3A_196 = vector.shape_cast %broadcast_in_dim3A_192 : vector<16xf32> to vector<16xf32>
    tpu.vector_store %arg6[%swap3A_193], %swap3A_196 {strides = array<i32>} : memref<640xf32, #tpu.memory_space<vmem>>, vector<16xf32>,
    %broadcast_in_dim3A_197 = arith.constant 0.000000e+00 : f32
    %broadcast_in_dim3A_198 = vector.broadcast %broadcast_in_dim3A_197 : f32 to vector<16xf32>
    %swap3A_199 = arith.constant 400 : index
    %swap3A_200 = tpu.vector_load %arg6[%swap3A_199] {strides = array<i32>} : memref<640xf32, #tpu.memory_space<vmem>>, vector<16xf32>,
    %swap3A_201 = vector.shape_cast %swap3A_200 : vector<16xf32> to vector<16xf32>
    %swap3A_202 = vector.shape_cast %broadcast_in_dim3A_198 : vector<16xf32> to vector<16xf32>
    tpu.vector_store %arg6[%swap3A_199], %swap3A_202 {strides = array<i32>} : memref<640xf32, #tpu.memory_space<vmem>>, vector<16xf32>,
    %broadcast_in_dim3A_203 = arith.constant 0.000000e+00 : f32
    %broadcast_in_dim3A_204 = vector.broadcast %broadcast_in_dim3A_203 : f32 to vector<16xf32>
    %swap3A_205 = arith.constant 416 : index
    %swap3A_206 = tpu.vector_load %arg6[%swap3A_205] {strides = array<i32>} : memref<640xf32, #tpu.memory_space<vmem>>, vector<16xf32>,
    %swap3A_207 = vector.shape_cast %swap3A_206 : vector<16xf32> to vector<16xf32>
    %swap3A_208 = vector.shape_cast %broadcast_in_dim3A_204 : vector<16xf32> to vector<16xf32>
    tpu.vector_store %arg6[%swap3A_205], %swap3A_208 {strides = array<i32>} : memref<640xf32, #tpu.memory_space<vmem>>, vector<16xf32>,
    %broadcast_in_dim3A_209 = arith.constant 0.000000e+00 : f32
    %broadcast_in_dim3A_210 = vector.broadcast %broadcast_in_dim3A_209 : f32 to vector<16xf32>
    %swap3A_211 = arith.constant 432 : index
    %swap3A_212 = tpu.vector_load %arg6[%swap3A_211] {strides = array<i32>} : memref<640xf32, #tpu.memory_space<vmem>>, vector<16xf32>,
    %swap3A_213 = vector.shape_cast %swap3A_212 : vector<16xf32> to vector<16xf32>
    %swap3A_214 = vector.shape_cast %broadcast_in_dim3A_210 : vector<16xf32> to vector<16xf32>
    tpu.vector_store %arg6[%swap3A_211], %swap3A_214 {strides = array<i32>} : memref<640xf32, #tpu.memory_space<vmem>>, vector<16xf32>,
    %broadcast_in_dim3A_215 = arith.constant 0.000000e+00 : f32
    %broadcast_in_dim3A_216 = vector.broadcast %broadcast_in_dim3A_215 : f32 to vector<16xf32>
    %swap3A_217 = arith.constant 448 : index
    %swap3A_218 = tpu.vector_load %arg6[%swap3A_217] {strides = array<i32>} : memref<640xf32, #tpu.memory_space<vmem>>, vector<16xf32>,
    %swap3A_219 = vector.shape_cast %swap3A_218 : vector<16xf32> to vector<16xf32>
    %swap3A_220 = vector.shape_cast %broadcast_in_dim3A_216 : vector<16xf32> to vector<16xf32>
    tpu.vector_store %arg6[%swap3A_217], %swap3A_220 {strides = array<i32>} : memref<640xf32, #tpu.memory_space<vmem>>, vector<16xf32>,
    %broadcast_in_dim3A_221 = arith.constant 0.000000e+00 : f32
    %broadcast_in_dim3A_222 = vector.broadcast %broadcast_in_dim3A_221 : f32 to vector<16xf32>
    %swap3A_223 = arith.constant 464 : index
    %swap3A_224 = tpu.vector_load %arg6[%swap3A_223] {strides = array<i32>} : memref<640xf32, #tpu.memory_space<vmem>>, vector<16xf32>,
    %swap3A_225 = vector.shape_cast %swap3A_224 : vector<16xf32> to vector<16xf32>
    %swap3A_226 = vector.shape_cast %broadcast_in_dim3A_222 : vector<16xf32> to vector<16xf32>
    tpu.vector_store %arg6[%swap3A_223], %swap3A_226 {strides = array<i32>} : memref<640xf32, #tpu.memory_space<vmem>>, vector<16xf32>,
    %broadcast_in_dim3A_227 = arith.constant 0.000000e+00 : f32
    %broadcast_in_dim3A_228 = vector.broadcast %broadcast_in_dim3A_227 : f32 to vector<16xf32>
    %swap3A_229 = arith.constant 480 : index
    %swap3A_230 = tpu.vector_load %arg6[%swap3A_229] {strides = array<i32>} : memref<640xf32, #tpu.memory_space<vmem>>, vector<16xf32>,
    %swap3A_231 = vector.shape_cast %swap3A_230 : vector<16xf32> to vector<16xf32>
    %swap3A_232 = vector.shape_cast %broadcast_in_dim3A_228 : vector<16xf32> to vector<16xf32>
    tpu.vector_store %arg6[%swap3A_229], %swap3A_232 {strides = array<i32>} : memref<640xf32, #tpu.memory_space<vmem>>, vector<16xf32>,
    %broadcast_in_dim3A_233 = arith.constant 0.000000e+00 : f32
    %broadcast_in_dim3A_234 = vector.broadcast %broadcast_in_dim3A_233 : f32 to vector<16xf32>
    %swap3A_235 = arith.constant 496 : index
    %swap3A_236 = tpu.vector_load %arg6[%swap3A_235] {strides = array<i32>} : memref<640xf32, #tpu.memory_space<vmem>>, vector<16xf32>,
    %swap3A_237 = vector.shape_cast %swap3A_236 : vector<16xf32> to vector<16xf32>
    %swap3A_238 = vector.shape_cast %broadcast_in_dim3A_234 : vector<16xf32> to vector<16xf32>
    tpu.vector_store %arg6[%swap3A_235], %swap3A_238 {strides = array<i32>} : memref<640xf32, #tpu.memory_space<vmem>>, vector<16xf32>,
    %broadcast_in_dim3A_239 = arith.constant 0.000000e+00 : f32
    %broadcast_in_dim3A_240 = vector.broadcast %broadcast_in_dim3A_239 : f32 to vector<16xf32>
    %swap3A_241 = arith.constant 512 : index
    %swap3A_242 = tpu.vector_load %arg6[%swap3A_241] {strides = array<i32>} : memref<640xf32, #tpu.memory_space<vmem>>, vector<16xf32>,
    %swap3A_243 = vector.shape_cast %swap3A_242 : vector<16xf32> to vector<16xf32>
    %swap3A_244 = vector.shape_cast %broadcast_in_dim3A_240 : vector<16xf32> to vector<16xf32>
    tpu.vector_store %arg6[%swap3A_241], %swap3A_244 {strides = array<i32>} : memref<640xf32, #tpu.memory_space<vmem>>, vector<16xf32>,
    %broadcast_in_dim3A_245 = arith.constant 0.000000e+00 : f32
    %broadcast_in_dim3A_246 = vector.broadcast %broadcast_in_dim3A_245 : f32 to vector<16xf32>
    %swap3A_247 = arith.constant 528 : index
    %swap3A_248 = tpu.vector_load %arg6[%swap3A_247] {strides = array<i32>} : memref<640xf32, #tpu.memory_space<vmem>>, vector<16xf32>,
    %swap3A_249 = vector.shape_cast %swap3A_248 : vector<16xf32> to vector<16xf32>
    %swap3A_250 = vector.shape_cast %broadcast_in_dim3A_246 : vector<16xf32> to vector<16xf32>
    tpu.vector_store %arg6[%swap3A_247], %swap3A_250 {strides = array<i32>} : memref<640xf32, #tpu.memory_space<vmem>>, vector<16xf32>,
    %broadcast_in_dim3A_251 = arith.constant 0.000000e+00 : f32
    %broadcast_in_dim3A_252 = vector.broadcast %broadcast_in_dim3A_251 : f32 to vector<16xf32>
    %swap3A_253 = arith.constant 544 : index
    %swap3A_254 = tpu.vector_load %arg6[%swap3A_253] {strides = array<i32>} : memref<640xf32, #tpu.memory_space<vmem>>, vector<16xf32>,
    %swap3A_255 = vector.shape_cast %swap3A_254 : vector<16xf32> to vector<16xf32>
    %swap3A_256 = vector.shape_cast %broadcast_in_dim3A_252 : vector<16xf32> to vector<16xf32>
    tpu.vector_store %arg6[%swap3A_253], %swap3A_256 {strides = array<i32>} : memref<640xf32, #tpu.memory_space<vmem>>, vector<16xf32>,
    %broadcast_in_dim3A_257 = arith.constant 0.000000e+00 : f32
    %broadcast_in_dim3A_258 = vector.broadcast %broadcast_in_dim3A_257 : f32 to vector<16xf32>
    %swap3A_259 = arith.constant 560 : index
    %swap3A_260 = tpu.vector_load %arg6[%swap3A_259] {strides = array<i32>} : memref<640xf32, #tpu.memory_space<vmem>>, vector<16xf32>,
    %swap3A_261 = vector.shape_cast %swap3A_260 : vector<16xf32> to vector<16xf32>
    %swap3A_262 = vector.shape_cast %broadcast_in_dim3A_258 : vector<16xf32> to vector<16xf32>
    tpu.vector_store %arg6[%swap3A_259], %swap3A_262 {strides = array<i32>} : memref<640xf32, #tpu.memory_space<vmem>>, vector<16xf32>,
    %broadcast_in_dim3A_263 = arith.constant 0.000000e+00 : f32
    %broadcast_in_dim3A_264 = vector.broadcast %broadcast_in_dim3A_263 : f32 to vector<16xf32>
    %swap3A_265 = arith.constant 576 : index
    %swap3A_266 = tpu.vector_load %arg6[%swap3A_265] {strides = array<i32>} : memref<640xf32, #tpu.memory_space<vmem>>, vector<16xf32>,
    %swap3A_267 = vector.shape_cast %swap3A_266 : vector<16xf32> to vector<16xf32>
    %swap3A_268 = vector.shape_cast %broadcast_in_dim3A_264 : vector<16xf32> to vector<16xf32>
    tpu.vector_store %arg6[%swap3A_265], %swap3A_268 {strides = array<i32>} : memref<640xf32, #tpu.memory_space<vmem>>, vector<16xf32>,
    %broadcast_in_dim3A_269 = arith.constant 0.000000e+00 : f32
    %broadcast_in_dim3A_270 = vector.broadcast %broadcast_in_dim3A_269 : f32 to vector<16xf32>
    %swap3A_271 = arith.constant 592 : index
    %swap3A_272 = tpu.vector_load %arg6[%swap3A_271] {strides = array<i32>} : memref<640xf32, #tpu.memory_space<vmem>>, vector<16xf32>,
    %swap3A_273 = vector.shape_cast %swap3A_272 : vector<16xf32> to vector<16xf32>
    %swap3A_274 = vector.shape_cast %broadcast_in_dim3A_270 : vector<16xf32> to vector<16xf32>
    tpu.vector_store %arg6[%swap3A_271], %swap3A_274 {strides = array<i32>} : memref<640xf32, #tpu.memory_space<vmem>>, vector<16xf32>,
    %broadcast_in_dim3A_275 = arith.constant 0.000000e+00 : f32
    %broadcast_in_dim3A_276 = vector.broadcast %broadcast_in_dim3A_275 : f32 to vector<16xf32>
    %swap3A_277 = arith.constant 608 : index
    %swap3A_278 = tpu.vector_load %arg6[%swap3A_277] {strides = array<i32>} : memref<640xf32, #tpu.memory_space<vmem>>, vector<16xf32>,
    %swap3A_279 = vector.shape_cast %swap3A_278 : vector<16xf32> to vector<16xf32>
    %swap3A_280 = vector.shape_cast %broadcast_in_dim3A_276 : vector<16xf32> to vector<16xf32>
    tpu.vector_store %arg6[%swap3A_277], %swap3A_280 {strides = array<i32>} : memref<640xf32, #tpu.memory_space<vmem>>, vector<16xf32>,
    %broadcast_in_dim3A_281 = arith.constant 0.000000e+00 : f32
    %broadcast_in_dim3A_282 = vector.broadcast %broadcast_in_dim3A_281 : f32 to vector<16xf32>
    %swap3A_283 = arith.constant 624 : index
    %swap3A_284 = tpu.vector_load %arg6[%swap3A_283] {strides = array<i32>} : memref<640xf32, #tpu.memory_space<vmem>>, vector<16xf32>,
    %swap3A_285 = vector.shape_cast %swap3A_284 : vector<16xf32> to vector<16xf32>
    %swap3A_286 = vector.shape_cast %broadcast_in_dim3A_282 : vector<16xf32> to vector<16xf32>
    tpu.vector_store %arg6[%swap3A_283], %swap3A_286 {strides = array<i32>} : memref<640xf32, #tpu.memory_space<vmem>>, vector<16xf32>,
    %mul3A_287 = arith.constant 640 : i32
    %mul3A_288 = arith.muli %arg1, %mul3A_287 : i32
    "tpu.region"() ({
      %run_scoped3A = tpu.sem_alloc : memref<!tpu.dma_semaphore, #tpu.memory_space<semaphore_mem>>
      %dma_start3A = tpu.memref_slice %arg7[%mul3A_288] : memref<10240xf32, #tpu.memory_space<vmem_shared>> -> memref<640xf32, #tpu.memory_space<vmem_shared>>
      %dma_start3A_298 = tpu.memref_slice %arg7[%mul3A_288] : memref<10240xf32, #tpu.memory_space<vmem_shared>> -> memref<640xf32, #tpu.memory_space<vmem_shared>>
      tpu.enqueue_dma source(%arg6 : memref<640xf32, #tpu.memory_space<vmem>>) target(%dma_start3A_298 : memref<640xf32, #tpu.memory_space<vmem_shared>>) target_semaphore(%run_scoped3A : memref<!tpu.dma_semaphore, #tpu.memory_space<semaphore_mem>>)
      %dma_wait3A = tpu.memref_slice %arg7[%mul3A_288] : memref<10240xf32, #tpu.memory_space<vmem_shared>> -> memref<640xf32, #tpu.memory_space<vmem_shared>>
      %dma_wait3A_299 = tpu.memref_slice %arg7[%mul3A_288] : memref<10240xf32, #tpu.memory_space<vmem_shared>> -> memref<640xf32, #tpu.memory_space<vmem_shared>>
      tpu.wait_dma2 semaphore(%run_scoped3A : memref<!tpu.dma_semaphore, #tpu.memory_space<semaphore_mem>>) src(%arg6 : memref<640xf32, #tpu.memory_space<vmem>>) dst(%dma_wait3A_299 : memref<640xf32, #tpu.memory_space<vmem_shared>>)
      tpu.yield
    }) : () -> ()
    "tpu.region"() ({
      %run_scoped3A = tpu.sem_alloc : memref<!tpu.dma_semaphore, #tpu.memory_space<semaphore_mem>>
      %dma_start3A = arith.constant 0 : i32
      %dma_start3A_298 = arith.constant 0 : i32
      %dma_start3A_299 = tpu.memref_slice %arg2[%add3A, %dma_start3A, %dma_start3A_298] : memref<32x80x128xi32, #tpu.memory_space<hbm>> -> memref<1x80x128xi32, #tpu.memory_space<hbm>>
      %dma_start3A_300 = tpu.memref_squeeze %dma_start3A_299 : memref<1x80x128xi32, #tpu.memory_space<hbm>> -> memref<80x128xi32, #tpu.memory_space<hbm>>
      %dma_start3A_301 = arith.constant 0 : i32
      %dma_start3A_302 = arith.constant 0 : i32
      %dma_start3A_303 = tpu.memref_slice %arg2[%add3A, %dma_start3A_301, %dma_start3A_302] : memref<32x80x128xi32, #tpu.memory_space<hbm>> -> memref<1x80x128xi32, #tpu.memory_space<hbm>>
      %dma_start3A_304 = tpu.memref_squeeze %dma_start3A_303 : memref<1x80x128xi32, #tpu.memory_space<hbm>> -> memref<80x128xi32, #tpu.memory_space<hbm>>
      tpu.enqueue_dma source(%dma_start3A_304 : memref<80x128xi32, #tpu.memory_space<hbm>>) target(%arg4 : memref<80x128xi32, #tpu.memory_space<vmem>>) target_semaphore(%run_scoped3A : memref<!tpu.dma_semaphore, #tpu.memory_space<semaphore_mem>>)
      %dma_wait3A = arith.constant 0 : i32
      %dma_wait3A_305 = arith.constant 0 : i32
      %dma_wait3A_306 = tpu.memref_slice %arg2[%add3A, %dma_wait3A, %dma_wait3A_305] : memref<32x80x128xi32, #tpu.memory_space<hbm>> -> memref<1x80x128xi32, #tpu.memory_space<hbm>>
      %dma_wait3A_307 = tpu.memref_squeeze %dma_wait3A_306 : memref<1x80x128xi32, #tpu.memory_space<hbm>> -> memref<80x128xi32, #tpu.memory_space<hbm>>
      %dma_wait3A_308 = arith.constant 0 : i32
      %dma_wait3A_309 = arith.constant 0 : i32
      %dma_wait3A_310 = tpu.memref_slice %arg2[%add3A, %dma_wait3A_308, %dma_wait3A_309] : memref<32x80x128xi32, #tpu.memory_space<hbm>> -> memref<1x80x128xi32, #tpu.memory_space<hbm>>
      %dma_wait3A_311 = tpu.memref_squeeze %dma_wait3A_310 : memref<1x80x128xi32, #tpu.memory_space<hbm>> -> memref<80x128xi32, #tpu.memory_space<hbm>>
      tpu.wait_dma2 semaphore(%run_scoped3A : memref<!tpu.dma_semaphore, #tpu.memory_space<semaphore_mem>>) src(%dma_wait3A_311 : memref<80x128xi32, #tpu.memory_space<hbm>>) dst(%arg4 : memref<80x128xi32, #tpu.memory_space<vmem>>)
      tpu.yield
    }) : () -> ()
    %barrier3A = arith.constant 0 : index
    tpu.barrier barrier_id(%barrier3A)
    %scan3A = arith.constant 0 : i32
    %scan3A_289 = arith.constant 80 : i32
    %scan3A_290 = arith.addi %scan3A, %scan3A_289 : i32
    %scan3A_291 = arith.constant 1 : i32
    scf.for %scan3A_298 = %scan3A to %scan3A_290 step %scan3A_291  : i32 {
      %mul3A_299 = arith.constant 1 : i32
      %mul3A_300 = arith.muli %scan3A_298, %mul3A_299 : i32
      %add3A_301 = arith.constant 0 : i32
      %add3A_302 = arith.addi %add3A_301, %mul3A_300 : i32
      "tpu.region"() ({
        %run_scoped3A = tpu.sem_alloc : memref<!tpu.dma_semaphore, #tpu.memory_space<semaphore_mem>>
        %dma_start3A = arith.constant 0 : i32
        %dma_start3A_303 = tpu.memref_slice %arg4[%add3A_302, %dma_start3A] : memref<80x128xi32, #tpu.memory_space<vmem>> -> memref<1x128xi32, #tpu.memory_space<vmem>>
        %dma_start3A_304 = tpu.memref_squeeze %dma_start3A_303 : memref<1x128xi32, #tpu.memory_space<vmem>> -> memref<128xi32, #tpu.memory_space<vmem>>
        %dma_start3A_305 = arith.constant 0 : i32
        %dma_start3A_306 = tpu.memref_slice %arg7[%dma_start3A_305] : memref<10240xf32, #tpu.memory_space<vmem_shared>> -> memref<10240xf32, #tpu.memory_space<vmem_shared>>
        tpu.enqueue_indirect_dma source(%arg5 : memref<128xf32, #tpu.memory_space<vmem>>) target(%dma_start3A_306 : memref<10240xf32, #tpu.memory_space<vmem_shared>>) offsets(%dma_start3A_304 : memref<128xi32, #tpu.memory_space<vmem>>) semaphore(%run_scoped3A : memref<!tpu.dma_semaphore, #tpu.memory_space<semaphore_mem>>) {add = true}
        %dma_wait3A = arith.constant 0 : i32
        %dma_wait3A_307 = tpu.memref_slice %arg4[%add3A_302, %dma_wait3A] : memref<80x128xi32, #tpu.memory_space<vmem>> -> memref<1x128xi32, #tpu.memory_space<vmem>>
        %dma_wait3A_308 = tpu.memref_squeeze %dma_wait3A_307 : memref<1x128xi32, #tpu.memory_space<vmem>> -> memref<128xi32, #tpu.memory_space<vmem>>
        %dma_wait3A_309 = arith.constant 0 : i32
        %dma_wait3A_310 = tpu.memref_slice %arg7[%dma_wait3A_309] : memref<10240xf32, #tpu.memory_space<vmem_shared>> -> memref<10240xf32, #tpu.memory_space<vmem_shared>>
        tpu.wait_indirect_dma semaphore(%run_scoped3A : memref<!tpu.dma_semaphore, #tpu.memory_space<semaphore_mem>>) src(%arg5 : memref<128xf32, #tpu.memory_space<vmem>>) dst(%dma_wait3A_310 : memref<10240xf32, #tpu.memory_space<vmem_shared>>)
        tpu.yield
      }) : () -> ()
    }
    %scan3A_292 = arith.constant 80 : i32
    %barrier3A_293 = arith.constant 0 : index
    tpu.barrier barrier_id(%barrier3A_293)
    %mul3A_294 = arith.constant 640 : i32
    %mul3A_295 = arith.muli %arg1, %mul3A_294 : i32
    %mul3A_296 = arith.constant 640 : i32
    %mul3A_297 = arith.muli %arg1, %mul3A_296 : i32
    "tpu.region"() ({
      %run_scoped3A = tpu.sem_alloc : memref<!tpu.dma_semaphore, #tpu.memory_space<semaphore_mem>>
      %dma_start3A = tpu.memref_slice %arg3[%arg0, %mul3A_297] : memref<2x10240xf32, #tpu.memory_space<hbm>> -> memref<1x640xf32, #tpu.memory_space<hbm>>
      %dma_start3A_298 = tpu.memref_squeeze %dma_start3A : memref<1x640xf32, #tpu.memory_space<hbm>> -> memref<640xf32, #tpu.memory_space<hbm>>
      %dma_start3A_299 = tpu.memref_slice %arg7[%mul3A_295] : memref<10240xf32, #tpu.memory_space<vmem_shared>> -> memref<640xf32, #tpu.memory_space<vmem_shared>>
      tpu.enqueue_dma source(%dma_start3A_299 : memref<640xf32, #tpu.memory_space<vmem_shared>>) target(%dma_start3A_298 : memref<640xf32, #tpu.memory_space<hbm>>) target_semaphore(%run_scoped3A : memref<!tpu.dma_semaphore, #tpu.memory_space<semaphore_mem>>)
      %dma_wait3A = tpu.memref_slice %arg3[%arg0, %mul3A_297] : memref<2x10240xf32, #tpu.memory_space<hbm>> -> memref<1x640xf32, #tpu.memory_space<hbm>>
      %dma_wait3A_300 = tpu.memref_squeeze %dma_wait3A : memref<1x640xf32, #tpu.memory_space<hbm>> -> memref<640xf32, #tpu.memory_space<hbm>>
      %dma_wait3A_301 = tpu.memref_slice %arg7[%mul3A_295] : memref<10240xf32, #tpu.memory_space<vmem_shared>> -> memref<640xf32, #tpu.memory_space<vmem_shared>>
      tpu.wait_dma2 semaphore(%run_scoped3A : memref<!tpu.dma_semaphore, #tpu.memory_space<semaphore_mem>>) src(%dma_wait3A_301 : memref<640xf32, #tpu.memory_space<vmem_shared>>) dst(%dma_wait3A_300 : memref<640xf32, #tpu.memory_space<hbm>>)
      tpu.yield
    }) : () -> ()
    return
  }
}

#map = affine_map<(d0, d1) -> (0, 0)>
#map1 = affine_map<(d0, d1) -> (0, 0, 0)>
module attributes {stable_mosaic.version = 14 : i64} {
  func.func @_sc_scatter(%arg0: i32, %arg1: i32, %arg2: memref<10000x128xf32, #tpu.memory_space<hbm>>, %arg3: memref<32x80x128xi32, #tpu.memory_space<hbm>>, %arg4: memref<32x80x128xi32, #tpu.memory_space<hbm>>, %arg5: memref<10112x128xf32, #tpu.memory_space<hbm>>, %arg6: memref<2x10112x128xf32, #tpu.memory_space<hbm>>, %arg7: memref<40x128xi32, #tpu.memory_space<vmem>>, %arg8: memref<40x128xi32, #tpu.memory_space<vmem>>, %arg9: memref<2x128x128xf32, #tpu.memory_space<vmem>>, %arg10: memref<10112x128xf32, #tpu.memory_space<vmem_shared>>, %arg11: memref<!tpu.dma_semaphore, #tpu.memory_space<semaphore_mem>>, %arg12: memref<!tpu.dma_semaphore, #tpu.memory_space<semaphore_mem>>) attributes {dimension_semantics = [#tpu.dimension_semantics<core_parallel>, #tpu.dimension_semantics<subcore_parallel>], iteration_bounds = array<i64: 2, 16>, scalar_prefetch = 0 : i64, scratch_operands = 6 : i64, tpu.core_type = #tpu.core_type<sc_vector_subcore>, window_params = [{transform_indices = #map}, {transform_indices = #map1}, {transform_indices = #map1}, {transform_indices = #map}, {transform_indices = #map1}]} {
    %mul3A = arith.constant 16 : i32
    %mul3A_0 = arith.muli %arg0, %mul3A : i32
    %add3A = arith.addi %mul3A_0, %arg1 : i32
    %mul3A_1 = arith.constant 632 : i32
    %mul3A_2 = arith.muli %arg1, %mul3A_1 : i32
    %mul3A_3 = arith.constant 632 : i32
    %mul3A_4 = arith.muli %arg1, %mul3A_3 : i32
    "tpu.region"() ({
      %run_scoped3A_120 = tpu.sem_alloc : memref<!tpu.dma_semaphore, #tpu.memory_space<semaphore_mem>>
      %dma_start3A_121 = arith.constant 0 : i32
      %dma_start3A_122 = tpu.memref_slice %arg10[%mul3A_4, %dma_start3A_121] : memref<10112x128xf32, #tpu.memory_space<vmem_shared>> -> memref<632x128xf32, #tpu.memory_space<vmem_shared>>
      %dma_start3A_123 = arith.constant 0 : i32
      %dma_start3A_124 = tpu.memref_slice %arg5[%mul3A_2, %dma_start3A_123] : memref<10112x128xf32, #tpu.memory_space<hbm>> -> memref<632x128xf32, #tpu.memory_space<hbm>>
      tpu.enqueue_dma source(%dma_start3A_124 : memref<632x128xf32, #tpu.memory_space<hbm>>) target(%dma_start3A_122 : memref<632x128xf32, #tpu.memory_space<vmem_shared>>) target_semaphore(%run_scoped3A_120 : memref<!tpu.dma_semaphore, #tpu.memory_space<semaphore_mem>>)
      %dma_wait3A_125 = arith.constant 0 : i32
      %dma_wait3A_126 = tpu.memref_slice %arg10[%mul3A_4, %dma_wait3A_125] : memref<10112x128xf32, #tpu.memory_space<vmem_shared>> -> memref<632x128xf32, #tpu.memory_space<vmem_shared>>
      %dma_wait3A_127 = arith.constant 0 : i32
      %dma_wait3A_128 = tpu.memref_slice %arg5[%mul3A_2, %dma_wait3A_127] : memref<10112x128xf32, #tpu.memory_space<hbm>> -> memref<632x128xf32, #tpu.memory_space<hbm>>
      tpu.wait_dma2 semaphore(%run_scoped3A_120 : memref<!tpu.dma_semaphore, #tpu.memory_space<semaphore_mem>>) src(%dma_wait3A_128 : memref<632x128xf32, #tpu.memory_space<hbm>>) dst(%dma_wait3A_126 : memref<632x128xf32, #tpu.memory_space<vmem_shared>>)
      tpu.yield
    }) : () -> ()
    %barrier3A = arith.constant 0 : index
    tpu.barrier barrier_id(%barrier3A)
    "tpu.region"() ({
      %run_scoped3A_120 = tpu.sem_alloc : memref<!tpu.dma_semaphore, #tpu.memory_space<semaphore_mem>>
      %dma_start3A_121 = arith.constant 0 : i32
      %dma_start3A_122 = arith.constant 0 : i32
      %dma_start3A_123 = tpu.memref_slice %arg3[%add3A, %dma_start3A_121, %dma_start3A_122] : memref<32x80x128xi32, #tpu.memory_space<hbm>> -> memref<1x40x128xi32, #tpu.memory_space<hbm>>
      %dma_start3A_124 = tpu.memref_squeeze %dma_start3A_123 : memref<1x40x128xi32, #tpu.memory_space<hbm>> -> memref<40x128xi32, #tpu.memory_space<hbm>>
      %dma_start3A_125 = arith.constant 0 : i32
      %dma_start3A_126 = arith.constant 0 : i32
      %dma_start3A_127 = tpu.memref_slice %arg3[%add3A, %dma_start3A_125, %dma_start3A_126] : memref<32x80x128xi32, #tpu.memory_space<hbm>> -> memref<1x40x128xi32, #tpu.memory_space<hbm>>
      %dma_start3A_128 = tpu.memref_squeeze %dma_start3A_127 : memref<1x40x128xi32, #tpu.memory_space<hbm>> -> memref<40x128xi32, #tpu.memory_space<hbm>>
      tpu.enqueue_dma source(%dma_start3A_128 : memref<40x128xi32, #tpu.memory_space<hbm>>) target(%arg7 : memref<40x128xi32, #tpu.memory_space<vmem>>) target_semaphore(%run_scoped3A_120 : memref<!tpu.dma_semaphore, #tpu.memory_space<semaphore_mem>>)
      %dma_wait3A_129 = arith.constant 0 : i32
      %dma_wait3A_130 = arith.constant 0 : i32
      %dma_wait3A_131 = tpu.memref_slice %arg3[%add3A, %dma_wait3A_129, %dma_wait3A_130] : memref<32x80x128xi32, #tpu.memory_space<hbm>> -> memref<1x40x128xi32, #tpu.memory_space<hbm>>
      %dma_wait3A_132 = tpu.memref_squeeze %dma_wait3A_131 : memref<1x40x128xi32, #tpu.memory_space<hbm>> -> memref<40x128xi32, #tpu.memory_space<hbm>>
      %dma_wait3A_133 = arith.constant 0 : i32
      %dma_wait3A_134 = arith.constant 0 : i32
      %dma_wait3A_135 = tpu.memref_slice %arg3[%add3A, %dma_wait3A_133, %dma_wait3A_134] : memref<32x80x128xi32, #tpu.memory_space<hbm>> -> memref<1x40x128xi32, #tpu.memory_space<hbm>>
      %dma_wait3A_136 = tpu.memref_squeeze %dma_wait3A_135 : memref<1x40x128xi32, #tpu.memory_space<hbm>> -> memref<40x128xi32, #tpu.memory_space<hbm>>
      tpu.wait_dma2 semaphore(%run_scoped3A_120 : memref<!tpu.dma_semaphore, #tpu.memory_space<semaphore_mem>>) src(%dma_wait3A_136 : memref<40x128xi32, #tpu.memory_space<hbm>>) dst(%arg7 : memref<40x128xi32, #tpu.memory_space<vmem>>)
      tpu.yield
    }) : () -> ()
    "tpu.region"() ({
      %run_scoped3A_120 = tpu.sem_alloc : memref<!tpu.dma_semaphore, #tpu.memory_space<semaphore_mem>>
      %dma_start3A_121 = arith.constant 0 : i32
      %dma_start3A_122 = arith.constant 0 : i32
      %dma_start3A_123 = tpu.memref_slice %arg4[%add3A, %dma_start3A_121, %dma_start3A_122] : memref<32x80x128xi32, #tpu.memory_space<hbm>> -> memref<1x40x128xi32, #tpu.memory_space<hbm>>
      %dma_start3A_124 = tpu.memref_squeeze %dma_start3A_123 : memref<1x40x128xi32, #tpu.memory_space<hbm>> -> memref<40x128xi32, #tpu.memory_space<hbm>>
      %dma_start3A_125 = arith.constant 0 : i32
      %dma_start3A_126 = arith.constant 0 : i32
      %dma_start3A_127 = tpu.memref_slice %arg4[%add3A, %dma_start3A_125, %dma_start3A_126] : memref<32x80x128xi32, #tpu.memory_space<hbm>> -> memref<1x40x128xi32, #tpu.memory_space<hbm>>
      %dma_start3A_128 = tpu.memref_squeeze %dma_start3A_127 : memref<1x40x128xi32, #tpu.memory_space<hbm>> -> memref<40x128xi32, #tpu.memory_space<hbm>>
      tpu.enqueue_dma source(%dma_start3A_128 : memref<40x128xi32, #tpu.memory_space<hbm>>) target(%arg8 : memref<40x128xi32, #tpu.memory_space<vmem>>) target_semaphore(%run_scoped3A_120 : memref<!tpu.dma_semaphore, #tpu.memory_space<semaphore_mem>>)
      %dma_wait3A_129 = arith.constant 0 : i32
      %dma_wait3A_130 = arith.constant 0 : i32
      %dma_wait3A_131 = tpu.memref_slice %arg4[%add3A, %dma_wait3A_129, %dma_wait3A_130] : memref<32x80x128xi32, #tpu.memory_space<hbm>> -> memref<1x40x128xi32, #tpu.memory_space<hbm>>
      %dma_wait3A_132 = tpu.memref_squeeze %dma_wait3A_131 : memref<1x40x128xi32, #tpu.memory_space<hbm>> -> memref<40x128xi32, #tpu.memory_space<hbm>>
      %dma_wait3A_133 = arith.constant 0 : i32
      %dma_wait3A_134 = arith.constant 0 : i32
      %dma_wait3A_135 = tpu.memref_slice %arg4[%add3A, %dma_wait3A_133, %dma_wait3A_134] : memref<32x80x128xi32, #tpu.memory_space<hbm>> -> memref<1x40x128xi32, #tpu.memory_space<hbm>>
      %dma_wait3A_136 = tpu.memref_squeeze %dma_wait3A_135 : memref<1x40x128xi32, #tpu.memory_space<hbm>> -> memref<40x128xi32, #tpu.memory_space<hbm>>
      tpu.wait_dma2 semaphore(%run_scoped3A_120 : memref<!tpu.dma_semaphore, #tpu.memory_space<semaphore_mem>>) src(%dma_wait3A_136 : memref<40x128xi32, #tpu.memory_space<hbm>>) dst(%arg8 : memref<40x128xi32, #tpu.memory_space<vmem>>)
      tpu.yield
    }) : () -> ()
    %dma_start3A = arith.constant 0 : i32
    %dma_start3A_5 = arith.constant 0 : i32
    %dma_start3A_6 = arith.constant 0 : i32
    %dma_start3A_7 = arith.constant 0 : i32
    %dma_start3A_8 = tpu.memref_slice %arg9[%dma_start3A_5, %dma_start3A_6, %dma_start3A_7] : memref<2x128x128xf32, #tpu.memory_space<vmem>> -> memref<1x128x128xf32, #tpu.memory_space<vmem>>
    %dma_start3A_9 = tpu.memref_squeeze %dma_start3A_8 : memref<1x128x128xf32, #tpu.memory_space<vmem>> -> memref<128x128xf32, #tpu.memory_space<vmem>>
    %dma_start3A_10 = arith.constant 0 : i32
    %dma_start3A_11 = tpu.memref_slice %arg7[%dma_start3A, %dma_start3A_10] : memref<40x128xi32, #tpu.memory_space<vmem>> -> memref<1x128xi32, #tpu.memory_space<vmem>>
    %dma_start3A_12 = tpu.memref_squeeze %dma_start3A_11 : memref<1x128xi32, #tpu.memory_space<vmem>> -> memref<128xi32, #tpu.memory_space<vmem>>
    %dma_start3A_13 = arith.constant 0 : i32
    %dma_start3A_14 = arith.constant 0 : i32
    %dma_start3A_15 = tpu.memref_slice %arg2[%dma_start3A_13, %dma_start3A_14] : memref<10000x128xf32, #tpu.memory_space<hbm>> -> memref<10000x128xf32, #tpu.memory_space<hbm>>
    tpu.enqueue_indirect_dma source(%dma_start3A_15 : memref<10000x128xf32, #tpu.memory_space<hbm>>) target(%dma_start3A_9 : memref<128x128xf32, #tpu.memory_space<vmem>>) offsets(%dma_start3A_12 : memref<128xi32, #tpu.memory_space<vmem>>) semaphore(%arg11 : memref<!tpu.dma_semaphore, #tpu.memory_space<semaphore_mem>>)
    %dma_start3A_16 = arith.constant 1 : i32
    %dma_start3A_17 = arith.constant 1 : i32
    %dma_start3A_18 = arith.constant 0 : i32
    %dma_start3A_19 = arith.constant 0 : i32
    %dma_start3A_20 = tpu.memref_slice %arg9[%dma_start3A_17, %dma_start3A_18, %dma_start3A_19] : memref<2x128x128xf32, #tpu.memory_space<vmem>> -> memref<1x128x128xf32, #tpu.memory_space<vmem>>
    %dma_start3A_21 = tpu.memref_squeeze %dma_start3A_20 : memref<1x128x128xf32, #tpu.memory_space<vmem>> -> memref<128x128xf32, #tpu.memory_space<vmem>>
    %dma_start3A_22 = arith.constant 0 : i32
    %dma_start3A_23 = tpu.memref_slice %arg7[%dma_start3A_16, %dma_start3A_22] : memref<40x128xi32, #tpu.memory_space<vmem>> -> memref<1x128xi32, #tpu.memory_space<vmem>>
    %dma_start3A_24 = tpu.memref_squeeze %dma_start3A_23 : memref<1x128xi32, #tpu.memory_space<vmem>> -> memref<128xi32, #tpu.memory_space<vmem>>
    %dma_start3A_25 = arith.constant 0 : i32
    %dma_start3A_26 = arith.constant 0 : i32
    %dma_start3A_27 = tpu.memref_slice %arg2[%dma_start3A_25, %dma_start3A_26] : memref<10000x128xf32, #tpu.memory_space<hbm>> -> memref<10000x128xf32, #tpu.memory_space<hbm>>
    tpu.enqueue_indirect_dma source(%dma_start3A_27 : memref<10000x128xf32, #tpu.memory_space<hbm>>) target(%dma_start3A_21 : memref<128x128xf32, #tpu.memory_space<vmem>>) offsets(%dma_start3A_24 : memref<128xi32, #tpu.memory_space<vmem>>) semaphore(%arg12 : memref<!tpu.dma_semaphore, #tpu.memory_space<semaphore_mem>>)
    %scan3A = arith.constant 0 : i32
    %scan3A_28 = arith.constant 19 : i32
    %scan3A_29 = arith.addi %scan3A, %scan3A_28 : i32
    %scan3A_30 = arith.constant 1 : i32
    scf.for %scan3A_120 = %scan3A to %scan3A_29 step %scan3A_30  : i32 {
      %mul3A_121 = arith.constant 2 : i32
      %mul3A_122 = arith.muli %scan3A_120, %mul3A_121 : i32
      %add3A_123 = arith.constant 0 : i32
      %add3A_124 = arith.addi %add3A_123, %mul3A_122 : i32
      %add3A_125 = arith.constant 0 : i32
      %add3A_126 = arith.addi %add3A_124, %add3A_125 : i32
      %dma_wait3A_127 = arith.constant 0 : i32
      %dma_wait3A_128 = arith.constant 0 : i32
      %dma_wait3A_129 = arith.constant 0 : i32
      %dma_wait3A_130 = tpu.memref_slice %arg9[%dma_wait3A_127, %dma_wait3A_128, %dma_wait3A_129] : memref<2x128x128xf32, #tpu.memory_space<vmem>> -> memref<1x128x128xf32, #tpu.memory_space<vmem>>
      %dma_wait3A_131 = tpu.memref_squeeze %dma_wait3A_130 : memref<1x128x128xf32, #tpu.memory_space<vmem>> -> memref<128x128xf32, #tpu.memory_space<vmem>>
      %dma_wait3A_132 = arith.constant 0 : i32
      %dma_wait3A_133 = tpu.memref_slice %arg7[%add3A_126, %dma_wait3A_132] : memref<40x128xi32, #tpu.memory_space<vmem>> -> memref<1x128xi32, #tpu.memory_space<vmem>>
      %dma_wait3A_134 = tpu.memref_squeeze %dma_wait3A_133 : memref<1x128xi32, #tpu.memory_space<vmem>> -> memref<128xi32, #tpu.memory_space<vmem>>
      %dma_wait3A_135 = arith.constant 0 : i32
      %dma_wait3A_136 = arith.constant 0 : i32
      %dma_wait3A_137 = tpu.memref_slice %arg2[%dma_wait3A_135, %dma_wait3A_136] : memref<10000x128xf32, #tpu.memory_space<hbm>> -> memref<10000x128xf32, #tpu.memory_space<hbm>>
      tpu.wait_indirect_dma semaphore(%arg11 : memref<!tpu.dma_semaphore, #tpu.memory_space<semaphore_mem>>) src(%dma_wait3A_137 : memref<10000x128xf32, #tpu.memory_space<hbm>>) dst(%dma_wait3A_131 : memref<128x128xf32, #tpu.memory_space<vmem>>)
      %add3A_138 = arith.constant 0 : i32
      %add3A_139 = arith.addi %add3A_124, %add3A_138 : i32
      %run_scoped3A_140 = arith.constant 0 : i32
      "tpu.region"() ({
        %run_scoped3A_187 = tpu.sem_alloc : memref<!tpu.dma_semaphore, #tpu.memory_space<semaphore_mem>>
        %dma_start3A_188 = arith.constant 0 : i32
        %dma_start3A_189 = arith.constant 0 : i32
        %dma_start3A_190 = tpu.memref_slice %arg9[%run_scoped3A_140, %dma_start3A_188, %dma_start3A_189] : memref<2x128x128xf32, #tpu.memory_space<vmem>> -> memref<1x128x128xf32, #tpu.memory_space<vmem>>
        %dma_start3A_191 = tpu.memref_squeeze %dma_start3A_190 : memref<1x128x128xf32, #tpu.memory_space<vmem>> -> memref<128x128xf32, #tpu.memory_space<vmem>>
        %dma_start3A_192 = arith.constant 0 : i32
        %dma_start3A_193 = tpu.memref_slice %arg8[%add3A_139, %dma_start3A_192] : memref<40x128xi32, #tpu.memory_space<vmem>> -> memref<1x128xi32, #tpu.memory_space<vmem>>
        %dma_start3A_194 = tpu.memref_squeeze %dma_start3A_193 : memref<1x128xi32, #tpu.memory_space<vmem>> -> memref<128xi32, #tpu.memory_space<vmem>>
        %dma_start3A_195 = arith.constant 0 : i32
        %dma_start3A_196 = arith.constant 0 : i32
        %dma_start3A_197 = tpu.memref_slice %arg10[%dma_start3A_195, %dma_start3A_196] : memref<10112x128xf32, #tpu.memory_space<vmem_shared>> -> memref<10112x128xf32, #tpu.memory_space<vmem_shared>>
        tpu.enqueue_indirect_dma source(%dma_start3A_191 : memref<128x128xf32, #tpu.memory_space<vmem>>) target(%dma_start3A_197 : memref<10112x128xf32, #tpu.memory_space<vmem_shared>>) offsets(%dma_start3A_194 : memref<128xi32, #tpu.memory_space<vmem>>) semaphore(%run_scoped3A_187 : memref<!tpu.dma_semaphore, #tpu.memory_space<semaphore_mem>>) {add = true}
        %dma_wait3A_198 = arith.constant 0 : i32
        %dma_wait3A_199 = arith.constant 0 : i32
        %dma_wait3A_200 = tpu.memref_slice %arg9[%run_scoped3A_140, %dma_wait3A_198, %dma_wait3A_199] : memref<2x128x128xf32, #tpu.memory_space<vmem>> -> memref<1x128x128xf32, #tpu.memory_space<vmem>>
        %dma_wait3A_201 = tpu.memref_squeeze %dma_wait3A_200 : memref<1x128x128xf32, #tpu.memory_space<vmem>> -> memref<128x128xf32, #tpu.memory_space<vmem>>
        %dma_wait3A_202 = arith.constant 0 : i32
        %dma_wait3A_203 = tpu.memref_slice %arg8[%add3A_139, %dma_wait3A_202] : memref<40x128xi32, #tpu.memory_space<vmem>> -> memref<1x128xi32, #tpu.memory_space<vmem>>
        %dma_wait3A_204 = tpu.memref_squeeze %dma_wait3A_203 : memref<1x128xi32, #tpu.memory_space<vmem>> -> memref<128xi32, #tpu.memory_space<vmem>>
        %dma_wait3A_205 = arith.constant 0 : i32
        %dma_wait3A_206 = arith.constant 0 : i32
        %dma_wait3A_207 = tpu.memref_slice %arg10[%dma_wait3A_205, %dma_wait3A_206] : memref<10112x128xf32, #tpu.memory_space<vmem_shared>> -> memref<10112x128xf32, #tpu.memory_space<vmem_shared>>
        tpu.wait_indirect_dma semaphore(%run_scoped3A_187 : memref<!tpu.dma_semaphore, #tpu.memory_space<semaphore_mem>>) src(%dma_wait3A_201 : memref<128x128xf32, #tpu.memory_space<vmem>>) dst(%dma_wait3A_207 : memref<10112x128xf32, #tpu.memory_space<vmem_shared>>)
        tpu.yield
      }) : () -> ()
      %add3A_141 = arith.constant 0 : i32
      %add3A_142 = arith.addi %add3A_124, %add3A_141 : i32
      %add3A_143 = arith.constant 2 : i32
      %add3A_144 = arith.addi %add3A_142, %add3A_143 : i32
      %dma_start3A_145 = arith.constant 0 : i32
      %dma_start3A_146 = arith.constant 0 : i32
      %dma_start3A_147 = arith.constant 0 : i32
      %dma_start3A_148 = tpu.memref_slice %arg9[%dma_start3A_145, %dma_start3A_146, %dma_start3A_147] : memref<2x128x128xf32, #tpu.memory_space<vmem>> -> memref<1x128x128xf32, #tpu.memory_space<vmem>>
      %dma_start3A_149 = tpu.memref_squeeze %dma_start3A_148 : memref<1x128x128xf32, #tpu.memory_space<vmem>> -> memref<128x128xf32, #tpu.memory_space<vmem>>
      %dma_start3A_150 = arith.constant 0 : i32
      %dma_start3A_151 = tpu.memref_slice %arg7[%add3A_144, %dma_start3A_150] : memref<40x128xi32, #tpu.memory_space<vmem>> -> memref<1x128xi32, #tpu.memory_space<vmem>>
      %dma_start3A_152 = tpu.memref_squeeze %dma_start3A_151 : memref<1x128xi32, #tpu.memory_space<vmem>> -> memref<128xi32, #tpu.memory_space<vmem>>
      %dma_start3A_153 = arith.constant 0 : i32
      %dma_start3A_154 = arith.constant 0 : i32
      %dma_start3A_155 = tpu.memref_slice %arg2[%dma_start3A_153, %dma_start3A_154] : memref<10000x128xf32, #tpu.memory_space<hbm>> -> memref<10000x128xf32, #tpu.memory_space<hbm>>
      tpu.enqueue_indirect_dma source(%dma_start3A_155 : memref<10000x128xf32, #tpu.memory_space<hbm>>) target(%dma_start3A_149 : memref<128x128xf32, #tpu.memory_space<vmem>>) offsets(%dma_start3A_152 : memref<128xi32, #tpu.memory_space<vmem>>) semaphore(%arg11 : memref<!tpu.dma_semaphore, #tpu.memory_space<semaphore_mem>>)
      %add3A_156 = arith.constant 1 : i32
      %add3A_157 = arith.addi %add3A_124, %add3A_156 : i32
      %dma_wait3A_158 = arith.constant 1 : i32
      %dma_wait3A_159 = arith.constant 0 : i32
      %dma_wait3A_160 = arith.constant 0 : i32
      %dma_wait3A_161 = tpu.memref_slice %arg9[%dma_wait3A_158, %dma_wait3A_159, %dma_wait3A_160] : memref<2x128x128xf32, #tpu.memory_space<vmem>> -> memref<1x128x128xf32, #tpu.memory_space<vmem>>
      %dma_wait3A_162 = tpu.memref_squeeze %dma_wait3A_161 : memref<1x128x128xf32, #tpu.memory_space<vmem>> -> memref<128x128xf32, #tpu.memory_space<vmem>>
      %dma_wait3A_163 = arith.constant 0 : i32
      %dma_wait3A_164 = tpu.memref_slice %arg7[%add3A_157, %dma_wait3A_163] : memref<40x128xi32, #tpu.memory_space<vmem>> -> memref<1x128xi32, #tpu.memory_space<vmem>>
      %dma_wait3A_165 = tpu.memref_squeeze %dma_wait3A_164 : memref<1x128xi32, #tpu.memory_space<vmem>> -> memref<128xi32, #tpu.memory_space<vmem>>
      %dma_wait3A_166 = arith.constant 0 : i32
      %dma_wait3A_167 = arith.constant 0 : i32
      %dma_wait3A_168 = tpu.memref_slice %arg2[%dma_wait3A_166, %dma_wait3A_167] : memref<10000x128xf32, #tpu.memory_space<hbm>> -> memref<10000x128xf32, #tpu.memory_space<hbm>>
      tpu.wait_indirect_dma semaphore(%arg12 : memref<!tpu.dma_semaphore, #tpu.memory_space<semaphore_mem>>) src(%dma_wait3A_168 : memref<10000x128xf32, #tpu.memory_space<hbm>>) dst(%dma_wait3A_162 : memref<128x128xf32, #tpu.memory_space<vmem>>)
      %add3A_169 = arith.constant 1 : i32
      %add3A_170 = arith.addi %add3A_124, %add3A_169 : i32
      %run_scoped3A_171 = arith.constant 1 : i32
      "tpu.region"() ({
        %run_scoped3A_187 = tpu.sem_alloc : memref<!tpu.dma_semaphore, #tpu.memory_space<semaphore_mem>>
        %dma_start3A_188 = arith.constant 0 : i32
        %dma_start3A_189 = arith.constant 0 : i32
        %dma_start3A_190 = tpu.memref_slice %arg9[%run_scoped3A_171, %dma_start3A_188, %dma_start3A_189] : memref<2x128x128xf32, #tpu.memory_space<vmem>> -> memref<1x128x128xf32, #tpu.memory_space<vmem>>
        %dma_start3A_191 = tpu.memref_squeeze %dma_start3A_190 : memref<1x128x128xf32, #tpu.memory_space<vmem>> -> memref<128x128xf32, #tpu.memory_space<vmem>>
        %dma_start3A_192 = arith.constant 0 : i32
        %dma_start3A_193 = tpu.memref_slice %arg8[%add3A_170, %dma_start3A_192] : memref<40x128xi32, #tpu.memory_space<vmem>> -> memref<1x128xi32, #tpu.memory_space<vmem>>
        %dma_start3A_194 = tpu.memref_squeeze %dma_start3A_193 : memref<1x128xi32, #tpu.memory_space<vmem>> -> memref<128xi32, #tpu.memory_space<vmem>>
        %dma_start3A_195 = arith.constant 0 : i32
        %dma_start3A_196 = arith.constant 0 : i32
        %dma_start3A_197 = tpu.memref_slice %arg10[%dma_start3A_195, %dma_start3A_196] : memref<10112x128xf32, #tpu.memory_space<vmem_shared>> -> memref<10112x128xf32, #tpu.memory_space<vmem_shared>>
        tpu.enqueue_indirect_dma source(%dma_start3A_191 : memref<128x128xf32, #tpu.memory_space<vmem>>) target(%dma_start3A_197 : memref<10112x128xf32, #tpu.memory_space<vmem_shared>>) offsets(%dma_start3A_194 : memref<128xi32, #tpu.memory_space<vmem>>) semaphore(%run_scoped3A_187 : memref<!tpu.dma_semaphore, #tpu.memory_space<semaphore_mem>>) {add = true}
        %dma_wait3A_198 = arith.constant 0 : i32
        %dma_wait3A_199 = arith.constant 0 : i32
        %dma_wait3A_200 = tpu.memref_slice %arg9[%run_scoped3A_171, %dma_wait3A_198, %dma_wait3A_199] : memref<2x128x128xf32, #tpu.memory_space<vmem>> -> memref<1x128x128xf32, #tpu.memory_space<vmem>>
        %dma_wait3A_201 = tpu.memref_squeeze %dma_wait3A_200 : memref<1x128x128xf32, #tpu.memory_space<vmem>> -> memref<128x128xf32, #tpu.memory_space<vmem>>
        %dma_wait3A_202 = arith.constant 0 : i32
        %dma_wait3A_203 = tpu.memref_slice %arg8[%add3A_170, %dma_wait3A_202] : memref<40x128xi32, #tpu.memory_space<vmem>> -> memref<1x128xi32, #tpu.memory_space<vmem>>
        %dma_wait3A_204 = tpu.memref_squeeze %dma_wait3A_203 : memref<1x128xi32, #tpu.memory_space<vmem>> -> memref<128xi32, #tpu.memory_space<vmem>>
        %dma_wait3A_205 = arith.constant 0 : i32
        %dma_wait3A_206 = arith.constant 0 : i32
        %dma_wait3A_207 = tpu.memref_slice %arg10[%dma_wait3A_205, %dma_wait3A_206] : memref<10112x128xf32, #tpu.memory_space<vmem_shared>> -> memref<10112x128xf32, #tpu.memory_space<vmem_shared>>
        tpu.wait_indirect_dma semaphore(%run_scoped3A_187 : memref<!tpu.dma_semaphore, #tpu.memory_space<semaphore_mem>>) src(%dma_wait3A_201 : memref<128x128xf32, #tpu.memory_space<vmem>>) dst(%dma_wait3A_207 : memref<10112x128xf32, #tpu.memory_space<vmem_shared>>)
        tpu.yield
      }) : () -> ()
      %add3A_172 = arith.constant 1 : i32
      %add3A_173 = arith.addi %add3A_124, %add3A_172 : i32
      %add3A_174 = arith.constant 2 : i32
      %add3A_175 = arith.addi %add3A_173, %add3A_174 : i32
      %dma_start3A_176 = arith.constant 1 : i32
      %dma_start3A_177 = arith.constant 0 : i32
      %dma_start3A_178 = arith.constant 0 : i32
      %dma_start3A_179 = tpu.memref_slice %arg9[%dma_start3A_176, %dma_start3A_177, %dma_start3A_178] : memref<2x128x128xf32, #tpu.memory_space<vmem>> -> memref<1x128x128xf32, #tpu.memory_space<vmem>>
      %dma_start3A_180 = tpu.memref_squeeze %dma_start3A_179 : memref<1x128x128xf32, #tpu.memory_space<vmem>> -> memref<128x128xf32, #tpu.memory_space<vmem>>
      %dma_start3A_181 = arith.constant 0 : i32
      %dma_start3A_182 = tpu.memref_slice %arg7[%add3A_175, %dma_start3A_181] : memref<40x128xi32, #tpu.memory_space<vmem>> -> memref<1x128xi32, #tpu.memory_space<vmem>>
      %dma_start3A_183 = tpu.memref_squeeze %dma_start3A_182 : memref<1x128xi32, #tpu.memory_space<vmem>> -> memref<128xi32, #tpu.memory_space<vmem>>
      %dma_start3A_184 = arith.constant 0 : i32
      %dma_start3A_185 = arith.constant 0 : i32
      %dma_start3A_186 = tpu.memref_slice %arg2[%dma_start3A_184, %dma_start3A_185] : memref<10000x128xf32, #tpu.memory_space<hbm>> -> memref<10000x128xf32, #tpu.memory_space<hbm>>
      tpu.enqueue_indirect_dma source(%dma_start3A_186 : memref<10000x128xf32, #tpu.memory_space<hbm>>) target(%dma_start3A_180 : memref<128x128xf32, #tpu.memory_space<vmem>>) offsets(%dma_start3A_183 : memref<128xi32, #tpu.memory_space<vmem>>) semaphore(%arg12 : memref<!tpu.dma_semaphore, #tpu.memory_space<semaphore_mem>>)
    }
    %scan3A_31 = arith.constant 19 : i32
    %dma_wait3A = arith.constant 38 : i32
    %dma_wait3A_32 = arith.constant 0 : i32
    %dma_wait3A_33 = arith.constant 0 : i32
    %dma_wait3A_34 = arith.constant 0 : i32
    %dma_wait3A_35 = tpu.memref_slice %arg9[%dma_wait3A_32, %dma_wait3A_33, %dma_wait3A_34] : memref<2x128x128xf32, #tpu.memory_space<vmem>> -> memref<1x128x128xf32, #tpu.memory_space<vmem>>
    %dma_wait3A_36 = tpu.memref_squeeze %dma_wait3A_35 : memref<1x128x128xf32, #tpu.memory_space<vmem>> -> memref<128x128xf32, #tpu.memory_space<vmem>>
    %dma_wait3A_37 = arith.constant 0 : i32
    %dma_wait3A_38 = tpu.memref_slice %arg7[%dma_wait3A, %dma_wait3A_37] : memref<40x128xi32, #tpu.memory_space<vmem>> -> memref<1x128xi32, #tpu.memory_space<vmem>>
    %dma_wait3A_39 = tpu.memref_squeeze %dma_wait3A_38 : memref<1x128xi32, #tpu.memory_space<vmem>> -> memref<128xi32, #tpu.memory_space<vmem>>
    %dma_wait3A_40 = arith.constant 0 : i32
    %dma_wait3A_41 = arith.constant 0 : i32
    %dma_wait3A_42 = tpu.memref_slice %arg2[%dma_wait3A_40, %dma_wait3A_41] : memref<10000x128xf32, #tpu.memory_space<hbm>> -> memref<10000x128xf32, #tpu.memory_space<hbm>>
    tpu.wait_indirect_dma semaphore(%arg11 : memref<!tpu.dma_semaphore, #tpu.memory_space<semaphore_mem>>) src(%dma_wait3A_42 : memref<10000x128xf32, #tpu.memory_space<hbm>>) dst(%dma_wait3A_36 : memref<128x128xf32, #tpu.memory_space<vmem>>)
    %run_scoped3A = arith.constant 0 : i32
    %run_scoped3A_43 = arith.constant 38 : i32
    "tpu.region"() ({
      %run_scoped3A_120 = tpu.sem_alloc : memref<!tpu.dma_semaphore, #tpu.memory_space<semaphore_mem>>
      %dma_start3A_121 = arith.constant 0 : i32
      %dma_start3A_122 = arith.constant 0 : i32
      %dma_start3A_123 = tpu.memref_slice %arg9[%run_scoped3A, %dma_start3A_121, %dma_start3A_122] : memref<2x128x128xf32, #tpu.memory_space<vmem>> -> memref<1x128x128xf32, #tpu.memory_space<vmem>>
      %dma_start3A_124 = tpu.memref_squeeze %dma_start3A_123 : memref<1x128x128xf32, #tpu.memory_space<vmem>> -> memref<128x128xf32, #tpu.memory_space<vmem>>
      %dma_start3A_125 = arith.constant 0 : i32
      %dma_start3A_126 = tpu.memref_slice %arg8[%run_scoped3A_43, %dma_start3A_125] : memref<40x128xi32, #tpu.memory_space<vmem>> -> memref<1x128xi32, #tpu.memory_space<vmem>>
      %dma_start3A_127 = tpu.memref_squeeze %dma_start3A_126 : memref<1x128xi32, #tpu.memory_space<vmem>> -> memref<128xi32, #tpu.memory_space<vmem>>
      %dma_start3A_128 = arith.constant 0 : i32
      %dma_start3A_129 = arith.constant 0 : i32
      %dma_start3A_130 = tpu.memref_slice %arg10[%dma_start3A_128, %dma_start3A_129] : memref<10112x128xf32, #tpu.memory_space<vmem_shared>> -> memref<10112x128xf32, #tpu.memory_space<vmem_shared>>
      tpu.enqueue_indirect_dma source(%dma_start3A_124 : memref<128x128xf32, #tpu.memory_space<vmem>>) target(%dma_start3A_130 : memref<10112x128xf32, #tpu.memory_space<vmem_shared>>) offsets(%dma_start3A_127 : memref<128xi32, #tpu.memory_space<vmem>>) semaphore(%run_scoped3A_120 : memref<!tpu.dma_semaphore, #tpu.memory_space<semaphore_mem>>) {add = true}
      %dma_wait3A_131 = arith.constant 0 : i32
      %dma_wait3A_132 = arith.constant 0 : i32
      %dma_wait3A_133 = tpu.memref_slice %arg9[%run_scoped3A, %dma_wait3A_131, %dma_wait3A_132] : memref<2x128x128xf32, #tpu.memory_space<vmem>> -> memref<1x128x128xf32, #tpu.memory_space<vmem>>
      %dma_wait3A_134 = tpu.memref_squeeze %dma_wait3A_133 : memref<1x128x128xf32, #tpu.memory_space<vmem>> -> memref<128x128xf32, #tpu.memory_space<vmem>>
      %dma_wait3A_135 = arith.constant 0 : i32
      %dma_wait3A_136 = tpu.memref_slice %arg8[%run_scoped3A_43, %dma_wait3A_135] : memref<40x128xi32, #tpu.memory_space<vmem>> -> memref<1x128xi32, #tpu.memory_space<vmem>>
      %dma_wait3A_137 = tpu.memref_squeeze %dma_wait3A_136 : memref<1x128xi32, #tpu.memory_space<vmem>> -> memref<128xi32, #tpu.memory_space<vmem>>
      %dma_wait3A_138 = arith.constant 0 : i32
      %dma_wait3A_139 = arith.constant 0 : i32
      %dma_wait3A_140 = tpu.memref_slice %arg10[%dma_wait3A_138, %dma_wait3A_139] : memref<10112x128xf32, #tpu.memory_space<vmem_shared>> -> memref<10112x128xf32, #tpu.memory_space<vmem_shared>>
      tpu.wait_indirect_dma semaphore(%run_scoped3A_120 : memref<!tpu.dma_semaphore, #tpu.memory_space<semaphore_mem>>) src(%dma_wait3A_134 : memref<128x128xf32, #tpu.memory_space<vmem>>) dst(%dma_wait3A_140 : memref<10112x128xf32, #tpu.memory_space<vmem_shared>>)
      tpu.yield
    }) : () -> ()
    %dma_wait3A_44 = arith.constant 39 : i32
    %dma_wait3A_45 = arith.constant 1 : i32
    %dma_wait3A_46 = arith.constant 0 : i32
    %dma_wait3A_47 = arith.constant 0 : i32
    %dma_wait3A_48 = tpu.memref_slice %arg9[%dma_wait3A_45, %dma_wait3A_46, %dma_wait3A_47] : memref<2x128x128xf32, #tpu.memory_space<vmem>> -> memref<1x128x128xf32, #tpu.memory_space<vmem>>
    %dma_wait3A_49 = tpu.memref_squeeze %dma_wait3A_48 : memref<1x128x128xf32, #tpu.memory_space<vmem>> -> memref<128x128xf32, #tpu.memory_space<vmem>>
    %dma_wait3A_50 = arith.constant 0 : i32
    %dma_wait3A_51 = tpu.memref_slice %arg7[%dma_wait3A_44, %dma_wait3A_50] : memref<40x128xi32, #tpu.memory_space<vmem>> -> memref<1x128xi32, #tpu.memory_space<vmem>>
    %dma_wait3A_52 = tpu.memref_squeeze %dma_wait3A_51 : memref<1x128xi32, #tpu.memory_space<vmem>> -> memref<128xi32, #tpu.memory_space<vmem>>
    %dma_wait3A_53 = arith.constant 0 : i32
    %dma_wait3A_54 = arith.constant 0 : i32
    %dma_wait3A_55 = tpu.memref_slice %arg2[%dma_wait3A_53, %dma_wait3A_54] : memref<10000x128xf32, #tpu.memory_space<hbm>> -> memref<10000x128xf32, #tpu.memory_space<hbm>>
    tpu.wait_indirect_dma semaphore(%arg12 : memref<!tpu.dma_semaphore, #tpu.memory_space<semaphore_mem>>) src(%dma_wait3A_55 : memref<10000x128xf32, #tpu.memory_space<hbm>>) dst(%dma_wait3A_49 : memref<128x128xf32, #tpu.memory_space<vmem>>)
    %run_scoped3A_56 = arith.constant 1 : i32
    %run_scoped3A_57 = arith.constant 39 : i32
    "tpu.region"() ({
      %run_scoped3A_120 = tpu.sem_alloc : memref<!tpu.dma_semaphore, #tpu.memory_space<semaphore_mem>>
      %dma_start3A_121 = arith.constant 0 : i32
      %dma_start3A_122 = arith.constant 0 : i32
      %dma_start3A_123 = tpu.memref_slice %arg9[%run_scoped3A_56, %dma_start3A_121, %dma_start3A_122] : memref<2x128x128xf32, #tpu.memory_space<vmem>> -> memref<1x128x128xf32, #tpu.memory_space<vmem>>
      %dma_start3A_124 = tpu.memref_squeeze %dma_start3A_123 : memref<1x128x128xf32, #tpu.memory_space<vmem>> -> memref<128x128xf32, #tpu.memory_space<vmem>>
      %dma_start3A_125 = arith.constant 0 : i32
      %dma_start3A_126 = tpu.memref_slice %arg8[%run_scoped3A_57, %dma_start3A_125] : memref<40x128xi32, #tpu.memory_space<vmem>> -> memref<1x128xi32, #tpu.memory_space<vmem>>
      %dma_start3A_127 = tpu.memref_squeeze %dma_start3A_126 : memref<1x128xi32, #tpu.memory_space<vmem>> -> memref<128xi32, #tpu.memory_space<vmem>>
      %dma_start3A_128 = arith.constant 0 : i32
      %dma_start3A_129 = arith.constant 0 : i32
      %dma_start3A_130 = tpu.memref_slice %arg10[%dma_start3A_128, %dma_start3A_129] : memref<10112x128xf32, #tpu.memory_space<vmem_shared>> -> memref<10112x128xf32, #tpu.memory_space<vmem_shared>>
      tpu.enqueue_indirect_dma source(%dma_start3A_124 : memref<128x128xf32, #tpu.memory_space<vmem>>) target(%dma_start3A_130 : memref<10112x128xf32, #tpu.memory_space<vmem_shared>>) offsets(%dma_start3A_127 : memref<128xi32, #tpu.memory_space<vmem>>) semaphore(%run_scoped3A_120 : memref<!tpu.dma_semaphore, #tpu.memory_space<semaphore_mem>>) {add = true}
      %dma_wait3A_131 = arith.constant 0 : i32
      %dma_wait3A_132 = arith.constant 0 : i32
      %dma_wait3A_133 = tpu.memref_slice %arg9[%run_scoped3A_56, %dma_wait3A_131, %dma_wait3A_132] : memref<2x128x128xf32, #tpu.memory_space<vmem>> -> memref<1x128x128xf32, #tpu.memory_space<vmem>>
      %dma_wait3A_134 = tpu.memref_squeeze %dma_wait3A_133 : memref<1x128x128xf32, #tpu.memory_space<vmem>> -> memref<128x128xf32, #tpu.memory_space<vmem>>
      %dma_wait3A_135 = arith.constant 0 : i32
      %dma_wait3A_136 = tpu.memref_slice %arg8[%run_scoped3A_57, %dma_wait3A_135] : memref<40x128xi32, #tpu.memory_space<vmem>> -> memref<1x128xi32, #tpu.memory_space<vmem>>
      %dma_wait3A_137 = tpu.memref_squeeze %dma_wait3A_136 : memref<1x128xi32, #tpu.memory_space<vmem>> -> memref<128xi32, #tpu.memory_space<vmem>>
      %dma_wait3A_138 = arith.constant 0 : i32
      %dma_wait3A_139 = arith.constant 0 : i32
      %dma_wait3A_140 = tpu.memref_slice %arg10[%dma_wait3A_138, %dma_wait3A_139] : memref<10112x128xf32, #tpu.memory_space<vmem_shared>> -> memref<10112x128xf32, #tpu.memory_space<vmem_shared>>
      tpu.wait_indirect_dma semaphore(%run_scoped3A_120 : memref<!tpu.dma_semaphore, #tpu.memory_space<semaphore_mem>>) src(%dma_wait3A_134 : memref<128x128xf32, #tpu.memory_space<vmem>>) dst(%dma_wait3A_140 : memref<10112x128xf32, #tpu.memory_space<vmem_shared>>)
      tpu.yield
    }) : () -> ()
    "tpu.region"() ({
      %run_scoped3A_120 = tpu.sem_alloc : memref<!tpu.dma_semaphore, #tpu.memory_space<semaphore_mem>>
      %dma_start3A_121 = arith.constant 40 : i32
      %dma_start3A_122 = arith.constant 0 : i32
      %dma_start3A_123 = tpu.memref_slice %arg3[%add3A, %dma_start3A_121, %dma_start3A_122] : memref<32x80x128xi32, #tpu.memory_space<hbm>> -> memref<1x40x128xi32, #tpu.memory_space<hbm>>
      %dma_start3A_124 = tpu.memref_squeeze %dma_start3A_123 : memref<1x40x128xi32, #tpu.memory_space<hbm>> -> memref<40x128xi32, #tpu.memory_space<hbm>>
      %dma_start3A_125 = arith.constant 40 : i32
      %dma_start3A_126 = arith.constant 0 : i32
      %dma_start3A_127 = tpu.memref_slice %arg3[%add3A, %dma_start3A_125, %dma_start3A_126] : memref<32x80x128xi32, #tpu.memory_space<hbm>> -> memref<1x40x128xi32, #tpu.memory_space<hbm>>
      %dma_start3A_128 = tpu.memref_squeeze %dma_start3A_127 : memref<1x40x128xi32, #tpu.memory_space<hbm>> -> memref<40x128xi32, #tpu.memory_space<hbm>>
      tpu.enqueue_dma source(%dma_start3A_128 : memref<40x128xi32, #tpu.memory_space<hbm>>) target(%arg7 : memref<40x128xi32, #tpu.memory_space<vmem>>) target_semaphore(%run_scoped3A_120 : memref<!tpu.dma_semaphore, #tpu.memory_space<semaphore_mem>>)
      %dma_wait3A_129 = arith.constant 40 : i32
      %dma_wait3A_130 = arith.constant 0 : i32
      %dma_wait3A_131 = tpu.memref_slice %arg3[%add3A, %dma_wait3A_129, %dma_wait3A_130] : memref<32x80x128xi32, #tpu.memory_space<hbm>> -> memref<1x40x128xi32, #tpu.memory_space<hbm>>
      %dma_wait3A_132 = tpu.memref_squeeze %dma_wait3A_131 : memref<1x40x128xi32, #tpu.memory_space<hbm>> -> memref<40x128xi32, #tpu.memory_space<hbm>>
      %dma_wait3A_133 = arith.constant 40 : i32
      %dma_wait3A_134 = arith.constant 0 : i32
      %dma_wait3A_135 = tpu.memref_slice %arg3[%add3A, %dma_wait3A_133, %dma_wait3A_134] : memref<32x80x128xi32, #tpu.memory_space<hbm>> -> memref<1x40x128xi32, #tpu.memory_space<hbm>>
      %dma_wait3A_136 = tpu.memref_squeeze %dma_wait3A_135 : memref<1x40x128xi32, #tpu.memory_space<hbm>> -> memref<40x128xi32, #tpu.memory_space<hbm>>
      tpu.wait_dma2 semaphore(%run_scoped3A_120 : memref<!tpu.dma_semaphore, #tpu.memory_space<semaphore_mem>>) src(%dma_wait3A_136 : memref<40x128xi32, #tpu.memory_space<hbm>>) dst(%arg7 : memref<40x128xi32, #tpu.memory_space<vmem>>)
      tpu.yield
    }) : () -> ()
    "tpu.region"() ({
      %run_scoped3A_120 = tpu.sem_alloc : memref<!tpu.dma_semaphore, #tpu.memory_space<semaphore_mem>>
      %dma_start3A_121 = arith.constant 40 : i32
      %dma_start3A_122 = arith.constant 0 : i32
      %dma_start3A_123 = tpu.memref_slice %arg4[%add3A, %dma_start3A_121, %dma_start3A_122] : memref<32x80x128xi32, #tpu.memory_space<hbm>> -> memref<1x40x128xi32, #tpu.memory_space<hbm>>
      %dma_start3A_124 = tpu.memref_squeeze %dma_start3A_123 : memref<1x40x128xi32, #tpu.memory_space<hbm>> -> memref<40x128xi32, #tpu.memory_space<hbm>>
      %dma_start3A_125 = arith.constant 40 : i32
      %dma_start3A_126 = arith.constant 0 : i32
      %dma_start3A_127 = tpu.memref_slice %arg4[%add3A, %dma_start3A_125, %dma_start3A_126] : memref<32x80x128xi32, #tpu.memory_space<hbm>> -> memref<1x40x128xi32, #tpu.memory_space<hbm>>
      %dma_start3A_128 = tpu.memref_squeeze %dma_start3A_127 : memref<1x40x128xi32, #tpu.memory_space<hbm>> -> memref<40x128xi32, #tpu.memory_space<hbm>>
      tpu.enqueue_dma source(%dma_start3A_128 : memref<40x128xi32, #tpu.memory_space<hbm>>) target(%arg8 : memref<40x128xi32, #tpu.memory_space<vmem>>) target_semaphore(%run_scoped3A_120 : memref<!tpu.dma_semaphore, #tpu.memory_space<semaphore_mem>>)
      %dma_wait3A_129 = arith.constant 40 : i32
      %dma_wait3A_130 = arith.constant 0 : i32
      %dma_wait3A_131 = tpu.memref_slice %arg4[%add3A, %dma_wait3A_129, %dma_wait3A_130] : memref<32x80x128xi32, #tpu.memory_space<hbm>> -> memref<1x40x128xi32, #tpu.memory_space<hbm>>
      %dma_wait3A_132 = tpu.memref_squeeze %dma_wait3A_131 : memref<1x40x128xi32, #tpu.memory_space<hbm>> -> memref<40x128xi32, #tpu.memory_space<hbm>>
      %dma_wait3A_133 = arith.constant 40 : i32
      %dma_wait3A_134 = arith.constant 0 : i32
      %dma_wait3A_135 = tpu.memref_slice %arg4[%add3A, %dma_wait3A_133, %dma_wait3A_134] : memref<32x80x128xi32, #tpu.memory_space<hbm>> -> memref<1x40x128xi32, #tpu.memory_space<hbm>>
      %dma_wait3A_136 = tpu.memref_squeeze %dma_wait3A_135 : memref<1x40x128xi32, #tpu.memory_space<hbm>> -> memref<40x128xi32, #tpu.memory_space<hbm>>
      tpu.wait_dma2 semaphore(%run_scoped3A_120 : memref<!tpu.dma_semaphore, #tpu.memory_space<semaphore_mem>>) src(%dma_wait3A_136 : memref<40x128xi32, #tpu.memory_space<hbm>>) dst(%arg8 : memref<40x128xi32, #tpu.memory_space<vmem>>)
      tpu.yield
    }) : () -> ()
    %dma_start3A_58 = arith.constant 0 : i32
    %dma_start3A_59 = arith.constant 0 : i32
    %dma_start3A_60 = arith.constant 0 : i32
    %dma_start3A_61 = arith.constant 0 : i32
    %dma_start3A_62 = tpu.memref_slice %arg9[%dma_start3A_59, %dma_start3A_60, %dma_start3A_61] : memref<2x128x128xf32, #tpu.memory_space<vmem>> -> memref<1x128x128xf32, #tpu.memory_space<vmem>>
    %dma_start3A_63 = tpu.memref_squeeze %dma_start3A_62 : memref<1x128x128xf32, #tpu.memory_space<vmem>> -> memref<128x128xf32, #tpu.memory_space<vmem>>
    %dma_start3A_64 = arith.constant 0 : i32
    %dma_start3A_65 = tpu.memref_slice %arg7[%dma_start3A_58, %dma_start3A_64] : memref<40x128xi32, #tpu.memory_space<vmem>> -> memref<1x128xi32, #tpu.memory_space<vmem>>
    %dma_start3A_66 = tpu.memref_squeeze %dma_start3A_65 : memref<1x128xi32, #tpu.memory_space<vmem>> -> memref<128xi32, #tpu.memory_space<vmem>>
    %dma_start3A_67 = arith.constant 0 : i32
    %dma_start3A_68 = arith.constant 0 : i32
    %dma_start3A_69 = tpu.memref_slice %arg2[%dma_start3A_67, %dma_start3A_68] : memref<10000x128xf32, #tpu.memory_space<hbm>> -> memref<10000x128xf32, #tpu.memory_space<hbm>>
    tpu.enqueue_indirect_dma source(%dma_start3A_69 : memref<10000x128xf32, #tpu.memory_space<hbm>>) target(%dma_start3A_63 : memref<128x128xf32, #tpu.memory_space<vmem>>) offsets(%dma_start3A_66 : memref<128xi32, #tpu.memory_space<vmem>>) semaphore(%arg11 : memref<!tpu.dma_semaphore, #tpu.memory_space<semaphore_mem>>)
    %dma_start3A_70 = arith.constant 1 : i32
    %dma_start3A_71 = arith.constant 1 : i32
    %dma_start3A_72 = arith.constant 0 : i32
    %dma_start3A_73 = arith.constant 0 : i32
    %dma_start3A_74 = tpu.memref_slice %arg9[%dma_start3A_71, %dma_start3A_72, %dma_start3A_73] : memref<2x128x128xf32, #tpu.memory_space<vmem>> -> memref<1x128x128xf32, #tpu.memory_space<vmem>>
    %dma_start3A_75 = tpu.memref_squeeze %dma_start3A_74 : memref<1x128x128xf32, #tpu.memory_space<vmem>> -> memref<128x128xf32, #tpu.memory_space<vmem>>
    %dma_start3A_76 = arith.constant 0 : i32
    %dma_start3A_77 = tpu.memref_slice %arg7[%dma_start3A_70, %dma_start3A_76] : memref<40x128xi32, #tpu.memory_space<vmem>> -> memref<1x128xi32, #tpu.memory_space<vmem>>
    %dma_start3A_78 = tpu.memref_squeeze %dma_start3A_77 : memref<1x128xi32, #tpu.memory_space<vmem>> -> memref<128xi32, #tpu.memory_space<vmem>>
    %dma_start3A_79 = arith.constant 0 : i32
    %dma_start3A_80 = arith.constant 0 : i32
    %dma_start3A_81 = tpu.memref_slice %arg2[%dma_start3A_79, %dma_start3A_80] : memref<10000x128xf32, #tpu.memory_space<hbm>> -> memref<10000x128xf32, #tpu.memory_space<hbm>>
    tpu.enqueue_indirect_dma source(%dma_start3A_81 : memref<10000x128xf32, #tpu.memory_space<hbm>>) target(%dma_start3A_75 : memref<128x128xf32, #tpu.memory_space<vmem>>) offsets(%dma_start3A_78 : memref<128xi32, #tpu.memory_space<vmem>>) semaphore(%arg12 : memref<!tpu.dma_semaphore, #tpu.memory_space<semaphore_mem>>)
    %scan3A_82 = arith.constant 0 : i32
    %scan3A_83 = arith.constant 19 : i32
    %scan3A_84 = arith.addi %scan3A_82, %scan3A_83 : i32
    %scan3A_85 = arith.constant 1 : i32
    scf.for %scan3A_120 = %scan3A_82 to %scan3A_84 step %scan3A_85  : i32 {
      %mul3A_121 = arith.constant 2 : i32
      %mul3A_122 = arith.muli %scan3A_120, %mul3A_121 : i32
      %add3A_123 = arith.constant 0 : i32
      %add3A_124 = arith.addi %add3A_123, %mul3A_122 : i32
      %add3A_125 = arith.constant 0 : i32
      %add3A_126 = arith.addi %add3A_124, %add3A_125 : i32
      %dma_wait3A_127 = arith.constant 0 : i32
      %dma_wait3A_128 = arith.constant 0 : i32
      %dma_wait3A_129 = arith.constant 0 : i32
      %dma_wait3A_130 = tpu.memref_slice %arg9[%dma_wait3A_127, %dma_wait3A_128, %dma_wait3A_129] : memref<2x128x128xf32, #tpu.memory_space<vmem>> -> memref<1x128x128xf32, #tpu.memory_space<vmem>>
      %dma_wait3A_131 = tpu.memref_squeeze %dma_wait3A_130 : memref<1x128x128xf32, #tpu.memory_space<vmem>> -> memref<128x128xf32, #tpu.memory_space<vmem>>
      %dma_wait3A_132 = arith.constant 0 : i32
      %dma_wait3A_133 = tpu.memref_slice %arg7[%add3A_126, %dma_wait3A_132] : memref<40x128xi32, #tpu.memory_space<vmem>> -> memref<1x128xi32, #tpu.memory_space<vmem>>
      %dma_wait3A_134 = tpu.memref_squeeze %dma_wait3A_133 : memref<1x128xi32, #tpu.memory_space<vmem>> -> memref<128xi32, #tpu.memory_space<vmem>>
      %dma_wait3A_135 = arith.constant 0 : i32
      %dma_wait3A_136 = arith.constant 0 : i32
      %dma_wait3A_137 = tpu.memref_slice %arg2[%dma_wait3A_135, %dma_wait3A_136] : memref<10000x128xf32, #tpu.memory_space<hbm>> -> memref<10000x128xf32, #tpu.memory_space<hbm>>
      tpu.wait_indirect_dma semaphore(%arg11 : memref<!tpu.dma_semaphore, #tpu.memory_space<semaphore_mem>>) src(%dma_wait3A_137 : memref<10000x128xf32, #tpu.memory_space<hbm>>) dst(%dma_wait3A_131 : memref<128x128xf32, #tpu.memory_space<vmem>>)
      %add3A_138 = arith.constant 0 : i32
      %add3A_139 = arith.addi %add3A_124, %add3A_138 : i32
      %run_scoped3A_140 = arith.constant 0 : i32
      "tpu.region"() ({
        %run_scoped3A_187 = tpu.sem_alloc : memref<!tpu.dma_semaphore, #tpu.memory_space<semaphore_mem>>
        %dma_start3A_188 = arith.constant 0 : i32
        %dma_start3A_189 = arith.constant 0 : i32
        %dma_start3A_190 = tpu.memref_slice %arg9[%run_scoped3A_140, %dma_start3A_188, %dma_start3A_189] : memref<2x128x128xf32, #tpu.memory_space<vmem>> -> memref<1x128x128xf32, #tpu.memory_space<vmem>>
        %dma_start3A_191 = tpu.memref_squeeze %dma_start3A_190 : memref<1x128x128xf32, #tpu.memory_space<vmem>> -> memref<128x128xf32, #tpu.memory_space<vmem>>
        %dma_start3A_192 = arith.constant 0 : i32
        %dma_start3A_193 = tpu.memref_slice %arg8[%add3A_139, %dma_start3A_192] : memref<40x128xi32, #tpu.memory_space<vmem>> -> memref<1x128xi32, #tpu.memory_space<vmem>>
        %dma_start3A_194 = tpu.memref_squeeze %dma_start3A_193 : memref<1x128xi32, #tpu.memory_space<vmem>> -> memref<128xi32, #tpu.memory_space<vmem>>
        %dma_start3A_195 = arith.constant 0 : i32
        %dma_start3A_196 = arith.constant 0 : i32
        %dma_start3A_197 = tpu.memref_slice %arg10[%dma_start3A_195, %dma_start3A_196] : memref<10112x128xf32, #tpu.memory_space<vmem_shared>> -> memref<10112x128xf32, #tpu.memory_space<vmem_shared>>
        tpu.enqueue_indirect_dma source(%dma_start3A_191 : memref<128x128xf32, #tpu.memory_space<vmem>>) target(%dma_start3A_197 : memref<10112x128xf32, #tpu.memory_space<vmem_shared>>) offsets(%dma_start3A_194 : memref<128xi32, #tpu.memory_space<vmem>>) semaphore(%run_scoped3A_187 : memref<!tpu.dma_semaphore, #tpu.memory_space<semaphore_mem>>) {add = true}
        %dma_wait3A_198 = arith.constant 0 : i32
        %dma_wait3A_199 = arith.constant 0 : i32
        %dma_wait3A_200 = tpu.memref_slice %arg9[%run_scoped3A_140, %dma_wait3A_198, %dma_wait3A_199] : memref<2x128x128xf32, #tpu.memory_space<vmem>> -> memref<1x128x128xf32, #tpu.memory_space<vmem>>
        %dma_wait3A_201 = tpu.memref_squeeze %dma_wait3A_200 : memref<1x128x128xf32, #tpu.memory_space<vmem>> -> memref<128x128xf32, #tpu.memory_space<vmem>>
        %dma_wait3A_202 = arith.constant 0 : i32
        %dma_wait3A_203 = tpu.memref_slice %arg8[%add3A_139, %dma_wait3A_202] : memref<40x128xi32, #tpu.memory_space<vmem>> -> memref<1x128xi32, #tpu.memory_space<vmem>>
        %dma_wait3A_204 = tpu.memref_squeeze %dma_wait3A_203 : memref<1x128xi32, #tpu.memory_space<vmem>> -> memref<128xi32, #tpu.memory_space<vmem>>
        %dma_wait3A_205 = arith.constant 0 : i32
        %dma_wait3A_206 = arith.constant 0 : i32
        %dma_wait3A_207 = tpu.memref_slice %arg10[%dma_wait3A_205, %dma_wait3A_206] : memref<10112x128xf32, #tpu.memory_space<vmem_shared>> -> memref<10112x128xf32, #tpu.memory_space<vmem_shared>>
        tpu.wait_indirect_dma semaphore(%run_scoped3A_187 : memref<!tpu.dma_semaphore, #tpu.memory_space<semaphore_mem>>) src(%dma_wait3A_201 : memref<128x128xf32, #tpu.memory_space<vmem>>) dst(%dma_wait3A_207 : memref<10112x128xf32, #tpu.memory_space<vmem_shared>>)
        tpu.yield
      }) : () -> ()
      %add3A_141 = arith.constant 0 : i32
      %add3A_142 = arith.addi %add3A_124, %add3A_141 : i32
      %add3A_143 = arith.constant 2 : i32
      %add3A_144 = arith.addi %add3A_142, %add3A_143 : i32
      %dma_start3A_145 = arith.constant 0 : i32
      %dma_start3A_146 = arith.constant 0 : i32
      %dma_start3A_147 = arith.constant 0 : i32
      %dma_start3A_148 = tpu.memref_slice %arg9[%dma_start3A_145, %dma_start3A_146, %dma_start3A_147] : memref<2x128x128xf32, #tpu.memory_space<vmem>> -> memref<1x128x128xf32, #tpu.memory_space<vmem>>
      %dma_start3A_149 = tpu.memref_squeeze %dma_start3A_148 : memref<1x128x128xf32, #tpu.memory_space<vmem>> -> memref<128x128xf32, #tpu.memory_space<vmem>>
      %dma_start3A_150 = arith.constant 0 : i32
      %dma_start3A_151 = tpu.memref_slice %arg7[%add3A_144, %dma_start3A_150] : memref<40x128xi32, #tpu.memory_space<vmem>> -> memref<1x128xi32, #tpu.memory_space<vmem>>
      %dma_start3A_152 = tpu.memref_squeeze %dma_start3A_151 : memref<1x128xi32, #tpu.memory_space<vmem>> -> memref<128xi32, #tpu.memory_space<vmem>>
      %dma_start3A_153 = arith.constant 0 : i32
      %dma_start3A_154 = arith.constant 0 : i32
      %dma_start3A_155 = tpu.memref_slice %arg2[%dma_start3A_153, %dma_start3A_154] : memref<10000x128xf32, #tpu.memory_space<hbm>> -> memref<10000x128xf32, #tpu.memory_space<hbm>>
      tpu.enqueue_indirect_dma source(%dma_start3A_155 : memref<10000x128xf32, #tpu.memory_space<hbm>>) target(%dma_start3A_149 : memref<128x128xf32, #tpu.memory_space<vmem>>) offsets(%dma_start3A_152 : memref<128xi32, #tpu.memory_space<vmem>>) semaphore(%arg11 : memref<!tpu.dma_semaphore, #tpu.memory_space<semaphore_mem>>)
      %add3A_156 = arith.constant 1 : i32
      %add3A_157 = arith.addi %add3A_124, %add3A_156 : i32
      %dma_wait3A_158 = arith.constant 1 : i32
      %dma_wait3A_159 = arith.constant 0 : i32
      %dma_wait3A_160 = arith.constant 0 : i32
      %dma_wait3A_161 = tpu.memref_slice %arg9[%dma_wait3A_158, %dma_wait3A_159, %dma_wait3A_160] : memref<2x128x128xf32, #tpu.memory_space<vmem>> -> memref<1x128x128xf32, #tpu.memory_space<vmem>>
      %dma_wait3A_162 = tpu.memref_squeeze %dma_wait3A_161 : memref<1x128x128xf32, #tpu.memory_space<vmem>> -> memref<128x128xf32, #tpu.memory_space<vmem>>
      %dma_wait3A_163 = arith.constant 0 : i32
      %dma_wait3A_164 = tpu.memref_slice %arg7[%add3A_157, %dma_wait3A_163] : memref<40x128xi32, #tpu.memory_space<vmem>> -> memref<1x128xi32, #tpu.memory_space<vmem>>
      %dma_wait3A_165 = tpu.memref_squeeze %dma_wait3A_164 : memref<1x128xi32, #tpu.memory_space<vmem>> -> memref<128xi32, #tpu.memory_space<vmem>>
      %dma_wait3A_166 = arith.constant 0 : i32
      %dma_wait3A_167 = arith.constant 0 : i32
      %dma_wait3A_168 = tpu.memref_slice %arg2[%dma_wait3A_166, %dma_wait3A_167] : memref<10000x128xf32, #tpu.memory_space<hbm>> -> memref<10000x128xf32, #tpu.memory_space<hbm>>
      tpu.wait_indirect_dma semaphore(%arg12 : memref<!tpu.dma_semaphore, #tpu.memory_space<semaphore_mem>>) src(%dma_wait3A_168 : memref<10000x128xf32, #tpu.memory_space<hbm>>) dst(%dma_wait3A_162 : memref<128x128xf32, #tpu.memory_space<vmem>>)
      %add3A_169 = arith.constant 1 : i32
      %add3A_170 = arith.addi %add3A_124, %add3A_169 : i32
      %run_scoped3A_171 = arith.constant 1 : i32
      "tpu.region"() ({
        %run_scoped3A_187 = tpu.sem_alloc : memref<!tpu.dma_semaphore, #tpu.memory_space<semaphore_mem>>
        %dma_start3A_188 = arith.constant 0 : i32
        %dma_start3A_189 = arith.constant 0 : i32
        %dma_start3A_190 = tpu.memref_slice %arg9[%run_scoped3A_171, %dma_start3A_188, %dma_start3A_189] : memref<2x128x128xf32, #tpu.memory_space<vmem>> -> memref<1x128x128xf32, #tpu.memory_space<vmem>>
        %dma_start3A_191 = tpu.memref_squeeze %dma_start3A_190 : memref<1x128x128xf32, #tpu.memory_space<vmem>> -> memref<128x128xf32, #tpu.memory_space<vmem>>
        %dma_start3A_192 = arith.constant 0 : i32
        %dma_start3A_193 = tpu.memref_slice %arg8[%add3A_170, %dma_start3A_192] : memref<40x128xi32, #tpu.memory_space<vmem>> -> memref<1x128xi32, #tpu.memory_space<vmem>>
        %dma_start3A_194 = tpu.memref_squeeze %dma_start3A_193 : memref<1x128xi32, #tpu.memory_space<vmem>> -> memref<128xi32, #tpu.memory_space<vmem>>
        %dma_start3A_195 = arith.constant 0 : i32
        %dma_start3A_196 = arith.constant 0 : i32
        %dma_start3A_197 = tpu.memref_slice %arg10[%dma_start3A_195, %dma_start3A_196] : memref<10112x128xf32, #tpu.memory_space<vmem_shared>> -> memref<10112x128xf32, #tpu.memory_space<vmem_shared>>
        tpu.enqueue_indirect_dma source(%dma_start3A_191 : memref<128x128xf32, #tpu.memory_space<vmem>>) target(%dma_start3A_197 : memref<10112x128xf32, #tpu.memory_space<vmem_shared>>) offsets(%dma_start3A_194 : memref<128xi32, #tpu.memory_space<vmem>>) semaphore(%run_scoped3A_187 : memref<!tpu.dma_semaphore, #tpu.memory_space<semaphore_mem>>) {add = true}
        %dma_wait3A_198 = arith.constant 0 : i32
        %dma_wait3A_199 = arith.constant 0 : i32
        %dma_wait3A_200 = tpu.memref_slice %arg9[%run_scoped3A_171, %dma_wait3A_198, %dma_wait3A_199] : memref<2x128x128xf32, #tpu.memory_space<vmem>> -> memref<1x128x128xf32, #tpu.memory_space<vmem>>
        %dma_wait3A_201 = tpu.memref_squeeze %dma_wait3A_200 : memref<1x128x128xf32, #tpu.memory_space<vmem>> -> memref<128x128xf32, #tpu.memory_space<vmem>>
        %dma_wait3A_202 = arith.constant 0 : i32
        %dma_wait3A_203 = tpu.memref_slice %arg8[%add3A_170, %dma_wait3A_202] : memref<40x128xi32, #tpu.memory_space<vmem>> -> memref<1x128xi32, #tpu.memory_space<vmem>>
        %dma_wait3A_204 = tpu.memref_squeeze %dma_wait3A_203 : memref<1x128xi32, #tpu.memory_space<vmem>> -> memref<128xi32, #tpu.memory_space<vmem>>
        %dma_wait3A_205 = arith.constant 0 : i32
        %dma_wait3A_206 = arith.constant 0 : i32
        %dma_wait3A_207 = tpu.memref_slice %arg10[%dma_wait3A_205, %dma_wait3A_206] : memref<10112x128xf32, #tpu.memory_space<vmem_shared>> -> memref<10112x128xf32, #tpu.memory_space<vmem_shared>>
        tpu.wait_indirect_dma semaphore(%run_scoped3A_187 : memref<!tpu.dma_semaphore, #tpu.memory_space<semaphore_mem>>) src(%dma_wait3A_201 : memref<128x128xf32, #tpu.memory_space<vmem>>) dst(%dma_wait3A_207 : memref<10112x128xf32, #tpu.memory_space<vmem_shared>>)
        tpu.yield
      }) : () -> ()
      %add3A_172 = arith.constant 1 : i32
      %add3A_173 = arith.addi %add3A_124, %add3A_172 : i32
      %add3A_174 = arith.constant 2 : i32
      %add3A_175 = arith.addi %add3A_173, %add3A_174 : i32
      %dma_start3A_176 = arith.constant 1 : i32
      %dma_start3A_177 = arith.constant 0 : i32
      %dma_start3A_178 = arith.constant 0 : i32
      %dma_start3A_179 = tpu.memref_slice %arg9[%dma_start3A_176, %dma_start3A_177, %dma_start3A_178] : memref<2x128x128xf32, #tpu.memory_space<vmem>> -> memref<1x128x128xf32, #tpu.memory_space<vmem>>
      %dma_start3A_180 = tpu.memref_squeeze %dma_start3A_179 : memref<1x128x128xf32, #tpu.memory_space<vmem>> -> memref<128x128xf32, #tpu.memory_space<vmem>>
      %dma_start3A_181 = arith.constant 0 : i32
      %dma_start3A_182 = tpu.memref_slice %arg7[%add3A_175, %dma_start3A_181] : memref<40x128xi32, #tpu.memory_space<vmem>> -> memref<1x128xi32, #tpu.memory_space<vmem>>
      %dma_start3A_183 = tpu.memref_squeeze %dma_start3A_182 : memref<1x128xi32, #tpu.memory_space<vmem>> -> memref<128xi32, #tpu.memory_space<vmem>>
      %dma_start3A_184 = arith.constant 0 : i32
      %dma_start3A_185 = arith.constant 0 : i32
      %dma_start3A_186 = tpu.memref_slice %arg2[%dma_start3A_184, %dma_start3A_185] : memref<10000x128xf32, #tpu.memory_space<hbm>> -> memref<10000x128xf32, #tpu.memory_space<hbm>>
      tpu.enqueue_indirect_dma source(%dma_start3A_186 : memref<10000x128xf32, #tpu.memory_space<hbm>>) target(%dma_start3A_180 : memref<128x128xf32, #tpu.memory_space<vmem>>) offsets(%dma_start3A_183 : memref<128xi32, #tpu.memory_space<vmem>>) semaphore(%arg12 : memref<!tpu.dma_semaphore, #tpu.memory_space<semaphore_mem>>)
    }
    %scan3A_86 = arith.constant 19 : i32
    %dma_wait3A_87 = arith.constant 38 : i32
    %dma_wait3A_88 = arith.constant 0 : i32
    %dma_wait3A_89 = arith.constant 0 : i32
    %dma_wait3A_90 = arith.constant 0 : i32
    %dma_wait3A_91 = tpu.memref_slice %arg9[%dma_wait3A_88, %dma_wait3A_89, %dma_wait3A_90] : memref<2x128x128xf32, #tpu.memory_space<vmem>> -> memref<1x128x128xf32, #tpu.memory_space<vmem>>
    %dma_wait3A_92 = tpu.memref_squeeze %dma_wait3A_91 : memref<1x128x128xf32, #tpu.memory_space<vmem>> -> memref<128x128xf32, #tpu.memory_space<vmem>>
    %dma_wait3A_93 = arith.constant 0 : i32
    %dma_wait3A_94 = tpu.memref_slice %arg7[%dma_wait3A_87, %dma_wait3A_93] : memref<40x128xi32, #tpu.memory_space<vmem>> -> memref<1x128xi32, #tpu.memory_space<vmem>>
    %dma_wait3A_95 = tpu.memref_squeeze %dma_wait3A_94 : memref<1x128xi32, #tpu.memory_space<vmem>> -> memref<128xi32, #tpu.memory_space<vmem>>
    %dma_wait3A_96 = arith.constant 0 : i32
    %dma_wait3A_97 = arith.constant 0 : i32
    %dma_wait3A_98 = tpu.memref_slice %arg2[%dma_wait3A_96, %dma_wait3A_97] : memref<10000x128xf32, #tpu.memory_space<hbm>> -> memref<10000x128xf32, #tpu.memory_space<hbm>>
    tpu.wait_indirect_dma semaphore(%arg11 : memref<!tpu.dma_semaphore, #tpu.memory_space<semaphore_mem>>) src(%dma_wait3A_98 : memref<10000x128xf32, #tpu.memory_space<hbm>>) dst(%dma_wait3A_92 : memref<128x128xf32, #tpu.memory_space<vmem>>)
    %run_scoped3A_99 = arith.constant 0 : i32
    %run_scoped3A_100 = arith.constant 38 : i32
    "tpu.region"() ({
      %run_scoped3A_120 = tpu.sem_alloc : memref<!tpu.dma_semaphore, #tpu.memory_space<semaphore_mem>>
      %dma_start3A_121 = arith.constant 0 : i32
      %dma_start3A_122 = arith.constant 0 : i32
      %dma_start3A_123 = tpu.memref_slice %arg9[%run_scoped3A_99, %dma_start3A_121, %dma_start3A_122] : memref<2x128x128xf32, #tpu.memory_space<vmem>> -> memref<1x128x128xf32, #tpu.memory_space<vmem>>
      %dma_start3A_124 = tpu.memref_squeeze %dma_start3A_123 : memref<1x128x128xf32, #tpu.memory_space<vmem>> -> memref<128x128xf32, #tpu.memory_space<vmem>>
      %dma_start3A_125 = arith.constant 0 : i32
      %dma_start3A_126 = tpu.memref_slice %arg8[%run_scoped3A_100, %dma_start3A_125] : memref<40x128xi32, #tpu.memory_space<vmem>> -> memref<1x128xi32, #tpu.memory_space<vmem>>
      %dma_start3A_127 = tpu.memref_squeeze %dma_start3A_126 : memref<1x128xi32, #tpu.memory_space<vmem>> -> memref<128xi32, #tpu.memory_space<vmem>>
      %dma_start3A_128 = arith.constant 0 : i32
      %dma_start3A_129 = arith.constant 0 : i32
      %dma_start3A_130 = tpu.memref_slice %arg10[%dma_start3A_128, %dma_start3A_129] : memref<10112x128xf32, #tpu.memory_space<vmem_shared>> -> memref<10112x128xf32, #tpu.memory_space<vmem_shared>>
      tpu.enqueue_indirect_dma source(%dma_start3A_124 : memref<128x128xf32, #tpu.memory_space<vmem>>) target(%dma_start3A_130 : memref<10112x128xf32, #tpu.memory_space<vmem_shared>>) offsets(%dma_start3A_127 : memref<128xi32, #tpu.memory_space<vmem>>) semaphore(%run_scoped3A_120 : memref<!tpu.dma_semaphore, #tpu.memory_space<semaphore_mem>>) {add = true}
      %dma_wait3A_131 = arith.constant 0 : i32
      %dma_wait3A_132 = arith.constant 0 : i32
      %dma_wait3A_133 = tpu.memref_slice %arg9[%run_scoped3A_99, %dma_wait3A_131, %dma_wait3A_132] : memref<2x128x128xf32, #tpu.memory_space<vmem>> -> memref<1x128x128xf32, #tpu.memory_space<vmem>>
      %dma_wait3A_134 = tpu.memref_squeeze %dma_wait3A_133 : memref<1x128x128xf32, #tpu.memory_space<vmem>> -> memref<128x128xf32, #tpu.memory_space<vmem>>
      %dma_wait3A_135 = arith.constant 0 : i32
      %dma_wait3A_136 = tpu.memref_slice %arg8[%run_scoped3A_100, %dma_wait3A_135] : memref<40x128xi32, #tpu.memory_space<vmem>> -> memref<1x128xi32, #tpu.memory_space<vmem>>
      %dma_wait3A_137 = tpu.memref_squeeze %dma_wait3A_136 : memref<1x128xi32, #tpu.memory_space<vmem>> -> memref<128xi32, #tpu.memory_space<vmem>>
      %dma_wait3A_138 = arith.constant 0 : i32
      %dma_wait3A_139 = arith.constant 0 : i32
      %dma_wait3A_140 = tpu.memref_slice %arg10[%dma_wait3A_138, %dma_wait3A_139] : memref<10112x128xf32, #tpu.memory_space<vmem_shared>> -> memref<10112x128xf32, #tpu.memory_space<vmem_shared>>
      tpu.wait_indirect_dma semaphore(%run_scoped3A_120 : memref<!tpu.dma_semaphore, #tpu.memory_space<semaphore_mem>>) src(%dma_wait3A_134 : memref<128x128xf32, #tpu.memory_space<vmem>>) dst(%dma_wait3A_140 : memref<10112x128xf32, #tpu.memory_space<vmem_shared>>)
      tpu.yield
    }) : () -> ()
    %dma_wait3A_101 = arith.constant 39 : i32
    %dma_wait3A_102 = arith.constant 1 : i32
    %dma_wait3A_103 = arith.constant 0 : i32
    %dma_wait3A_104 = arith.constant 0 : i32
    %dma_wait3A_105 = tpu.memref_slice %arg9[%dma_wait3A_102, %dma_wait3A_103, %dma_wait3A_104] : memref<2x128x128xf32, #tpu.memory_space<vmem>> -> memref<1x128x128xf32, #tpu.memory_space<vmem>>
    %dma_wait3A_106 = tpu.memref_squeeze %dma_wait3A_105 : memref<1x128x128xf32, #tpu.memory_space<vmem>> -> memref<128x128xf32, #tpu.memory_space<vmem>>
    %dma_wait3A_107 = arith.constant 0 : i32
    %dma_wait3A_108 = tpu.memref_slice %arg7[%dma_wait3A_101, %dma_wait3A_107] : memref<40x128xi32, #tpu.memory_space<vmem>> -> memref<1x128xi32, #tpu.memory_space<vmem>>
    %dma_wait3A_109 = tpu.memref_squeeze %dma_wait3A_108 : memref<1x128xi32, #tpu.memory_space<vmem>> -> memref<128xi32, #tpu.memory_space<vmem>>
    %dma_wait3A_110 = arith.constant 0 : i32
    %dma_wait3A_111 = arith.constant 0 : i32
    %dma_wait3A_112 = tpu.memref_slice %arg2[%dma_wait3A_110, %dma_wait3A_111] : memref<10000x128xf32, #tpu.memory_space<hbm>> -> memref<10000x128xf32, #tpu.memory_space<hbm>>
    tpu.wait_indirect_dma semaphore(%arg12 : memref<!tpu.dma_semaphore, #tpu.memory_space<semaphore_mem>>) src(%dma_wait3A_112 : memref<10000x128xf32, #tpu.memory_space<hbm>>) dst(%dma_wait3A_106 : memref<128x128xf32, #tpu.memory_space<vmem>>)
    %run_scoped3A_113 = arith.constant 1 : i32
    %run_scoped3A_114 = arith.constant 39 : i32
    "tpu.region"() ({
      %run_scoped3A_120 = tpu.sem_alloc : memref<!tpu.dma_semaphore, #tpu.memory_space<semaphore_mem>>
      %dma_start3A_121 = arith.constant 0 : i32
      %dma_start3A_122 = arith.constant 0 : i32
      %dma_start3A_123 = tpu.memref_slice %arg9[%run_scoped3A_113, %dma_start3A_121, %dma_start3A_122] : memref<2x128x128xf32, #tpu.memory_space<vmem>> -> memref<1x128x128xf32, #tpu.memory_space<vmem>>
      %dma_start3A_124 = tpu.memref_squeeze %dma_start3A_123 : memref<1x128x128xf32, #tpu.memory_space<vmem>> -> memref<128x128xf32, #tpu.memory_space<vmem>>
      %dma_start3A_125 = arith.constant 0 : i32
      %dma_start3A_126 = tpu.memref_slice %arg8[%run_scoped3A_114, %dma_start3A_125] : memref<40x128xi32, #tpu.memory_space<vmem>> -> memref<1x128xi32, #tpu.memory_space<vmem>>
      %dma_start3A_127 = tpu.memref_squeeze %dma_start3A_126 : memref<1x128xi32, #tpu.memory_space<vmem>> -> memref<128xi32, #tpu.memory_space<vmem>>
      %dma_start3A_128 = arith.constant 0 : i32
      %dma_start3A_129 = arith.constant 0 : i32
      %dma_start3A_130 = tpu.memref_slice %arg10[%dma_start3A_128, %dma_start3A_129] : memref<10112x128xf32, #tpu.memory_space<vmem_shared>> -> memref<10112x128xf32, #tpu.memory_space<vmem_shared>>
      tpu.enqueue_indirect_dma source(%dma_start3A_124 : memref<128x128xf32, #tpu.memory_space<vmem>>) target(%dma_start3A_130 : memref<10112x128xf32, #tpu.memory_space<vmem_shared>>) offsets(%dma_start3A_127 : memref<128xi32, #tpu.memory_space<vmem>>) semaphore(%run_scoped3A_120 : memref<!tpu.dma_semaphore, #tpu.memory_space<semaphore_mem>>) {add = true}
      %dma_wait3A_131 = arith.constant 0 : i32
      %dma_wait3A_132 = arith.constant 0 : i32
      %dma_wait3A_133 = tpu.memref_slice %arg9[%run_scoped3A_113, %dma_wait3A_131, %dma_wait3A_132] : memref<2x128x128xf32, #tpu.memory_space<vmem>> -> memref<1x128x128xf32, #tpu.memory_space<vmem>>
      %dma_wait3A_134 = tpu.memref_squeeze %dma_wait3A_133 : memref<1x128x128xf32, #tpu.memory_space<vmem>> -> memref<128x128xf32, #tpu.memory_space<vmem>>
      %dma_wait3A_135 = arith.constant 0 : i32
      %dma_wait3A_136 = tpu.memref_slice %arg8[%run_scoped3A_114, %dma_wait3A_135] : memref<40x128xi32, #tpu.memory_space<vmem>> -> memref<1x128xi32, #tpu.memory_space<vmem>>
      %dma_wait3A_137 = tpu.memref_squeeze %dma_wait3A_136 : memref<1x128xi32, #tpu.memory_space<vmem>> -> memref<128xi32, #tpu.memory_space<vmem>>
      %dma_wait3A_138 = arith.constant 0 : i32
      %dma_wait3A_139 = arith.constant 0 : i32
      %dma_wait3A_140 = tpu.memref_slice %arg10[%dma_wait3A_138, %dma_wait3A_139] : memref<10112x128xf32, #tpu.memory_space<vmem_shared>> -> memref<10112x128xf32, #tpu.memory_space<vmem_shared>>
      tpu.wait_indirect_dma semaphore(%run_scoped3A_120 : memref<!tpu.dma_semaphore, #tpu.memory_space<semaphore_mem>>) src(%dma_wait3A_134 : memref<128x128xf32, #tpu.memory_space<vmem>>) dst(%dma_wait3A_140 : memref<10112x128xf32, #tpu.memory_space<vmem_shared>>)
      tpu.yield
    }) : () -> ()
    %barrier3A_115 = arith.constant 0 : index
    tpu.barrier barrier_id(%barrier3A_115)
    %mul3A_116 = arith.constant 632 : i32
    %mul3A_117 = arith.muli %arg1, %mul3A_116 : i32
    %mul3A_118 = arith.constant 632 : i32
    %mul3A_119 = arith.muli %arg1, %mul3A_118 : i32
    "tpu.region"() ({
      %run_scoped3A_120 = tpu.sem_alloc : memref<!tpu.dma_semaphore, #tpu.memory_space<semaphore_mem>>
      %dma_start3A_121 = arith.constant 0 : i32
      %dma_start3A_122 = tpu.memref_slice %arg6[%arg0, %mul3A_119, %dma_start3A_121] : memref<2x10112x128xf32, #tpu.memory_space<hbm>> -> memref<1x632x128xf32, #tpu.memory_space<hbm>>
      %dma_start3A_123 = tpu.memref_squeeze %dma_start3A_122 : memref<1x632x128xf32, #tpu.memory_space<hbm>> -> memref<632x128xf32, #tpu.memory_space<hbm>>
      %dma_start3A_124 = arith.constant 0 : i32
      %dma_start3A_125 = tpu.memref_slice %arg10[%mul3A_117, %dma_start3A_124] : memref<10112x128xf32, #tpu.memory_space<vmem_shared>> -> memref<632x128xf32, #tpu.memory_space<vmem_shared>>
      tpu.enqueue_dma source(%dma_start3A_125 : memref<632x128xf32, #tpu.memory_space<vmem_shared>>) target(%dma_start3A_123 : memref<632x128xf32, #tpu.memory_space<hbm>>) target_semaphore(%run_scoped3A_120 : memref<!tpu.dma_semaphore, #tpu.memory_space<semaphore_mem>>)
      %dma_wait3A_126 = arith.constant 0 : i32
      %dma_wait3A_127 = tpu.memref_slice %arg6[%arg0, %mul3A_119, %dma_wait3A_126] : memref<2x10112x128xf32, #tpu.memory_space<hbm>> -> memref<1x632x128xf32, #tpu.memory_space<hbm>>
      %dma_wait3A_128 = tpu.memref_squeeze %dma_wait3A_127 : memref<1x632x128xf32, #tpu.memory_space<hbm>> -> memref<632x128xf32, #tpu.memory_space<hbm>>
      %dma_wait3A_129 = arith.constant 0 : i32
      %dma_wait3A_130 = tpu.memref_slice %arg10[%mul3A_117, %dma_wait3A_129] : memref<10112x128xf32, #tpu.memory_space<vmem_shared>> -> memref<632x128xf32, #tpu.memory_space<vmem_shared>>
      tpu.wait_dma2 semaphore(%run_scoped3A_120 : memref<!tpu.dma_semaphore, #tpu.memory_space<semaphore_mem>>) src(%dma_wait3A_130 : memref<632x128xf32, #tpu.memory_space<vmem_shared>>) dst(%dma_wait3A_128 : memref<632x128xf32, #tpu.memory_space<hbm>>)
      tpu.yield
    }) : () -> ()
    return
  }
}

module attributes {stable_mosaic.version = 14 : i64} {
  func.func @_dinv_body(%arg0: memref<2x10240xf32, #tpu.memory_space<vmem>>, %arg1: memref<10240xf32, #tpu.memory_space<vmem>>) attributes {dimension_semantics = [], scalar_prefetch = 0 : i64, scratch_operands = 0 : i64, tpu.core_type = #tpu.core_type<tc>} {
    %get3A = arith.constant 0 : index
    %get3A_0 = arith.constant 0 : index
    %get3A_1 = vector.load %arg0[%get3A, %get3A_0] : memref<2x10240xf32, #tpu.memory_space<vmem>>, vector<1x10240xf32>
    %get3A_2 = vector.shape_cast %get3A_1 : vector<1x10240xf32> to vector<10240xf32>
    %get3A_3 = arith.constant 1 : index
    %get3A_4 = arith.constant 0 : index
    %get3A_5 = vector.load %arg0[%get3A_3, %get3A_4] : memref<2x10240xf32, #tpu.memory_space<vmem>>, vector<1x10240xf32>
    %get3A_6 = vector.shape_cast %get3A_5 : vector<1x10240xf32> to vector<10240xf32>
    %add3A = arith.addf %get3A_2, %get3A_6 : vector<10240xf32>
    %add3A_7 = arith.constant 1.000000e+00 : f32
    %add3A_8 = vector.broadcast %add3A_7 : f32 to vector<10240xf32>
    %add3A_9 = arith.addf %add3A, %add3A_8 : vector<10240xf32>
    %rsqrt3A = math.rsqrt %add3A_9 : vector<10240xf32>
    %swap3A = arith.constant 0 : index
    %swap3A_10 = vector.load %arg1[%swap3A] : memref<10240xf32, #tpu.memory_space<vmem>>, vector<10240xf32>
    tpu.vector_store %arg1[%swap3A], %rsqrt3A {strides = array<i32>} : memref<10240xf32, #tpu.memory_space<vmem>>, vector<10240xf32>,
    return
  }
}

module attributes {stable_mosaic.version = 14 : i64} {
  func.func @_mm_scale_body(%arg0: i32, %arg1: memref<400x128xf32, #tpu.memory_space<vmem>>, %arg2: memref<128x128xf32, #tpu.memory_space<vmem>>, %arg3: memref<400x1xf32, #tpu.memory_space<vmem>>, %arg4: memref<400x128xf32, #tpu.memory_space<vmem>>) attributes {dimension_semantics = [#tpu.dimension_semantics<arbitrary>], iteration_bounds = array<i64: 25>, scalar_prefetch = 0 : i64, scratch_operands = 0 : i64, tpu.core_type = #tpu.core_type<tc>, window_params = [{transform_indices = @transform_0, window_bounds = array<i64: 400, 128>}, {pipeline_mode = #tpu.pipeline_mode<synchronous>, transform_indices = @transform_1, window_bounds = array<i64: 128, 128>}, {transform_indices = @transform_2, window_bounds = array<i64: 400, 1>}, {transform_indices = @transform_3, window_bounds = array<i64: 400, 128>}]} {
    %get3A = arith.constant 0 : index
    %get3A_0 = arith.constant 0 : index
    %get3A_1 = vector.load %arg1[%get3A, %get3A_0] : memref<400x128xf32, #tpu.memory_space<vmem>>, vector<400x128xf32>
    %get3A_2 = arith.constant 0 : index
    %get3A_3 = arith.constant 0 : index
    %get3A_4 = vector.load %arg2[%get3A_2, %get3A_3] : memref<128x128xf32, #tpu.memory_space<vmem>>, vector<128x128xf32>
    %dot_general3A = arith.constant dense<0.000000e+00> : vector<400x128xf32>
    %dot_general3A_5 = tpu.matmul %get3A_1, %get3A_4, %dot_general3A {dimension_numbers = #tpu.dot_dimension_numbers<[1], [0], [0], [1], [0, 0, 1, 1], [], []>, transpose_lhs_hint = false} : vector<400x128xf32>, vector<128x128xf32>, vector<400x128xf32> -> vector<400x128xf32>
    %get3A_6 = arith.constant 0 : index
    %get3A_7 = arith.constant 0 : index
    %get3A_8 = vector.load %arg3[%get3A_6, %get3A_7] : memref<400x1xf32, #tpu.memory_space<vmem>>, vector<400x1xf32>
    %mul3A = vector.broadcast %get3A_8 : vector<400x1xf32> to vector<400x128xf32>
    %mul3A_9 = arith.mulf %dot_general3A_5, %mul3A : vector<400x128xf32>
    %swap3A = arith.constant 0 : index
    %swap3A_10 = arith.constant 0 : index
    %swap3A_11 = vector.load %arg4[%swap3A, %swap3A_10] : memref<400x128xf32, #tpu.memory_space<vmem>>, vector<400x128xf32>
    tpu.vector_store %arg4[%swap3A, %swap3A_10], %mul3A_9 {strides = array<i32>} : memref<400x128xf32, #tpu.memory_space<vmem>>, vector<400x128xf32>,
    return
  }
  func.func @transform_0(%arg0: i32) -> (i32, i32) {
    %c0_i32 = arith.constant 0 : i32
    %c0_i32_0 = arith.constant 0 : i32
    return %arg0, %c0_i32 : i32, i32
  }
  func.func @transform_1(%arg0: i32) -> (i32, i32) {
    %c0_i32 = arith.constant 0 : i32
    %c0_i32_0 = arith.constant 0 : i32
    %c0_i32_1 = arith.constant 0 : i32
    return %c0_i32, %c0_i32_0 : i32, i32
  }
  func.func @transform_2(%arg0: i32) -> (i32, i32) {
    %c0_i32 = arith.constant 0 : i32
    %c0_i32_0 = arith.constant 0 : i32
    return %arg0, %c0_i32 : i32, i32
  }
  func.func @transform_3(%arg0: i32) -> (i32, i32) {
    %c0_i32 = arith.constant 0 : i32
    %c0_i32_0 = arith.constant 0 : i32
    return %arg0, %c0_i32 : i32, i32
  }
}

module attributes {stable_mosaic.version = 14 : i64} {
  func.func @_mid_body(%arg0: i32, %arg1: memref<2x400x128xf32, #tpu.memory_space<vmem>>, %arg2: memref<400x128xf32, #tpu.memory_space<vmem>>, %arg3: memref<400x1xf32, #tpu.memory_space<vmem>>, %arg4: memref<1x128xf32, #tpu.memory_space<vmem>>, %arg5: memref<128x128xf32, #tpu.memory_space<vmem>>, %arg6: memref<400x128xf32, #tpu.memory_space<vmem>>) attributes {dimension_semantics = [#tpu.dimension_semantics<arbitrary>], iteration_bounds = array<i64: 25>, scalar_prefetch = 0 : i64, scratch_operands = 0 : i64, tpu.core_type = #tpu.core_type<tc>, window_params = [{transform_indices = @transform_0, window_bounds = array<i64: 2, 400, 128>}, {transform_indices = @transform_1, window_bounds = array<i64: 400, 128>}, {transform_indices = @transform_2, window_bounds = array<i64: 400, 1>}, {pipeline_mode = #tpu.pipeline_mode<synchronous>, transform_indices = @transform_3, window_bounds = array<i64: 1, 128>}, {pipeline_mode = #tpu.pipeline_mode<synchronous>, transform_indices = @transform_4, window_bounds = array<i64: 128, 128>}, {transform_indices = @transform_5, window_bounds = array<i64: 400, 128>}]} {
    %get3A = arith.constant 0 : index
    %get3A_0 = arith.constant 0 : index
    %get3A_1 = arith.constant 0 : index
    %get3A_2 = vector.load %arg1[%get3A, %get3A_0, %get3A_1] : memref<2x400x128xf32, #tpu.memory_space<vmem>>, vector<1x400x128xf32>
    %get3A_3 = vector.shape_cast %get3A_2 : vector<1x400x128xf32> to vector<400x128xf32>
    %get3A_4 = arith.constant 1 : index
    %get3A_5 = arith.constant 0 : index
    %get3A_6 = arith.constant 0 : index
    %get3A_7 = vector.load %arg1[%get3A_4, %get3A_5, %get3A_6] : memref<2x400x128xf32, #tpu.memory_space<vmem>>, vector<1x400x128xf32>
    %get3A_8 = vector.shape_cast %get3A_7 : vector<1x400x128xf32> to vector<400x128xf32>
    %add3A = arith.addf %get3A_3, %get3A_8 : vector<400x128xf32>
    %get3A_9 = arith.constant 0 : index
    %get3A_10 = arith.constant 0 : index
    %get3A_11 = vector.load %arg2[%get3A_9, %get3A_10] : memref<400x128xf32, #tpu.memory_space<vmem>>, vector<400x128xf32>
    %add3A_12 = arith.addf %add3A, %get3A_11 : vector<400x128xf32>
    %get3A_13 = arith.constant 0 : index
    %get3A_14 = arith.constant 0 : index
    %get3A_15 = vector.load %arg3[%get3A_13, %get3A_14] : memref<400x1xf32, #tpu.memory_space<vmem>>, vector<400x1xf32>
    %mul3A = vector.broadcast %get3A_15 : vector<400x1xf32> to vector<400x128xf32>
    %mul3A_16 = arith.mulf %add3A_12, %mul3A : vector<400x128xf32>
    %get3A_17 = arith.constant 0 : index
    %get3A_18 = arith.constant 0 : index
    %get3A_19 = vector.load %arg4[%get3A_17, %get3A_18] : memref<1x128xf32, #tpu.memory_space<vmem>>, vector<1x128xf32>
    %add3A_20 = vector.broadcast %get3A_19 : vector<1x128xf32> to vector<400x128xf32>
    %add3A_21 = arith.addf %mul3A_16, %add3A_20 : vector<400x128xf32>
    %max3A = arith.constant 0.000000e+00 : f32
    %max3A_22 = vector.broadcast %max3A : f32 to vector<400x128xf32>
    %max3A_23 = arith.maximumf %add3A_21, %max3A_22 : vector<400x128xf32>
    %get3A_24 = arith.constant 0 : index
    %get3A_25 = arith.constant 0 : index
    %get3A_26 = vector.load %arg5[%get3A_24, %get3A_25] : memref<128x128xf32, #tpu.memory_space<vmem>>, vector<128x128xf32>
    %dot_general3A = arith.constant dense<0.000000e+00> : vector<400x128xf32>
    %dot_general3A_27 = tpu.matmul %max3A_23, %get3A_26, %dot_general3A {dimension_numbers = #tpu.dot_dimension_numbers<[1], [0], [0], [1], [0, 0, 1, 1], [], []>, transpose_lhs_hint = false} : vector<400x128xf32>, vector<128x128xf32>, vector<400x128xf32> -> vector<400x128xf32>
    %get3A_28 = arith.constant 0 : index
    %get3A_29 = arith.constant 0 : index
    %get3A_30 = vector.load %arg3[%get3A_28, %get3A_29] : memref<400x1xf32, #tpu.memory_space<vmem>>, vector<400x1xf32>
    %mul3A_31 = vector.broadcast %get3A_30 : vector<400x1xf32> to vector<400x128xf32>
    %mul3A_32 = arith.mulf %dot_general3A_27, %mul3A_31 : vector<400x128xf32>
    %swap3A = arith.constant 0 : index
    %swap3A_33 = arith.constant 0 : index
    %swap3A_34 = vector.load %arg6[%swap3A, %swap3A_33] : memref<400x128xf32, #tpu.memory_space<vmem>>, vector<400x128xf32>
    tpu.vector_store %arg6[%swap3A, %swap3A_33], %mul3A_32 {strides = array<i32>} : memref<400x128xf32, #tpu.memory_space<vmem>>, vector<400x128xf32>,
    return
  }
  func.func @transform_0(%arg0: i32) -> (i32, i32, i32) {
    %c0_i32 = arith.constant 0 : i32
    %c0_i32_0 = arith.constant 0 : i32
    %c0_i32_1 = arith.constant 0 : i32
    return %c0_i32, %arg0, %c0_i32_0 : i32, i32, i32
  }
  func.func @transform_1(%arg0: i32) -> (i32, i32) {
    %c0_i32 = arith.constant 0 : i32
    %c0_i32_0 = arith.constant 0 : i32
    return %arg0, %c0_i32 : i32, i32
  }
  func.func @transform_2(%arg0: i32) -> (i32, i32) {
    %c0_i32 = arith.constant 0 : i32
    %c0_i32_0 = arith.constant 0 : i32
    return %arg0, %c0_i32 : i32, i32
  }
  func.func @transform_3(%arg0: i32) -> (i32, i32) {
    %c0_i32 = arith.constant 0 : i32
    %c0_i32_0 = arith.constant 0 : i32
    %c0_i32_1 = arith.constant 0 : i32
    return %c0_i32, %c0_i32_0 : i32, i32
  }
  func.func @transform_4(%arg0: i32) -> (i32, i32) {
    %c0_i32 = arith.constant 0 : i32
    %c0_i32_0 = arith.constant 0 : i32
    %c0_i32_1 = arith.constant 0 : i32
    return %c0_i32, %c0_i32_0 : i32, i32
  }
  func.func @transform_5(%arg0: i32) -> (i32, i32) {
    %c0_i32 = arith.constant 0 : i32
    %c0_i32_0 = arith.constant 0 : i32
    return %arg0, %c0_i32 : i32, i32
  }
}

module attributes {stable_mosaic.version = 14 : i64} {
  func.func @_final_body(%arg0: i32, %arg1: memref<2x400x128xf32, #tpu.memory_space<vmem>>, %arg2: memref<400x128xf32, #tpu.memory_space<vmem>>, %arg3: memref<400x1xf32, #tpu.memory_space<vmem>>, %arg4: memref<1x128xf32, #tpu.memory_space<vmem>>, %arg5: memref<400x128xf32, #tpu.memory_space<vmem>>) attributes {dimension_semantics = [#tpu.dimension_semantics<arbitrary>], iteration_bounds = array<i64: 25>, scalar_prefetch = 0 : i64, scratch_operands = 0 : i64, tpu.core_type = #tpu.core_type<tc>, window_params = [{transform_indices = @transform_0, window_bounds = array<i64: 2, 400, 128>}, {transform_indices = @transform_1, window_bounds = array<i64: 400, 128>}, {transform_indices = @transform_2, window_bounds = array<i64: 400, 1>}, {pipeline_mode = #tpu.pipeline_mode<synchronous>, transform_indices = @transform_3, window_bounds = array<i64: 1, 128>}, {transform_indices = @transform_4, window_bounds = array<i64: 400, 128>}]} {
    %get3A = arith.constant 0 : index
    %get3A_0 = arith.constant 0 : index
    %get3A_1 = arith.constant 0 : index
    %get3A_2 = vector.load %arg1[%get3A, %get3A_0, %get3A_1] : memref<2x400x128xf32, #tpu.memory_space<vmem>>, vector<1x400x128xf32>
    %get3A_3 = vector.shape_cast %get3A_2 : vector<1x400x128xf32> to vector<400x128xf32>
    %get3A_4 = arith.constant 1 : index
    %get3A_5 = arith.constant 0 : index
    %get3A_6 = arith.constant 0 : index
    %get3A_7 = vector.load %arg1[%get3A_4, %get3A_5, %get3A_6] : memref<2x400x128xf32, #tpu.memory_space<vmem>>, vector<1x400x128xf32>
    %get3A_8 = vector.shape_cast %get3A_7 : vector<1x400x128xf32> to vector<400x128xf32>
    %add3A = arith.addf %get3A_3, %get3A_8 : vector<400x128xf32>
    %get3A_9 = arith.constant 0 : index
    %get3A_10 = arith.constant 0 : index
    %get3A_11 = vector.load %arg2[%get3A_9, %get3A_10] : memref<400x128xf32, #tpu.memory_space<vmem>>, vector<400x128xf32>
    %add3A_12 = arith.addf %add3A, %get3A_11 : vector<400x128xf32>
    %get3A_13 = arith.constant 0 : index
    %get3A_14 = arith.constant 0 : index
    %get3A_15 = vector.load %arg3[%get3A_13, %get3A_14] : memref<400x1xf32, #tpu.memory_space<vmem>>, vector<400x1xf32>
    %mul3A = vector.broadcast %get3A_15 : vector<400x1xf32> to vector<400x128xf32>
    %mul3A_16 = arith.mulf %add3A_12, %mul3A : vector<400x128xf32>
    %get3A_17 = arith.constant 0 : index
    %get3A_18 = arith.constant 0 : index
    %get3A_19 = vector.load %arg4[%get3A_17, %get3A_18] : memref<1x128xf32, #tpu.memory_space<vmem>>, vector<1x128xf32>
    %add3A_20 = vector.broadcast %get3A_19 : vector<1x128xf32> to vector<400x128xf32>
    %add3A_21 = arith.addf %mul3A_16, %add3A_20 : vector<400x128xf32>
    %swap3A = arith.constant 0 : index
    %swap3A_22 = arith.constant 0 : index
    %swap3A_23 = vector.load %arg5[%swap3A, %swap3A_22] : memref<400x128xf32, #tpu.memory_space<vmem>>, vector<400x128xf32>
    tpu.vector_store %arg5[%swap3A, %swap3A_22], %add3A_21 {strides = array<i32>} : memref<400x128xf32, #tpu.memory_space<vmem>>, vector<400x128xf32>,
    return
  }
  func.func @transform_0(%arg0: i32) -> (i32, i32, i32) {
    %c0_i32 = arith.constant 0 : i32
    %c0_i32_0 = arith.constant 0 : i32
    %c0_i32_1 = arith.constant 0 : i32
    return %c0_i32, %arg0, %c0_i32_0 : i32, i32, i32
  }
  func.func @transform_1(%arg0: i32) -> (i32, i32) {
    %c0_i32 = arith.constant 0 : i32
    %c0_i32_0 = arith.constant 0 : i32
    return %arg0, %c0_i32 : i32, i32
  }
  func.func @transform_2(%arg0: i32) -> (i32, i32) {
    %c0_i32 = arith.constant 0 : i32
    %c0_i32_0 = arith.constant 0 : i32
    return %arg0, %c0_i32 : i32, i32
  }
  func.func @transform_3(%arg0: i32) -> (i32, i32) {
    %c0_i32 = arith.constant 0 : i32
    %c0_i32_0 = arith.constant 0 : i32
    %c0_i32_1 = arith.constant 0 : i32
    return %c0_i32, %c0_i32_0 : i32, i32
  }
  func.func @transform_4(%arg0: i32) -> (i32, i32) {
    %c0_i32 = arith.constant 0 : i32
    %c0_i32_0 = arith.constant 0 : i32
    return %arg0, %c0_i32 : i32, i32
  }
}

</mosaic_0001>

<sc_bundles>
// kernel: kernel.12.cloned.1.call-start
scs
__scs_entry_jumppad:
0x0: {  	(pc) =	sbr.rel $0x88, $3  }
0x1: {  	(tag) =	ssettag $0x0;
	lr =	simm.s32 $0x1  }
0x2: {  	[smem:$0x3F9B] =	sst lr;
	_ =	strace $0xD0000000  }
0x3: {  	_ = 	snop  }
0x4: {  	_ = 	snop  }
0x5: {  	_ = 	snop  }
0x6: {  	_ = 	snop  }
0x7: {  	_ = 	snop  }
__scs_overlays_trampoline_lowered:
0x8: {  	[smem:$0x3FAA] =	sst s0  }
0x9: {  	[smem:$0x3FAB] =	sst s1  }
0xa: {  	[smem:$0x3FAC] =	sst s2  }
0xb: {  	[smem:$0x3FAD] =	sst s3  }
0xc: {  	[smem:$0x3FAE] =	sst s4  }
0xd: {  	[smem:$0x3FAF] =	sst s5  }
0xe: {  	[smem:$0x3FB0] =	sst s6  }
0xf: {  	[smem:$0x3FB1] =	sst s7  }
0x10: {  	[smem:$0x3FB2] =	sst s8  }
0x11: {  	[smem:$0x3FB3] =	sst s9;
	s0 =	simm.s32 @!p0 $0x0  }
0x12: {  	s1 =	sld [smem:$0x3F99];
	s0 =	simm.s32 @p0 $0x1  }
0x13: {  	[smem:$0x3FB4] =	sst s0;
	s0 =	simm.s32 @!p1 $0x0  }
0x14: {  	s2 =	sld [smem:$0x3F98];
	s0 =	simm.s32 @p1 $0x1  }
0x15: {  	[smem:$0x3FB5] =	sst s0;
	s0 =	simm.s32 @!p2 $0x0  }
0x16: {  	s3 =	sld [smem:$0x3FDB];
	s0 =	simm.s32 @p2 $0x1  }
0x17: {  	s4 =	simm.s32 $0x1BF5;
	[smem:$0x3FB7] =	sst s0  }
0x18: {  	s0 =	sld [smem:$0x3F9A];
	_ =	swait.ge [sflag:s4], $0x0  }
0x19: {  	s7 =	sld [smem:$0x3F9B]  }
0x1a: {  	s8 =	sadd.s32 $0xFFFFE003, lr  }
0x1b: {  	s9 =	sadd.s32 $0xFFFFFEF7, lr;
	s5 =	simm.s32 $0xFFFFFFFF;
	p2 =	slt.u32 s8, $0xFFFFF086  }
0x1c: {  	p1 =	slt.u32 s9, $0xF7A;
	s5 =	simm.s32 @!p2 $0x0  }
0x1d: {  	s5 =	simm.s32 @p1 $0x1;
	p0 =	seq.s32 s7, s2  }
0x1e: {  	s7 =	smul.u32 @!p0 $0xF7A, s2;
	p2 =	seq.s32 @!p0 s5, $0x0  }
0x1f: {  	s9 =	smul.u32 $0xF7A, s1;
	s8 =	simm.s32 @!p0 $0x1BF5;
	p2 =	por !p2, p0  }
0x20: {  	[sflag:s8] =	ssyncset.s32 @!p0 $0xFFFFF086;
	s6 =	sadd.s32 @!p0 s3, s7;
	s7 =	simm.s32 @!p0 $0x108  }
0x21: {  	s3 =	sadd.s32 s3, s9;
	s6 =	sadd.s32 @!p0 $0x88, s6;
	s7 =	simm.s32 @p2 $0x1082  }
0x22: {  	[simem:s7], [sflag:s8] =	dma.local @!p0 [hbm:s6], $0xF7A  }
0x23: {  	s9 =	sor.u32 $0xD0000000, s2;
	s6 =	simm.s32 $0x108;
	_ =	swait.ge @!p0 [sflag:s8], $0x0  }
0x24: {  	s3 =	sadd.s32 $0x88, s3;
	s6 =	simm.s32 @!p1 $0x1082;
	[sflag:s4] =	ssyncset.s32 $0xFFFFF086  }
0x25: {  	[simem:s6], [sflag:s4] =	dma.local [hbm:s3], $0xF7A  }
0x26: {  	[smem:$0x3F9B] =	sst s1;
	(tag) =	ssettag s2;
	_ =	strace s9  }
0x27: {  	s1 =	sld [smem:$0x3FAB]  }
0x28: {  	s2 =	sld [smem:$0x3FAC]  }
0x29: {  	s4 =	sld [smem:$0x3FAE]  }
0x2a: {  	p0 =	seq.s32 s5, $0x0;
	s5 =	sld [smem:$0x3FAF]  }
0x2b: {  	s6 =	sld [smem:$0x3FB0]  }
0x2c: {  	s7 =	sld [smem:$0x3FB1]  }
0x2d: {  	s3 =	simm.s32 $0x108;
	s8 =	sld [smem:$0x3FB2]  }
0x2e: {  	s3 =	simm.s32 @!p0 $0x1082;
	s9 =	sld [smem:$0x3FB3]  }
0x2f: {  	lr =	sadd.s32 s0, s3;
	s0 =	sld [smem:$0x3FAA]  }
0x30: {  	s3 =	sld [smem:$0x3FAD]  }
0x31: {  	[smem:$0x3FB6] =	sst s10  }
0x32: {  	s10 =	sld [smem:$0x3FB4];
	_ =	sdelay $0x3  }
0x33: {  	p0 =	seq.s32 s10, $0x1;
	s10 =	sld [smem:$0x3FB6];
	_ =	sdelay $0x3  }
0x34: {  	[smem:$0x3FB6] =	sst s10  }
0x35: {  	s10 =	sld [smem:$0x3FB5];
	_ =	sdelay $0x3  }
0x36: {  	p1 =	seq.s32 s10, $0x1;
	s10 =	sld [smem:$0x3FB6];
	_ =	sdelay $0x3  }
0x37: {  	[smem:$0x3FB6] =	sst s10  }
0x38: {  	s10 =	sld [smem:$0x3FB7]  }
0x39: {  	_ = 	snop;
	(pc) =	sbr.ind lr, $3  }
0x3a: {  	_ = 	snop  }
0x3b: {  	_ = 	snop  }
0x3c: {  	p2 =	seq.s32 s10, $0x1;
	s10 =	sld [smem:$0x3FB6]  }
0x3d: {  	_ =	shalt  }
0x3e: {  	_ =	shalt  }
0x3f: {  	_ =	shalt  }
0x40: {  	_ =	shalt  }
0x41: {  	_ =	shalt  }
0x42: {  	_ =	shalt  }
0x43: {  	_ =	shalt  }
0x44: {  	_ =	shalt  }
0x45: {  	_ =	shalt  }
0x46: {  	_ =	shalt  }
0x47: {  	_ =	shalt  }
0x48: {  	_ =	shalt  }
0x49: {  	_ =	shalt  }
0x4a: {  	_ =	shalt  }
0x4b: {  	_ =	shalt  }
0x4c: {  	_ =	shalt  }
0x4d: {  	_ =	shalt  }
0x4e: {  	_ =	shalt  }
0x4f: {  	_ =	shalt  }
0x50: {  	_ =	shalt  }
0x51: {  	_ =	shalt  }
0x52: {  	_ =	shalt  }
0x53: {  	_ =	shalt  }
0x54: {  	_ =	shalt  }
0x55: {  	_ =	shalt  }
0x56: {  	_ =	shalt  }
0x57: {  	_ =	shalt  }
0x58: {  	_ =	shalt  }
0x59: {  	_ =	shalt  }
0x5a: {  	_ =	shalt  }
0x5b: {  	_ =	shalt  }
0x5c: {  	_ =	shalt  }
0x5d: {  	_ =	shalt  }
0x5e: {  	_ =	shalt  }
0x5f: {  	_ =	shalt  }
0x60: {  	_ =	shalt  }
0x61: {  	_ =	shalt  }
0x62: {  	_ =	shalt  }
0x63: {  	_ =	shalt  }
0x64: {  	_ =	shalt  }
0x65: {  	_ =	shalt  }
0x66: {  	_ =	shalt  }
0x67: {  	_ =	shalt  }
0x68: {  	_ =	shalt  }
0x69: {  	_ =	shalt  }
0x6a: {  	_ =	shalt  }
0x6b: {  	_ =	shalt  }
0x6c: {  	_ =	shalt  }
0x6d: {  	_ =	shalt  }
0x6e: {  	_ =	shalt  }
0x6f: {  	_ =	shalt  }
0x70: {  	_ =	shalt  }
0x71: {  	_ =	shalt  }
0x72: {  	_ =	shalt  }
0x73: {  	_ =	shalt  }
0x74: {  	_ =	shalt  }
0x75: {  	_ =	shalt  }
0x76: {  	_ =	shalt  }
0x77: {  	_ =	shalt  }
0x78: {  	_ =	shalt  }
0x79: {  	_ =	shalt  }
0x7a: {  	_ =	shalt  }
0x7b: {  	_ =	shalt  }
0x7c: {  	_ =	shalt  }
0x7d: {  	_ =	shalt  }
0x7e: {  	_ =	shalt  }
0x7f: {  	_ =	shalt  }
0x80: {  	_ =	shalt  }
0x81: {  	_ =	shalt  }
0x82: {  	_ =	shalt  }
0x83: {  	_ =	shalt  }
0x84: {  	_ =	shalt  }
0x85: {  	_ =	shalt  }
0x86: {  	_ =	shalt  }
0x87: {  	_ =	shalt  }
.Lfunc_end0:
.L_simem_size_0:
called_computation.1_lowered:
.L_overlay_start_0:
0x88: {  	s2 =	sld [smem:$0x3FD9]  }
0x89: {  	s3 =	sld [smem:$0x3FFE];
	_ =	sdelay $0x1  }
0x8a: {  	s1 =	srdreg.scid  }
0x8b: {  	s0 =	sand.u32 $0x1, s1  }
0x8c: {  	s17 =	sshll.u32 s0, $0xA;
	s2 =	sadd.s32 s3, s2  }
0x8d: {  	s2 =	sadd.s32 s2, s17  }
0x8e: {  	[smem:$0x3FC2] =	sst s2  }
0x8f: {  	_ = 	snop  }
0x90: {  	s2 =	sld [smem:$0x3FD0];
	(tm) =	ssettm $0x1  }
0x91: {  	s18 =	sld [smem:$0x3FFB];
	_ =	sdelay $0x3  }
0x92: {  	_ =	strace s18  }
0x93: {  	s3 =	sld [smem:$0x3FFC];
	_ =	sdelay $0x3  }
0x94: {  	_ =	strace s3  }
0x95: {  	s3 =	sld [smem:$0x3FFD];
	_ =	sdelay $0x3  }
0x96: {  	_ =	strace s3  }
0x97: {  	_ =	strace $0x8FFFFFFF  }
0x98: {  	s19 =	sld [smem:$0x3FDB];
	_ =	sdelay $0x1  }
0x99: {  	s4 =	simm.s32 $_scs_section_size  }
0x9a: {  	s5 =	simm.s32 $_size__tile_overlayer_lowered;
	s6 =	simm.s32 $_tile_overlayer_lowered  }
0x9b: {  	s22 =	simm.s32 $0x1BFF;
	s21 =	sshll.u32 s6, $0x1;
	s3 =	sadd.s32 s4, s19  }
0x9c: {  	s7 =	simm.s32 $0x0;
	s20 =	sshll.u32 s5, $0x1;
	s5 =	sadd.s32 s21, s3  }
0x9d: {  	[timem:s7], [sflag:s22] =	dma.local [hbm:s5], s20  }
0x9e: {  	_ =	swait.ge [sflag:s22], s20  }
0x9f: {  	s4 =	ssub.s32 $0x0, s20;
	[sflag:s22] =	ssyncset.done $0x0  }
0xa0: {  	[sflag:s22] =	ssyncadd.s32 s4;
	_ =	sdelay $0x1  }
0xa1: {  	s23 =	simm.s32 $0x1B8B  }
0xa2: {  	_ =	swait.ge [sflag:s23], $0x1  }
0xa3: {  	[sflag:s23] =	ssyncset.done $0x0  }
0xa4: {  	s25 =	simm.s32 $0x1B8E;
	s24 =	sld [smem:$0x3FFE];
	[sflag:s23] =	ssyncadd.s32 $0xFFFFFFFF  }
0xa5: {  	s26 =	simm.s32 $execute0_lowered;
	[smem:$0x3FD2] =	sst s25  }
0xa6: {  	s5 =	sshll.u32 s26, $0x1;
	_ =	strace $0x80000049;
	[dreg:$0x1] =	wrdreg $0xFFFFFFFF  }
0xa7: {  	s28 =	simm.s32 $_size_execute0_lowered;
	s3 =	sadd.s32 s3, s5;
	[dreg:$0x0] =	wrdreg $0x0  }
0xa8: {  	s5 =	sshll.u32 s28, $0x1;
	[dreg:$0x2] =	wrdreg s3  }
0xa9: {  	[dreg:$0x3] =	wrdreg s5  }
0xaa: {  	[dreg:$0x4] =	wrdreg $0xC0  }
0xab: {  	_ =	task [dreg:s7], $0x5FFFF  }
0xac: {  	[dreg:$0x1] =	wrdreg $0xFFFFFFFF  }
0xad: {  	[dreg:$0x0] =	wrdreg $0x60  }
0xae: {  	[dreg:$0x2] =	wrdreg s2  }
0xaf: {  	[dreg:$0x3] =	wrdreg s24  }
0xb0: {  	[dreg:$0x4] =	wrdreg $0xA8000  }
0xb1: {  	[dreg:$0x5] =	wrdreg $0x9  }
0xb2: {  	_ =	task.clear_ibuf [dreg:s7], $0x6FFFF;
	_ =	strace $0x90000049  }
0xb3: {  	s29 =	simm.s32 $0x9;
	_ =	strace $0x8000004B  }
0xb4: {  	_ =	swait.ge [sflag:s29], $0x1  }
0xb5: {  	[sflag:s29] =	ssyncadd.s32 $0xFFFFFFFF  }
0xb6: {  	_ =	strace $0x9000004B  }
0xb7: {  	_ =	sfence  }
0xb8: {  	s30 =	sld [smem:$0x0];
	_ =	sdelay $0x2  }
0xb9: {  	s31 =	sshll.u32 s1, $0xD;
	s1 =	sshrl.u32 s1, $0x2  }
0xba: {  	s3 =	sand.u32 $0x4000, s31;
	s1 =	sadd.s32 s1, s30  }
0xbb: {  	s0 =	sor.u32 s3, s0;
	s1 =	sshll.u32 s1, $0x11  }
0xbc: {  	s0 =	sor.u32 s1, s0  }
0xbd: {  	s0 =	sadd.s32 $0x8F2B, s0  }
0xbe: {  	[sflag:s0] =	ssyncadd.remote.s32 $0x1  }
0xbf: {  	_ =	sfence.sel $0xFFFF  }
0xc0: {  	[dreg:$0x0] =	wrdreg $0xFFFFFFFF;
	(pc) =	sbr.abs _section_cstart, $3  }
0xc1: {  	[dreg:$0x1] =	wrdreg $0xFFFFFFFF  }
0xc2: {  	_ =	task.clear_ibuf [dreg:s7], $0x2FFFF;
	_ =	strace $0x9FFFFFFF  }
0xc3: {  	(tm) =	ssettm $0x7FFFFFFF  }
tec
execute0_lowered:
.L_overlay_start_1:
0x0: {  	(tag) =	ssettag $0x1  }
0x1: {  	s2 =	rddreg [dreg:$0x0]  }
0x2: {  	s5 =	rddreg [dreg:$0x1]  }
0x3: {  	s3 =	rddreg [dreg:$0x2]  }
0x4: {  	s0 =	rddreg [dreg:$0x3];
	s1 =	stileid.u32  }
0x5: {  	s6 =	srdreg.scid;
	s4 =	simm.s32 $0x0;
	s16 =	simm.s32 $0x80  }
0x6: {  	s17 =	simm.s32 $0x2800;
	s18 =	simm.s32 $0x6800;
	s19 =	simm.s32 $0x1  }
0x7: {  	s20 =	simm.s32 $0x2;
	s21 =	simm.s32 $0x2700;
	s22 =	simm.s32 $0x2780  }
0x8: {  	s23 =	simm.s32 $0x0;
	s7 =	smul.u32 $0x13C00, s1;
	s6 =	sand.u32 $0x1, s6  }
0x9: {  	[smem:$0x7FF] =	sst s4;
	s9 =	sadd.s32 $0xC000, s5;
	s25 =	smul.u32 $0x4F000, s1  }
0xa: {  	s11 =	sadd.s32 $0x2000, s5;
	s30 =	sshll.u32 s1, $0x6;
	s8 =	smul.u32 $0x13C000, s6  }
0xb: {  	_ =	strace $0x8000004A;
	s12 =	sshll.u32 s6, $0x4;
	s26 =	ssub.s32 $0x2, s6  }
0xc: {  	s6 =	sor.u32 $0x1C03, s30;
	s10 =	sshrl.u32 s7, $0x3;
	s28 =	sor.u32 s1, s12  }
0xd: {  	s29 =	sshrl.u32 s26, $0x1;
	s10 =	sadd.s32 s10, s5;
	s7 =	sadd.s32 s7, s8  }
0xe: {  	s8 =	sshrl.u32 s25, $0x2;
	s12 =	smul.u32 $0x2800, s28;
	s7 =	sshrl.u32 s7, $0x3  }
0xf: {  	s14 =	ssub.s32 s26, s29;
	s15 =	sadd.s32 s8, s3;
	s13 =	sadd.s32 s7, s5  }
0x10: {  	s5 =	sadd.s32 $0x16000, s10;
	s31 =	sshrl.u32 s12, $0x3;
	s12 =	smax.u32 s14, $0x1  }
0x11: {  	s14 =	simm.s32 $0x3;
	s7 =	sadd.s32 s9, s31;
	s10 =	sadd.s32 $0x280, s31  }
0x12: {  	s8 =	sadd.s32 s11, s31;
	s9 =	sadd.s32 s9, s10;
	s10 =	sadd.s32 s11, s10  }
0x13: {  	s11 =	sadd.s32 $0x3D800, s13;
	s13 =	sshrl.u32 s15, $0x3;
	s15 =	simm.s32 $0x1400  }
.LBB2_1:
0x14: {  	[spmem:s13], [sflag:s6] =	dma.local [hbm:s5], $0x2780  }
0x15: {  	_ =	swait.ge [sflag:s14], $0x2780  }
0x16: {  	[sflag:s14] =	ssyncset.done $0x0  }
0x17: {  	[sflag:s14] =	ssyncadd.s32 $0xFFFFD880  }
0x18: {  	[bflag:$0x0] =	sbarrier.arrive $0xFFFF  }
0x19: {  	[tilespmem:s4], [sflag:$0x3] =	stream.linear.gather [hbm4b:s7+s4], $0x1400, $0x38;
	[tilespmem:$0x1E400] =	vst v63  }
0x1a: {  	_ =	swait.ge [sflag:s14], $0x1400  }
0x1b: {  	[sflag:s14] =	ssyncset.done $0x0  }
0x1c: {  	[sflag:s14] =	ssyncadd.s32 $0xFFFFEC00  }
0x1d: {  	[tilespmem:s15], [sflag:$0x3] =	stream.linear.gather [hbm4b:s8+s4], $0x1400, $0x38;
	[tilespmem:$0x1E400] =	vst v63  }
0x1e: {  	_ =	swait.ge [sflag:s14], $0x1400  }
0x1f: {  	[sflag:s14] =	ssyncset.done $0x0  }
0x20: {  	[sflag:s14] =	ssyncadd.s32 $0xFFFFEC00  }
0x21: {  	[tilespmem:s17], [sflag:$0x1] =	stream.indirect.gather [hbm4b:s2+s16], $0x80, s4, s16, $0xb8;
	[tilespmem:$0x1E400] =	vst v63  }
0x22: {  	_ = 	snop  }
0x23: {  	[tilespmem:s18], [sflag:$0x2] =	stream.indirect.gather [hbm4b:s2+s16], $0x80, s16, s16, $0xb8;
	[tilespmem:$0x1E400] =	vst v63  }
0x24: {  	_ =	swait.ge [sflag:s19], $0x4000  }
0x25: {  	[sflag:s19] =	ssyncset.done $0x0  }
0x26: {  	s24 =	simm.s32 $0x1400;
	[sflag:s19] =	ssyncadd.s32 $0xFFFFC000  }
0x27: {  	[spmem:s3] =	stream.indirect.scatter.add.f32 [tilespmem:s17], [sflag:$0x3], $0x80, s24, s16, $0xb8;
	[tilespmem:$0x1E400] =	vst v63  }
0x28: {  	_ =	swait.ge [sflag:s14], $0x4000  }
0x29: {  	[sflag:s14] =	ssyncset.done $0x0  }
0x2a: {  	s30 =	simm.s32 $0x100;
	[sflag:s14] =	ssyncadd.s32 $0xFFFFC000  }
0x2b: {  	[tilespmem:s17], [sflag:$0x1] =	stream.indirect.gather [hbm4b:s2+s16], $0x80, s30, s16, $0xb8;
	[tilespmem:$0x1E400] =	vst v63  }
0x2c: {  	_ =	swait.ge [sflag:s20], $0x4000  }
0x2d: {  	[sflag:s20] =	ssyncset.done $0x0  }
0x2e: {  	s31 =	simm.s32 $0x1480;
	[sflag:s20] =	ssyncadd.s32 $0xFFFFC000  }
0x2f: {  	[spmem:s3] =	stream.indirect.scatter.add.f32 [tilespmem:s18], [sflag:$0x3], $0x80, s31, s16, $0xb8;
	[tilespmem:$0x1E400] =	vst v63  }
0x30: {  	_ =	swait.ge [sflag:s14], $0x4000  }
0x31: {  	[sflag:s14] =	ssyncset.done $0x0  }
0x32: {  	s25 =	simm.s32 $0x180;
	s24 =	simm.s32 $0x400;
	[sflag:s14] =	ssyncadd.s32 $0xFFFFC000  }
.LBB2_2:
0x33: {  	[tilespmem:s18], [sflag:$0x2] =	stream.indirect.gather [hbm4b:s2+s16], $0x80, s25, s16, $0xb8;
	[tilespmem:$0x1E400] =	vst v63  }
0x34: {  	s25 =	smov.u32 s24  }
0x35: {  	p0 =	sne.s32 s24, $0x4800;
	s24 =	sadd.s32 $0x400, s24;
	_ =	swait.ge [sflag:s19], $0x4000  }
0x36: {  	s25 =	sshra.s32 s25, $0x2;
	[sflag:s19] =	ssyncset.done $0x0  }
0x37: {  	s26 =	sadd.s32 $0x1400, s25;
	[sflag:s19] =	ssyncadd.s32 $0xFFFFC000  }
0x38: {  	[spmem:s3] =	stream.indirect.scatter.add.f32 [tilespmem:s17], [sflag:$0x3], $0x80, s26, s16, $0xb8;
	[tilespmem:$0x1E400] =	vst v63  }
0x39: {  	_ =	swait.ge [sflag:s14], $0x4000  }
0x3a: {  	[sflag:s14] =	ssyncset.done $0x0  }
0x3b: {  	s26 =	sadd.s32 $0x100, s25;
	[sflag:s14] =	ssyncadd.s32 $0xFFFFC000  }
0x3c: {  	[tilespmem:s17], [sflag:$0x1] =	stream.indirect.gather [hbm4b:s2+s16], $0x80, s26, s16, $0xb8;
	[tilespmem:$0x1E400] =	vst v63  }
0x3d: {  	_ =	swait.ge [sflag:s20], $0x4000  }
0x3e: {  	[sflag:s20] =	ssyncset.done $0x0  }
.Ltmp0:
0x3f: {  	s26 =	sadd.s32 $0x1480, s25;
	[sflag:s20] =	ssyncadd.s32 $0xFFFFC000;
	(pc) =	sbr.rel @p0 .LBB2_2-.Ltmp0, $4  }
0x40: {  	[spmem:s3] =	stream.indirect.scatter.add.f32 [tilespmem:s18], [sflag:$0x3], $0x80, s26, s16, $0xb8;
	[tilespmem:$0x1E400] =	vst v63  }
0x41: {  	_ =	swait.ge [sflag:s14], $0x4000  }
0x42: {  	[sflag:s14] =	ssyncset.done $0x0  }
0x43: {  	s25 =	sadd.s32 $0x180, s25;
	[sflag:s14] =	ssyncadd.s32 $0xFFFFC000  }
0x44: {  	[tilespmem:s18], [sflag:$0x2] =	stream.indirect.gather [hbm4b:s2+s16], $0x80, s25, s16, $0xb8;
	[tilespmem:$0x1E400] =	vst v63  }
0x45: {  	_ =	swait.ge [sflag:s19], $0x4000  }
0x46: {  	[sflag:s19] =	ssyncset.done $0x0  }
0x47: {  	[sflag:s19] =	ssyncadd.s32 $0xFFFFC000  }
0x48: {  	[spmem:s3] =	stream.indirect.scatter.add.f32 [tilespmem:s17], [sflag:$0x3], $0x80, s21, s16, $0xb8;
	[tilespmem:$0x1E400] =	vst v63  }
0x49: {  	_ =	swait.ge [sflag:s14], $0x4000  }
0x4a: {  	[sflag:s14] =	ssyncset.done $0x0  }
0x4b: {  	[sflag:s14] =	ssyncadd.s32 $0xFFFFC000  }
0x4c: {  	_ =	swait.ge [sflag:s20], $0x4000  }
0x4d: {  	[sflag:s20] =	ssyncset.done $0x0  }
0x4e: {  	[sflag:s20] =	ssyncadd.s32 $0xFFFFC000  }
0x4f: {  	[spmem:s3] =	stream.indirect.scatter.add.f32 [tilespmem:s18], [sflag:$0x3], $0x80, s22, s16, $0xb8;
	[tilespmem:$0x1E400] =	vst v63  }
0x50: {  	_ =	swait.ge [sflag:s14], $0x4000  }
0x51: {  	[sflag:s14] =	ssyncset.done $0x0  }
0x52: {  	s24 =	simm.s32 $0x0;
	[sflag:s14] =	ssyncadd.s32 $0xFFFFC000  }
0x53: {  	[tilespmem:s24], [sflag:$0x3] =	stream.linear.gather [hbm4b:s9+s24], $0x1400, $0x38;
	[tilespmem:$0x1E400] =	vst v63  }
0x54: {  	_ =	swait.ge [sflag:s14], $0x1400  }
0x55: {  	[sflag:s14] =	ssyncset.done $0x0  }
0x56: {  	[sflag:s14] =	ssyncadd.s32 $0xFFFFEC00  }
0x57: {  	[tilespmem:s15], [sflag:$0x3] =	stream.linear.gather [hbm4b:s10+s24], $0x1400, $0x38;
	[tilespmem:$0x1E400] =	vst v63  }
0x58: {  	_ =	swait.ge [sflag:s14], $0x1400  }
0x59: {  	[sflag:s14] =	ssyncset.done $0x0  }
0x5a: {  	[sflag:s14] =	ssyncadd.s32 $0xFFFFEC00  }
0x5b: {  	[tilespmem:s17], [sflag:$0x1] =	stream.indirect.gather [hbm4b:s2+s16], $0x80, s24, s16, $0xb8;
	[tilespmem:$0x1E400] =	vst v63  }
0x5c: {  	_ = 	snop  }
0x5d: {  	[tilespmem:s18], [sflag:$0x2] =	stream.indirect.gather [hbm4b:s2+s16], $0x80, s16, s16, $0xb8;
	[tilespmem:$0x1E400] =	vst v63  }
0x5e: {  	_ =	swait.ge [sflag:s19], $0x4000  }
0x5f: {  	[sflag:s19] =	ssyncset.done $0x0  }
0x60: {  	s29 =	simm.s32 $0x1400;
	[sflag:s19] =	ssyncadd.s32 $0xFFFFC000  }
0x61: {  	[spmem:s3] =	stream.indirect.scatter.add.f32 [tilespmem:s17], [sflag:$0x3], $0x80, s29, s16, $0xb8;
	[tilespmem:$0x1E400] =	vst v63  }
0x62: {  	_ =	swait.ge [sflag:s14], $0x4000  }
0x63: {  	[sflag:s14] =	ssyncset.done $0x0  }
0x64: {  	s30 =	simm.s32 $0x100;
	[sflag:s14] =	ssyncadd.s32 $0xFFFFC000  }
0x65: {  	[tilespmem:s17], [sflag:$0x1] =	stream.indirect.gather [hbm4b:s2+s16], $0x80, s30, s16, $0xb8;
	[tilespmem:$0x1E400] =	vst v63  }
0x66: {  	_ =	swait.ge [sflag:s20], $0x4000  }
0x67: {  	[sflag:s20] =	ssyncset.done $0x0  }
0x68: {  	s31 =	simm.s32 $0x1480;
	[sflag:s20] =	ssyncadd.s32 $0xFFFFC000  }
0x69: {  	[spmem:s3] =	stream.indirect.scatter.add.f32 [tilespmem:s18], [sflag:$0x3], $0x80, s31, s16, $0xb8;
	[tilespmem:$0x1E400] =	vst v63  }
0x6a: {  	_ =	swait.ge [sflag:s14], $0x4000  }
0x6b: {  	[sflag:s14] =	ssyncset.done $0x0  }
0x6c: {  	s25 =	simm.s32 $0x180;
	s24 =	simm.s32 $0x400;
	[sflag:s14] =	ssyncadd.s32 $0xFFFFC000  }
.LBB2_4:
0x6d: {  	[tilespmem:s18], [sflag:$0x2] =	stream.indirect.gather [hbm4b:s2+s16], $0x80, s25, s16, $0xb8;
	[tilespmem:$0x1E400] =	vst v63  }
0x6e: {  	s25 =	smov.u32 s24  }
0x6f: {  	p0 =	sne.s32 s24, $0x4800;
	s24 =	sadd.s32 $0x400, s24;
	_ =	swait.ge [sflag:s19], $0x4000  }
0x70: {  	s25 =	sshra.s32 s25, $0x2;
	[sflag:s19] =	ssyncset.done $0x0  }
0x71: {  	s26 =	sadd.s32 $0x1400, s25;
	[sflag:s19] =	ssyncadd.s32 $0xFFFFC000  }
0x72: {  	[spmem:s3] =	stream.indirect.scatter.add.f32 [tilespmem:s17], [sflag:$0x3], $0x80, s26, s16, $0xb8;
	[tilespmem:$0x1E400] =	vst v63  }
0x73: {  	_ =	swait.ge [sflag:s14], $0x4000  }
0x74: {  	[sflag:s14] =	ssyncset.done $0x0  }
0x75: {  	s26 =	sadd.s32 $0x100, s25;
	[sflag:s14] =	ssyncadd.s32 $0xFFFFC000  }
0x76: {  	[tilespmem:s17], [sflag:$0x1] =	stream.indirect.gather [hbm4b:s2+s16], $0x80, s26, s16, $0xb8;
	[tilespmem:$0x1E400] =	vst v63  }
0x77: {  	_ =	swait.ge [sflag:s20], $0x4000  }
0x78: {  	[sflag:s20] =	ssyncset.done $0x0  }
.Ltmp1:
0x79: {  	s26 =	sadd.s32 $0x1480, s25;
	[sflag:s20] =	ssyncadd.s32 $0xFFFFC000;
	(pc) =	sbr.rel @p0 .LBB2_4-.Ltmp1, $4  }
0x7a: {  	[spmem:s3] =	stream.indirect.scatter.add.f32 [tilespmem:s18], [sflag:$0x3], $0x80, s26, s16, $0xb8;
	[tilespmem:$0x1E400] =	vst v63  }
0x7b: {  	_ =	swait.ge [sflag:s14], $0x4000  }
0x7c: {  	[sflag:s14] =	ssyncset.done $0x0  }
0x7d: {  	s25 =	sadd.s32 $0x180, s25;
	[sflag:s14] =	ssyncadd.s32 $0xFFFFC000  }
0x7e: {  	[tilespmem:s18], [sflag:$0x2] =	stream.indirect.gather [hbm4b:s2+s16], $0x80, s25, s16, $0xb8;
	[tilespmem:$0x1E400] =	vst v63  }
0x7f: {  	_ =	swait.ge [sflag:s19], $0x4000  }
0x80: {  	[sflag:s19] =	ssyncset.done $0x0  }
0x81: {  	[sflag:s19] =	ssyncadd.s32 $0xFFFFC000  }
0x82: {  	[spmem:s3] =	stream.indirect.scatter.add.f32 [tilespmem:s17], [sflag:$0x3], $0x80, s21, s16, $0xb8;
	[tilespmem:$0x1E400] =	vst v63  }
0x83: {  	_ =	swait.ge [sflag:s14], $0x4000  }
0x84: {  	[sflag:s14] =	ssyncset.done $0x0  }
0x85: {  	[sflag:s14] =	ssyncadd.s32 $0xFFFFC000  }
0x86: {  	_ =	swait.ge [sflag:s20], $0x4000  }
0x87: {  	[sflag:s20] =	ssyncset.done $0x0  }
0x88: {  	[sflag:s20] =	ssyncadd.s32 $0xFFFFC000  }
0x89: {  	[spmem:s3] =	stream.indirect.scatter.add.f32 [tilespmem:s18], [sflag:$0x3], $0x80, s22, s16, $0xb8;
	[tilespmem:$0x1E400] =	vst v63  }
0x8a: {  	_ =	swait.ge [sflag:s14], $0x4000  }
0x8b: {  	s23 =	sadd.s32 $0x1, s23;
	[sflag:s14] =	ssyncset.done $0x0  }
0x8c: {  	p0 =	sne.s32 s23, s12;
	[sflag:s14] =	ssyncadd.s32 $0xFFFFC000  }
.Ltmp2:
0x8d: {  	[bflag:$0x0] =	sbarrier.arrive $0xFFFF;
	(pc) =	sbr.rel @p0 .LBB2_1-.Ltmp2, $4  }
0x8e: {  	[hbm:s11], [sflag:s6] =	dma.local [spmem:s13], $0x2780  }
0x8f: {  	_ =	swait.ge [sflag:s14], $0x2780  }
0x90: {  	[sflag:s14] =	ssyncset.done $0x0  }
0x91: {  	[sflag:s14] =	ssyncadd.s32 $0xFFFFD880  }
0x92: {  	_ =	sfence.sel $0x180000  }
0x93: {  	[bflag:$0x0] =	sbarrier.arrive $0xFFFF  }
0x94: {  	p0 =	sne.s32 s1, $0x0;
	_ =	strace $0x9000004A  }
0x95: {  	s0 =	sadd.s32 @!p0 $0x100000, s0;
	[bflag:$0x2] =	sbarrier.arrive $0xFFFF  }
0x96: {  	[sflag:s0] =	ssyncadd.tile.s32 @!p0 $0x1;
	_ =	shalt  }
.Lfunc_end2:
_tile_overlayer_lowered:
.L_overlay_start_2:
0x97: {  	(tag) =	ssettag $0x2  }
0x98: {  	s0 =	rddreg [dreg:$0x0];
	s2 =	stileid.u32  }
0x99: {  	s1 =	rddreg [dreg:$0x1];
	p0 =	sne.s32 s2, $0x0  }
0x9a: {  	s3 =	rddreg [dreg:$0x2];
	[bflag:$0x3] =	sbarrier.arrive $0xFFFF;
	s2 =	simm.s32 @!p0 $0x1C03  }
0x9b: {  	[timem:s3], [sflag:s2] =	dma.local @!p0 [hbm:s0], s1  }
0x9c: {  	s0 =	simm.s32 @!p0 $0x3  }
0x9d: {  	_ =	swait.ge @!p0 [sflag:s0], s1  }
0x9e: {  	s1 =	ssub.s32 @!p0 $0x0, s1;
	[sflag:s0] =	ssyncset.done @!p0 $0x0  }
0x9f: {  	[sflag:s0] =	ssyncadd.s32 @!p0 s1  }
0xa0: {  	[bflag:$0x3] =	sbarrier.arrive $0xFFFF  }
0xa1: {  	_ =	shalt  }

// kernel: kernel.15.cloned.1.call-start
scs
__scs_entry_jumppad:
0x0: {  	(pc) =	sbr.rel $0x88, $3  }
0x1: {  	(tag) =	ssettag $0x0;
	lr =	simm.s32 $0x1  }
0x2: {  	[smem:$0x3F9B] =	sst lr;
	_ =	strace $0xD0000000  }
0x3: {  	_ = 	snop  }
0x4: {  	_ = 	snop  }
0x5: {  	_ = 	snop  }
0x6: {  	_ = 	snop  }
0x7: {  	_ = 	snop  }
__scs_overlays_trampoline_lowered:
0x8: {  	[smem:$0x3FAA] =	sst s0  }
0x9: {  	[smem:$0x3FAB] =	sst s1  }
0xa: {  	[smem:$0x3FAC] =	sst s2  }
0xb: {  	[smem:$0x3FAD] =	sst s3  }
0xc: {  	[smem:$0x3FAE] =	sst s4  }
0xd: {  	[smem:$0x3FAF] =	sst s5  }
0xe: {  	[smem:$0x3FB0] =	sst s6  }
0xf: {  	[smem:$0x3FB1] =	sst s7  }
0x10: {  	[smem:$0x3FB2] =	sst s8  }
0x11: {  	[smem:$0x3FB3] =	sst s9;
	s0 =	simm.s32 @!p0 $0x0  }
0x12: {  	s1 =	sld [smem:$0x3F99];
	s0 =	simm.s32 @p0 $0x1  }
0x13: {  	[smem:$0x3FB4] =	sst s0;
	s0 =	simm.s32 @!p1 $0x0  }
0x14: {  	s2 =	sld [smem:$0x3F98];
	s0 =	simm.s32 @p1 $0x1  }
0x15: {  	[smem:$0x3FB5] =	sst s0;
	s0 =	simm.s32 @!p2 $0x0  }
0x16: {  	s3 =	sld [smem:$0x3FDB];
	s0 =	simm.s32 @p2 $0x1  }
0x17: {  	s4 =	simm.s32 $0x1BF5;
	[smem:$0x3FB7] =	sst s0  }
0x18: {  	s0 =	sld [smem:$0x3F9A];
	_ =	swait.ge [sflag:s4], $0x0  }
0x19: {  	s7 =	sld [smem:$0x3F9B]  }
0x1a: {  	s8 =	sadd.s32 $0xFFFFE003, lr  }
0x1b: {  	s9 =	sadd.s32 $0xFFFFFEF7, lr;
	s5 =	simm.s32 $0xFFFFFFFF;
	p2 =	slt.u32 s8, $0xFFFFF086  }
0x1c: {  	p1 =	slt.u32 s9, $0xF7A;
	s5 =	simm.s32 @!p2 $0x0  }
0x1d: {  	s5 =	simm.s32 @p1 $0x1;
	p0 =	seq.s32 s7, s2  }
0x1e: {  	s7 =	smul.u32 @!p0 $0xF7A, s2;
	p2 =	seq.s32 @!p0 s5, $0x0  }
0x1f: {  	s9 =	smul.u32 $0xF7A, s1;
	s8 =	simm.s32 @!p0 $0x1BF5;
	p2 =	por !p2, p0  }
0x20: {  	[sflag:s8] =	ssyncset.s32 @!p0 $0xFFFFF086;
	s6 =	sadd.s32 @!p0 s3, s7;
	s7 =	simm.s32 @!p0 $0x108  }
0x21: {  	s3 =	sadd.s32 s3, s9;
	s6 =	sadd.s32 @!p0 $0x88, s6;
	s7 =	simm.s32 @p2 $0x1082  }
0x22: {  	[simem:s7], [sflag:s8] =	dma.local @!p0 [hbm:s6], $0xF7A  }
0x23: {  	s9 =	sor.u32 $0xD0000000, s2;
	s6 =	simm.s32 $0x108;
	_ =	swait.ge @!p0 [sflag:s8], $0x0  }
0x24: {  	s3 =	sadd.s32 $0x88, s3;
	s6 =	simm.s32 @!p1 $0x1082;
	[sflag:s4] =	ssyncset.s32 $0xFFFFF086  }
0x25: {  	[simem:s6], [sflag:s4] =	dma.local [hbm:s3], $0xF7A  }
0x26: {  	[smem:$0x3F9B] =	sst s1;
	(tag) =	ssettag s2;
	_ =	strace s9  }
0x27: {  	s1 =	sld [smem:$0x3FAB]  }
0x28: {  	s2 =	sld [smem:$0x3FAC]  }
0x29: {  	s4 =	sld [smem:$0x3FAE]  }
0x2a: {  	p0 =	seq.s32 s5, $0x0;
	s5 =	sld [smem:$0x3FAF]  }
0x2b: {  	s6 =	sld [smem:$0x3FB0]  }
0x2c: {  	s7 =	sld [smem:$0x3FB1]  }
0x2d: {  	s3 =	simm.s32 $0x108;
	s8 =	sld [smem:$0x3FB2]  }
0x2e: {  	s3 =	simm.s32 @!p0 $0x1082;
	s9 =	sld [smem:$0x3FB3]  }
0x2f: {  	lr =	sadd.s32 s0, s3;
	s0 =	sld [smem:$0x3FAA]  }
0x30: {  	s3 =	sld [smem:$0x3FAD]  }
0x31: {  	[smem:$0x3FB6] =	sst s10  }
0x32: {  	s10 =	sld [smem:$0x3FB4];
	_ =	sdelay $0x3  }
0x33: {  	p0 =	seq.s32 s10, $0x1;
	s10 =	sld [smem:$0x3FB6];
	_ =	sdelay $0x3  }
0x34: {  	[smem:$0x3FB6] =	sst s10  }
0x35: {  	s10 =	sld [smem:$0x3FB5];
	_ =	sdelay $0x3  }
0x36: {  	p1 =	seq.s32 s10, $0x1;
	s10 =	sld [smem:$0x3FB6];
	_ =	sdelay $0x3  }
0x37: {  	[smem:$0x3FB6] =	sst s10  }
0x38: {  	s10 =	sld [smem:$0x3FB7]  }
0x39: {  	_ = 	snop;
	(pc) =	sbr.ind lr, $3  }
0x3a: {  	_ = 	snop  }
0x3b: {  	_ = 	snop  }
0x3c: {  	p2 =	seq.s32 s10, $0x1;
	s10 =	sld [smem:$0x3FB6]  }
0x3d: {  	_ =	shalt  }
0x3e: {  	_ =	shalt  }
0x3f: {  	_ =	shalt  }
0x40: {  	_ =	shalt  }
0x41: {  	_ =	shalt  }
0x42: {  	_ =	shalt  }
0x43: {  	_ =	shalt  }
0x44: {  	_ =	shalt  }
0x45: {  	_ =	shalt  }
0x46: {  	_ =	shalt  }
0x47: {  	_ =	shalt  }
0x48: {  	_ =	shalt  }
0x49: {  	_ =	shalt  }
0x4a: {  	_ =	shalt  }
0x4b: {  	_ =	shalt  }
0x4c: {  	_ =	shalt  }
0x4d: {  	_ =	shalt  }
0x4e: {  	_ =	shalt  }
0x4f: {  	_ =	shalt  }
0x50: {  	_ =	shalt  }
0x51: {  	_ =	shalt  }
0x52: {  	_ =	shalt  }
0x53: {  	_ =	shalt  }
0x54: {  	_ =	shalt  }
0x55: {  	_ =	shalt  }
0x56: {  	_ =	shalt  }
0x57: {  	_ =	shalt  }
0x58: {  	_ =	shalt  }
0x59: {  	_ =	shalt  }
0x5a: {  	_ =	shalt  }
0x5b: {  	_ =	shalt  }
0x5c: {  	_ =	shalt  }
0x5d: {  	_ =	shalt  }
0x5e: {  	_ =	shalt  }
0x5f: {  	_ =	shalt  }
0x60: {  	_ =	shalt  }
0x61: {  	_ =	shalt  }
0x62: {  	_ =	shalt  }
0x63: {  	_ =	shalt  }
0x64: {  	_ =	shalt  }
0x65: {  	_ =	shalt  }
0x66: {  	_ =	shalt  }
0x67: {  	_ =	shalt  }
0x68: {  	_ =	shalt  }
0x69: {  	_ =	shalt  }
0x6a: {  	_ =	shalt  }
0x6b: {  	_ =	shalt  }
0x6c: {  	_ =	shalt  }
0x6d: {  	_ =	shalt  }
0x6e: {  	_ =	shalt  }
0x6f: {  	_ =	shalt  }
0x70: {  	_ =	shalt  }
0x71: {  	_ =	shalt  }
0x72: {  	_ =	shalt  }
0x73: {  	_ =	shalt  }
0x74: {  	_ =	shalt  }
0x75: {  	_ =	shalt  }
0x76: {  	_ =	shalt  }
0x77: {  	_ =	shalt  }
0x78: {  	_ =	shalt  }
0x79: {  	_ =	shalt  }
0x7a: {  	_ =	shalt  }
0x7b: {  	_ =	shalt  }
0x7c: {  	_ =	shalt  }
0x7d: {  	_ =	shalt  }
0x7e: {  	_ =	shalt  }
0x7f: {  	_ =	shalt  }
0x80: {  	_ =	shalt  }
0x81: {  	_ =	shalt  }
0x82: {  	_ =	shalt  }
0x83: {  	_ =	shalt  }
0x84: {  	_ =	shalt  }
0x85: {  	_ =	shalt  }
0x86: {  	_ =	shalt  }
0x87: {  	_ =	shalt  }
.Lfunc_end0:
.L_simem_size_0:
called_computation.2_lowered:
.L_overlay_start_0:
0x88: {  	s2 =	sld [smem:$0x3FD9]  }
0x89: {  	s3 =	sld [smem:$0x3FFE];
	_ =	sdelay $0x1  }
0x8a: {  	s1 =	srdreg.scid  }
0x8b: {  	s0 =	sand.u32 $0x1, s1  }
0x8c: {  	s17 =	sshll.u32 s0, $0xA;
	s2 =	sadd.s32 s3, s2  }
0x8d: {  	s2 =	sadd.s32 s2, s17  }
0x8e: {  	[smem:$0x3FC2] =	sst s2  }
0x8f: {  	_ = 	snop  }
0x90: {  	s2 =	sld [smem:$0x3FD0];
	(tm) =	ssettm $0x1  }
0x91: {  	s18 =	sld [smem:$0x3FFB];
	_ =	sdelay $0x3  }
0x92: {  	_ =	strace s18  }
0x93: {  	s3 =	sld [smem:$0x3FFC];
	_ =	sdelay $0x3  }
0x94: {  	_ =	strace s3  }
0x95: {  	s3 =	sld [smem:$0x3FFD];
	_ =	sdelay $0x3  }
0x96: {  	_ =	strace s3  }
0x97: {  	_ =	strace $0x8FFFFFFF  }
0x98: {  	s19 =	sld [smem:$0x3FDB];
	_ =	sdelay $0x1  }
0x99: {  	s4 =	simm.s32 $_scs_section_size  }
0x9a: {  	s5 =	simm.s32 $_size__tile_overlayer_lowered;
	s6 =	simm.s32 $_tile_overlayer_lowered  }
0x9b: {  	s22 =	simm.s32 $0x1BFF;
	s21 =	sshll.u32 s6, $0x1;
	s3 =	sadd.s32 s4, s19  }
0x9c: {  	s7 =	simm.s32 $0x0;
	s20 =	sshll.u32 s5, $0x1;
	s5 =	sadd.s32 s21, s3  }
0x9d: {  	[timem:s7], [sflag:s22] =	dma.local [hbm:s5], s20  }
0x9e: {  	_ =	swait.ge [sflag:s22], s20  }
0x9f: {  	s4 =	ssub.s32 $0x0, s20;
	[sflag:s22] =	ssyncset.done $0x0  }
0xa0: {  	[sflag:s22] =	ssyncadd.s32 s4;
	_ =	sdelay $0x1  }
0xa1: {  	s23 =	simm.s32 $0x1B8B  }
0xa2: {  	_ =	swait.ge [sflag:s23], $0x1  }
0xa3: {  	[sflag:s23] =	ssyncset.done $0x0  }
0xa4: {  	s25 =	simm.s32 $0x1B8E;
	s24 =	sld [smem:$0x3FFE];
	[sflag:s23] =	ssyncadd.s32 $0xFFFFFFFF  }
0xa5: {  	s26 =	simm.s32 $execute0_lowered;
	[smem:$0x3FD2] =	sst s25  }
0xa6: {  	s5 =	sshll.u32 s26, $0x1;
	_ =	strace $0x8000004C;
	[dreg:$0x1] =	wrdreg $0xFFFFFFFF  }
0xa7: {  	s28 =	simm.s32 $_size_execute0_lowered;
	s3 =	sadd.s32 s3, s5;
	[dreg:$0x0] =	wrdreg $0x0  }
0xa8: {  	s5 =	sshll.u32 s28, $0x1;
	[dreg:$0x2] =	wrdreg s3  }
0xa9: {  	[dreg:$0x3] =	wrdreg s5  }
0xaa: {  	[dreg:$0x4] =	wrdreg $0xC0  }
0xab: {  	_ =	task [dreg:s7], $0x5FFFF  }
0xac: {  	[dreg:$0x1] =	wrdreg $0xFFFFFFFF  }
0xad: {  	[dreg:$0x0] =	wrdreg $0x60  }
0xae: {  	[dreg:$0x2] =	wrdreg s2  }
0xaf: {  	[dreg:$0x3] =	wrdreg s24  }
0xb0: {  	[dreg:$0x4] =	wrdreg $0xA8000  }
0xb1: {  	[dreg:$0x5] =	wrdreg $0x9  }
0xb2: {  	_ =	task.clear_ibuf [dreg:s7], $0x6FFFF;
	_ =	strace $0x9000004C  }
0xb3: {  	s29 =	simm.s32 $0x9;
	_ =	strace $0x8000004E  }
0xb4: {  	_ =	swait.ge [sflag:s29], $0x1  }
0xb5: {  	[sflag:s29] =	ssyncadd.s32 $0xFFFFFFFF  }
0xb6: {  	_ =	strace $0x9000004E  }
0xb7: {  	_ =	sfence  }
0xb8: {  	s30 =	sld [smem:$0x0];
	_ =	sdelay $0x2  }
0xb9: {  	s31 =	sshll.u32 s1, $0xD;
	s1 =	sshrl.u32 s1, $0x2  }
0xba: {  	s3 =	sand.u32 $0x4000, s31;
	s1 =	sadd.s32 s1, s30  }
0xbb: {  	s0 =	sor.u32 s3, s0;
	s1 =	sshll.u32 s1, $0x11  }
0xbc: {  	s0 =	sor.u32 s1, s0  }
0xbd: {  	s0 =	sadd.s32 $0x8F2B, s0  }
0xbe: {  	[sflag:s0] =	ssyncadd.remote.s32 $0x1  }
0xbf: {  	_ =	sfence.sel $0xFFFF  }
0xc0: {  	[dreg:$0x0] =	wrdreg $0xFFFFFFFF;
	(pc) =	sbr.abs _section_cstart, $3  }
0xc1: {  	[dreg:$0x1] =	wrdreg $0xFFFFFFFF  }
0xc2: {  	_ =	task.clear_ibuf [dreg:s7], $0x2FFFF;
	_ =	strace $0x9FFFFFFF  }
0xc3: {  	(tm) =	ssettm $0x7FFFFFFF  }
tec
execute0_lowered:
.L_overlay_start_1:
0x0: {  	(tag) =	ssettag $0x1  }
0x1: {  	s2 =	rddreg [dreg:$0x0]  }
0x2: {  	s5 =	rddreg [dreg:$0x1]  }
0x3: {  	s3 =	rddreg [dreg:$0x2]  }
0x4: {  	s0 =	rddreg [dreg:$0x3];
	s1 =	stileid.u32  }
0x5: {  	s6 =	srdreg.scid;
	s4 =	simm.s32 $0x0;
	s16 =	simm.s32 $0x80  }
0x6: {  	s17 =	simm.s32 $0x2800;
	s18 =	simm.s32 $0x6800;
	s19 =	simm.s32 $0x1  }
0x7: {  	s20 =	simm.s32 $0x2;
	s21 =	simm.s32 $0x2700;
	s22 =	simm.s32 $0x2780  }
0x8: {  	s23 =	simm.s32 $0x0;
	s7 =	smul.u32 $0x13C00, s1;
	s6 =	sand.u32 $0x1, s6  }
0x9: {  	[smem:$0x7FF] =	sst s4;
	s9 =	sadd.s32 $0xC000, s5;
	s25 =	smul.u32 $0x4F000, s1  }
0xa: {  	s11 =	sadd.s32 $0x2000, s5;
	s30 =	sshll.u32 s1, $0x6;
	s8 =	smul.u32 $0x13C000, s6  }
0xb: {  	_ =	strace $0x8000004D;
	s12 =	sshll.u32 s6, $0x4;
	s26 =	ssub.s32 $0x2, s6  }
0xc: {  	s6 =	sor.u32 $0x1C03, s30;
	s10 =	sshrl.u32 s7, $0x3;
	s28 =	sor.u32 s1, s12  }
0xd: {  	s29 =	sshrl.u32 s26, $0x1;
	s10 =	sadd.s32 s10, s5;
	s7 =	sadd.s32 s7, s8  }
0xe: {  	s8 =	sshrl.u32 s25, $0x2;
	s12 =	smul.u32 $0x2800, s28;
	s7 =	sshrl.u32 s7, $0x3  }
0xf: {  	s14 =	ssub.s32 s26, s29;
	s15 =	sadd.s32 s8, s3;
	s13 =	sadd.s32 s7, s5  }
0x10: {  	s5 =	sadd.s32 $0x16000, s10;
	s31 =	sshrl.u32 s12, $0x3;
	s12 =	smax.u32 s14, $0x1  }
0x11: {  	s14 =	simm.s32 $0x3;
	s7 =	sadd.s32 s9, s31;
	s10 =	sadd.s32 $0x280, s31  }
0x12: {  	s8 =	sadd.s32 s11, s31;
	s9 =	sadd.s32 s9, s10;
	s10 =	sadd.s32 s11, s10  }
0x13: {  	s11 =	sadd.s32 $0x3D800, s13;
	s13 =	sshrl.u32 s15, $0x3;
	s15 =	simm.s32 $0x1400  }
.LBB2_1:
0x14: {  	[spmem:s13], [sflag:s6] =	dma.local [hbm:s5], $0x2780  }
0x15: {  	_ =	swait.ge [sflag:s14], $0x2780  }
0x16: {  	[sflag:s14] =	ssyncset.done $0x0  }
0x17: {  	[sflag:s14] =	ssyncadd.s32 $0xFFFFD880  }
0x18: {  	[bflag:$0x0] =	sbarrier.arrive $0xFFFF  }
0x19: {  	[tilespmem:s4], [sflag:$0x3] =	stream.linear.gather [hbm4b:s7+s4], $0x1400, $0x38;
	[tilespmem:$0x1E400] =	vst v63  }
0x1a: {  	_ =	swait.ge [sflag:s14], $0x1400  }
0x1b: {  	[sflag:s14] =	ssyncset.done $0x0  }
0x1c: {  	[sflag:s14] =	ssyncadd.s32 $0xFFFFEC00  }
0x1d: {  	[tilespmem:s15], [sflag:$0x3] =	stream.linear.gather [hbm4b:s8+s4], $0x1400, $0x38;
	[tilespmem:$0x1E400] =	vst v63  }
0x1e: {  	_ =	swait.ge [sflag:s14], $0x1400  }
0x1f: {  	[sflag:s14] =	ssyncset.done $0x0  }
0x20: {  	[sflag:s14] =	ssyncadd.s32 $0xFFFFEC00  }
0x21: {  	[tilespmem:s17], [sflag:$0x1] =	stream.indirect.gather [hbm4b:s2+s16], $0x80, s4, s16, $0xb8;
	[tilespmem:$0x1E400] =	vst v63  }
0x22: {  	_ = 	snop  }
0x23: {  	[tilespmem:s18], [sflag:$0x2] =	stream.indirect.gather [hbm4b:s2+s16], $0x80, s16, s16, $0xb8;
	[tilespmem:$0x1E400] =	vst v63  }
0x24: {  	_ =	swait.ge [sflag:s19], $0x4000  }
0x25: {  	[sflag:s19] =	ssyncset.done $0x0  }
0x26: {  	s24 =	simm.s32 $0x1400;
	[sflag:s19] =	ssyncadd.s32 $0xFFFFC000  }
0x27: {  	[spmem:s3] =	stream.indirect.scatter.add.f32 [tilespmem:s17], [sflag:$0x3], $0x80, s24, s16, $0xb8;
	[tilespmem:$0x1E400] =	vst v63  }
0x28: {  	_ =	swait.ge [sflag:s14], $0x4000  }
0x29: {  	[sflag:s14] =	ssyncset.done $0x0  }
0x2a: {  	s30 =	simm.s32 $0x100;
	[sflag:s14] =	ssyncadd.s32 $0xFFFFC000  }
0x2b: {  	[tilespmem:s17], [sflag:$0x1] =	stream.indirect.gather [hbm4b:s2+s16], $0x80, s30, s16, $0xb8;
	[tilespmem:$0x1E400] =	vst v63  }
0x2c: {  	_ =	swait.ge [sflag:s20], $0x4000  }
0x2d: {  	[sflag:s20] =	ssyncset.done $0x0  }
0x2e: {  	s31 =	simm.s32 $0x1480;
	[sflag:s20] =	ssyncadd.s32 $0xFFFFC000  }
0x2f: {  	[spmem:s3] =	stream.indirect.scatter.add.f32 [tilespmem:s18], [sflag:$0x3], $0x80, s31, s16, $0xb8;
	[tilespmem:$0x1E400] =	vst v63  }
0x30: {  	_ =	swait.ge [sflag:s14], $0x4000  }
0x31: {  	[sflag:s14] =	ssyncset.done $0x0  }
0x32: {  	s25 =	simm.s32 $0x180;
	s24 =	simm.s32 $0x400;
	[sflag:s14] =	ssyncadd.s32 $0xFFFFC000  }
.LBB2_2:
0x33: {  	[tilespmem:s18], [sflag:$0x2] =	stream.indirect.gather [hbm4b:s2+s16], $0x80, s25, s16, $0xb8;
	[tilespmem:$0x1E400] =	vst v63  }
0x34: {  	s25 =	smov.u32 s24  }
0x35: {  	p0 =	sne.s32 s24, $0x4800;
	s24 =	sadd.s32 $0x400, s24;
	_ =	swait.ge [sflag:s19], $0x4000  }
0x36: {  	s25 =	sshra.s32 s25, $0x2;
	[sflag:s19] =	ssyncset.done $0x0  }
0x37: {  	s26 =	sadd.s32 $0x1400, s25;
	[sflag:s19] =	ssyncadd.s32 $0xFFFFC000  }
0x38: {  	[spmem:s3] =	stream.indirect.scatter.add.f32 [tilespmem:s17], [sflag:$0x3], $0x80, s26, s16, $0xb8;
	[tilespmem:$0x1E400] =	vst v63  }
0x39: {  	_ =	swait.ge [sflag:s14], $0x4000  }
0x3a: {  	[sflag:s14] =	ssyncset.done $0x0  }
0x3b: {  	s26 =	sadd.s32 $0x100, s25;
	[sflag:s14] =	ssyncadd.s32 $0xFFFFC000  }
0x3c: {  	[tilespmem:s17], [sflag:$0x1] =	stream.indirect.gather [hbm4b:s2+s16], $0x80, s26, s16, $0xb8;
	[tilespmem:$0x1E400] =	vst v63  }
0x3d: {  	_ =	swait.ge [sflag:s20], $0x4000  }
0x3e: {  	[sflag:s20] =	ssyncset.done $0x0  }
.Ltmp0:
0x3f: {  	s26 =	sadd.s32 $0x1480, s25;
	[sflag:s20] =	ssyncadd.s32 $0xFFFFC000;
	(pc) =	sbr.rel @p0 .LBB2_2-.Ltmp0, $4  }
0x40: {  	[spmem:s3] =	stream.indirect.scatter.add.f32 [tilespmem:s18], [sflag:$0x3], $0x80, s26, s16, $0xb8;
	[tilespmem:$0x1E400] =	vst v63  }
0x41: {  	_ =	swait.ge [sflag:s14], $0x4000  }
0x42: {  	[sflag:s14] =	ssyncset.done $0x0  }
0x43: {  	s25 =	sadd.s32 $0x180, s25;
	[sflag:s14] =	ssyncadd.s32 $0xFFFFC000  }
0x44: {  	[tilespmem:s18], [sflag:$0x2] =	stream.indirect.gather [hbm4b:s2+s16], $0x80, s25, s16, $0xb8;
	[tilespmem:$0x1E400] =	vst v63  }
0x45: {  	_ =	swait.ge [sflag:s19], $0x4000  }
0x46: {  	[sflag:s19] =	ssyncset.done $0x0  }
0x47: {  	[sflag:s19] =	ssyncadd.s32 $0xFFFFC000  }
0x48: {  	[spmem:s3] =	stream.indirect.scatter.add.f32 [tilespmem:s17], [sflag:$0x3], $0x80, s21, s16, $0xb8;
	[tilespmem:$0x1E400] =	vst v63  }
0x49: {  	_ =	swait.ge [sflag:s14], $0x4000  }
0x4a: {  	[sflag:s14] =	ssyncset.done $0x0  }
0x4b: {  	[sflag:s14] =	ssyncadd.s32 $0xFFFFC000  }
0x4c: {  	_ =	swait.ge [sflag:s20], $0x4000  }
0x4d: {  	[sflag:s20] =	ssyncset.done $0x0  }
0x4e: {  	[sflag:s20] =	ssyncadd.s32 $0xFFFFC000  }
0x4f: {  	[spmem:s3] =	stream.indirect.scatter.add.f32 [tilespmem:s18], [sflag:$0x3], $0x80, s22, s16, $0xb8;
	[tilespmem:$0x1E400] =	vst v63  }
0x50: {  	_ =	swait.ge [sflag:s14], $0x4000  }
0x51: {  	[sflag:s14] =	ssyncset.done $0x0  }
0x52: {  	s24 =	simm.s32 $0x0;
	[sflag:s14] =	ssyncadd.s32 $0xFFFFC000  }
0x53: {  	[tilespmem:s24], [sflag:$0x3] =	stream.linear.gather [hbm4b:s9+s24], $0x1400, $0x38;
	[tilespmem:$0x1E400] =	vst v63  }
0x54: {  	_ =	swait.ge [sflag:s14], $0x1400  }
0x55: {  	[sflag:s14] =	ssyncset.done $0x0  }
0x56: {  	[sflag:s14] =	ssyncadd.s32 $0xFFFFEC00  }
0x57: {  	[tilespmem:s15], [sflag:$0x3] =	stream.linear.gather [hbm4b:s10+s24], $0x1400, $0x38;
	[tilespmem:$0x1E400] =	vst v63  }
0x58: {  	_ =	swait.ge [sflag:s14], $0x1400  }
0x59: {  	[sflag:s14] =	ssyncset.done $0x0  }
0x5a: {  	[sflag:s14] =	ssyncadd.s32 $0xFFFFEC00  }
0x5b: {  	[tilespmem:s17], [sflag:$0x1] =	stream.indirect.gather [hbm4b:s2+s16], $0x80, s24, s16, $0xb8;
	[tilespmem:$0x1E400] =	vst v63  }
0x5c: {  	_ = 	snop  }
0x5d: {  	[tilespmem:s18], [sflag:$0x2] =	stream.indirect.gather [hbm4b:s2+s16], $0x80, s16, s16, $0xb8;
	[tilespmem:$0x1E400] =	vst v63  }
0x5e: {  	_ =	swait.ge [sflag:s19], $0x4000  }
0x5f: {  	[sflag:s19] =	ssyncset.done $0x0  }
0x60: {  	s29 =	simm.s32 $0x1400;
	[sflag:s19] =	ssyncadd.s32 $0xFFFFC000  }
0x61: {  	[spmem:s3] =	stream.indirect.scatter.add.f32 [tilespmem:s17], [sflag:$0x3], $0x80, s29, s16, $0xb8;
	[tilespmem:$0x1E400] =	vst v63  }
0x62: {  	_ =	swait.ge [sflag:s14], $0x4000  }
0x63: {  	[sflag:s14] =	ssyncset.done $0x0  }
0x64: {  	s30 =	simm.s32 $0x100;
	[sflag:s14] =	ssyncadd.s32 $0xFFFFC000  }
0x65: {  	[tilespmem:s17], [sflag:$0x1] =	stream.indirect.gather [hbm4b:s2+s16], $0x80, s30, s16, $0xb8;
	[tilespmem:$0x1E400] =	vst v63  }
0x66: {  	_ =	swait.ge [sflag:s20], $0x4000  }
0x67: {  	[sflag:s20] =	ssyncset.done $0x0  }
0x68: {  	s31 =	simm.s32 $0x1480;
	[sflag:s20] =	ssyncadd.s32 $0xFFFFC000  }
0x69: {  	[spmem:s3] =	stream.indirect.scatter.add.f32 [tilespmem:s18], [sflag:$0x3], $0x80, s31, s16, $0xb8;
	[tilespmem:$0x1E400] =	vst v63  }
0x6a: {  	_ =	swait.ge [sflag:s14], $0x4000  }
0x6b: {  	[sflag:s14] =	ssyncset.done $0x0  }
0x6c: {  	s25 =	simm.s32 $0x180;
	s24 =	simm.s32 $0x400;
	[sflag:s14] =	ssyncadd.s32 $0xFFFFC000  }
.LBB2_4:
0x6d: {  	[tilespmem:s18], [sflag:$0x2] =	stream.indirect.gather [hbm4b:s2+s16], $0x80, s25, s16, $0xb8;
	[tilespmem:$0x1E400] =	vst v63  }
0x6e: {  	s25 =	smov.u32 s24  }
0x6f: {  	p0 =	sne.s32 s24, $0x4800;
	s24 =	sadd.s32 $0x400, s24;
	_ =	swait.ge [sflag:s19], $0x4000  }
0x70: {  	s25 =	sshra.s32 s25, $0x2;
	[sflag:s19] =	ssyncset.done $0x0  }
0x71: {  	s26 =	sadd.s32 $0x1400, s25;
	[sflag:s19] =	ssyncadd.s32 $0xFFFFC000  }
0x72: {  	[spmem:s3] =	stream.indirect.scatter.add.f32 [tilespmem:s17], [sflag:$0x3], $0x80, s26, s16, $0xb8;
	[tilespmem:$0x1E400] =	vst v63  }
0x73: {  	_ =	swait.ge [sflag:s14], $0x4000  }
0x74: {  	[sflag:s14] =	ssyncset.done $0x0  }
0x75: {  	s26 =	sadd.s32 $0x100, s25;
	[sflag:s14] =	ssyncadd.s32 $0xFFFFC000  }
0x76: {  	[tilespmem:s17], [sflag:$0x1] =	stream.indirect.gather [hbm4b:s2+s16], $0x80, s26, s16, $0xb8;
	[tilespmem:$0x1E400] =	vst v63  }
0x77: {  	_ =	swait.ge [sflag:s20], $0x4000  }
0x78: {  	[sflag:s20] =	ssyncset.done $0x0  }
.Ltmp1:
0x79: {  	s26 =	sadd.s32 $0x1480, s25;
	[sflag:s20] =	ssyncadd.s32 $0xFFFFC000;
	(pc) =	sbr.rel @p0 .LBB2_4-.Ltmp1, $4  }
0x7a: {  	[spmem:s3] =	stream.indirect.scatter.add.f32 [tilespmem:s18], [sflag:$0x3], $0x80, s26, s16, $0xb8;
	[tilespmem:$0x1E400] =	vst v63  }
0x7b: {  	_ =	swait.ge [sflag:s14], $0x4000  }
0x7c: {  	[sflag:s14] =	ssyncset.done $0x0  }
0x7d: {  	s25 =	sadd.s32 $0x180, s25;
	[sflag:s14] =	ssyncadd.s32 $0xFFFFC000  }
0x7e: {  	[tilespmem:s18], [sflag:$0x2] =	stream.indirect.gather [hbm4b:s2+s16], $0x80, s25, s16, $0xb8;
	[tilespmem:$0x1E400] =	vst v63  }
0x7f: {  	_ =	swait.ge [sflag:s19], $0x4000  }
0x80: {  	[sflag:s19] =	ssyncset.done $0x0  }
0x81: {  	[sflag:s19] =	ssyncadd.s32 $0xFFFFC000  }
0x82: {  	[spmem:s3] =	stream.indirect.scatter.add.f32 [tilespmem:s17], [sflag:$0x3], $0x80, s21, s16, $0xb8;
	[tilespmem:$0x1E400] =	vst v63  }
0x83: {  	_ =	swait.ge [sflag:s14], $0x4000  }
0x84: {  	[sflag:s14] =	ssyncset.done $0x0  }
0x85: {  	[sflag:s14] =	ssyncadd.s32 $0xFFFFC000  }
0x86: {  	_ =	swait.ge [sflag:s20], $0x4000  }
0x87: {  	[sflag:s20] =	ssyncset.done $0x0  }
0x88: {  	[sflag:s20] =	ssyncadd.s32 $0xFFFFC000  }
0x89: {  	[spmem:s3] =	stream.indirect.scatter.add.f32 [tilespmem:s18], [sflag:$0x3], $0x80, s22, s16, $0xb8;
	[tilespmem:$0x1E400] =	vst v63  }
0x8a: {  	_ =	swait.ge [sflag:s14], $0x4000  }
0x8b: {  	s23 =	sadd.s32 $0x1, s23;
	[sflag:s14] =	ssyncset.done $0x0  }
0x8c: {  	p0 =	sne.s32 s23, s12;
	[sflag:s14] =	ssyncadd.s32 $0xFFFFC000  }
.Ltmp2:
0x8d: {  	[bflag:$0x0] =	sbarrier.arrive $0xFFFF;
	(pc) =	sbr.rel @p0 .LBB2_1-.Ltmp2, $4  }
0x8e: {  	[hbm:s11], [sflag:s6] =	dma.local [spmem:s13], $0x2780  }
0x8f: {  	_ =	swait.ge [sflag:s14], $0x2780  }
0x90: {  	[sflag:s14] =	ssyncset.done $0x0  }
0x91: {  	[sflag:s14] =	ssyncadd.s32 $0xFFFFD880  }
0x92: {  	_ =	sfence.sel $0x180000  }
0x93: {  	[bflag:$0x0] =	sbarrier.arrive $0xFFFF  }
0x94: {  	p0 =	sne.s32 s1, $0x0;
	_ =	strace $0x9000004D  }
0x95: {  	s0 =	sadd.s32 @!p0 $0x100000, s0;
	[bflag:$0x2] =	sbarrier.arrive $0xFFFF  }
0x96: {  	[sflag:s0] =	ssyncadd.tile.s32 @!p0 $0x1;
	_ =	shalt  }
.Lfunc_end2:
_tile_overlayer_lowered:
.L_overlay_start_2:
0x97: {  	(tag) =	ssettag $0x2  }
0x98: {  	s0 =	rddreg [dreg:$0x0];
	s2 =	stileid.u32  }
0x99: {  	s1 =	rddreg [dreg:$0x1];
	p0 =	sne.s32 s2, $0x0  }
0x9a: {  	s3 =	rddreg [dreg:$0x2];
	[bflag:$0x3] =	sbarrier.arrive $0xFFFF;
	s2 =	simm.s32 @!p0 $0x1C03  }
0x9b: {  	[timem:s3], [sflag:s2] =	dma.local @!p0 [hbm:s0], s1  }
0x9c: {  	s0 =	simm.s32 @!p0 $0x3  }
0x9d: {  	_ =	swait.ge @!p0 [sflag:s0], s1  }
0x9e: {  	s1 =	ssub.s32 @!p0 $0x0, s1;
	[sflag:s0] =	ssyncset.done @!p0 $0x0  }
0x9f: {  	[sflag:s0] =	ssyncadd.s32 @!p0 s1  }
0xa0: {  	[bflag:$0x3] =	sbarrier.arrive $0xFFFF  }
0xa1: {  	_ =	shalt  }

// kernel: kernel.9.cloned.1.call-start
scs
__scs_entry_jumppad:
0x0: {  	(pc) =	sbr.rel $0x88, $3  }
0x1: {  	(tag) =	ssettag $0x0;
	lr =	simm.s32 $0x1  }
0x2: {  	[smem:$0x3F9B] =	sst lr;
	_ =	strace $0xD0000000  }
0x3: {  	_ = 	snop  }
0x4: {  	_ = 	snop  }
0x5: {  	_ = 	snop  }
0x6: {  	_ = 	snop  }
0x7: {  	_ = 	snop  }
__scs_overlays_trampoline_lowered:
0x8: {  	[smem:$0x3FAA] =	sst s0  }
0x9: {  	[smem:$0x3FAB] =	sst s1  }
0xa: {  	[smem:$0x3FAC] =	sst s2  }
0xb: {  	[smem:$0x3FAD] =	sst s3  }
0xc: {  	[smem:$0x3FAE] =	sst s4  }
0xd: {  	[smem:$0x3FAF] =	sst s5  }
0xe: {  	[smem:$0x3FB0] =	sst s6  }
0xf: {  	[smem:$0x3FB1] =	sst s7  }
0x10: {  	[smem:$0x3FB2] =	sst s8  }
0x11: {  	[smem:$0x3FB3] =	sst s9;
	s0 =	simm.s32 @!p0 $0x0  }
0x12: {  	s1 =	sld [smem:$0x3F99];
	s0 =	simm.s32 @p0 $0x1  }
0x13: {  	[smem:$0x3FB4] =	sst s0;
	s0 =	simm.s32 @!p1 $0x0  }
0x14: {  	s2 =	sld [smem:$0x3F98];
	s0 =	simm.s32 @p1 $0x1  }
0x15: {  	[smem:$0x3FB5] =	sst s0;
	s0 =	simm.s32 @!p2 $0x0  }
0x16: {  	s3 =	sld [smem:$0x3FDB];
	s0 =	simm.s32 @p2 $0x1  }
0x17: {  	s4 =	simm.s32 $0x1BF5;
	[smem:$0x3FB7] =	sst s0  }
0x18: {  	s0 =	sld [smem:$0x3F9A];
	_ =	swait.ge [sflag:s4], $0x0  }
0x19: {  	s7 =	sld [smem:$0x3F9B]  }
0x1a: {  	s8 =	sadd.s32 $0xFFFFE003, lr  }
0x1b: {  	s9 =	sadd.s32 $0xFFFFFEF7, lr;
	s5 =	simm.s32 $0xFFFFFFFF;
	p2 =	slt.u32 s8, $0xFFFFF086  }
0x1c: {  	p1 =	slt.u32 s9, $0xF7A;
	s5 =	simm.s32 @!p2 $0x0  }
0x1d: {  	s5 =	simm.s32 @p1 $0x1;
	p0 =	seq.s32 s7, s2  }
0x1e: {  	s7 =	smul.u32 @!p0 $0xF7A, s2;
	p2 =	seq.s32 @!p0 s5, $0x0  }
0x1f: {  	s9 =	smul.u32 $0xF7A, s1;
	s8 =	simm.s32 @!p0 $0x1BF5;
	p2 =	por !p2, p0  }
0x20: {  	[sflag:s8] =	ssyncset.s32 @!p0 $0xFFFFF086;
	s6 =	sadd.s32 @!p0 s3, s7;
	s7 =	simm.s32 @!p0 $0x108  }
0x21: {  	s3 =	sadd.s32 s3, s9;
	s6 =	sadd.s32 @!p0 $0x88, s6;
	s7 =	simm.s32 @p2 $0x1082  }
0x22: {  	[simem:s7], [sflag:s8] =	dma.local @!p0 [hbm:s6], $0xF7A  }
0x23: {  	s9 =	sor.u32 $0xD0000000, s2;
	s6 =	simm.s32 $0x108;
	_ =	swait.ge @!p0 [sflag:s8], $0x0  }
0x24: {  	s3 =	sadd.s32 $0x88, s3;
	s6 =	simm.s32 @!p1 $0x1082;
	[sflag:s4] =	ssyncset.s32 $0xFFFFF086  }
0x25: {  	[simem:s6], [sflag:s4] =	dma.local [hbm:s3], $0xF7A  }
0x26: {  	[smem:$0x3F9B] =	sst s1;
	(tag) =	ssettag s2;
	_ =	strace s9  }
0x27: {  	s1 =	sld [smem:$0x3FAB]  }
0x28: {  	s2 =	sld [smem:$0x3FAC]  }
0x29: {  	s4 =	sld [smem:$0x3FAE]  }
0x2a: {  	p0 =	seq.s32 s5, $0x0;
	s5 =	sld [smem:$0x3FAF]  }
0x2b: {  	s6 =	sld [smem:$0x3FB0]  }
0x2c: {  	s7 =	sld [smem:$0x3FB1]  }
0x2d: {  	s3 =	simm.s32 $0x108;
	s8 =	sld [smem:$0x3FB2]  }
0x2e: {  	s3 =	simm.s32 @!p0 $0x1082;
	s9 =	sld [smem:$0x3FB3]  }
0x2f: {  	lr =	sadd.s32 s0, s3;
	s0 =	sld [smem:$0x3FAA]  }
0x30: {  	s3 =	sld [smem:$0x3FAD]  }
0x31: {  	[smem:$0x3FB6] =	sst s10  }
0x32: {  	s10 =	sld [smem:$0x3FB4];
	_ =	sdelay $0x3  }
0x33: {  	p0 =	seq.s32 s10, $0x1;
	s10 =	sld [smem:$0x3FB6];
	_ =	sdelay $0x3  }
0x34: {  	[smem:$0x3FB6] =	sst s10  }
0x35: {  	s10 =	sld [smem:$0x3FB5];
	_ =	sdelay $0x3  }
0x36: {  	p1 =	seq.s32 s10, $0x1;
	s10 =	sld [smem:$0x3FB6];
	_ =	sdelay $0x3  }
0x37: {  	[smem:$0x3FB6] =	sst s10  }
0x38: {  	s10 =	sld [smem:$0x3FB7]  }
0x39: {  	_ = 	snop;
	(pc) =	sbr.ind lr, $3  }
0x3a: {  	_ = 	snop  }
0x3b: {  	_ = 	snop  }
0x3c: {  	p2 =	seq.s32 s10, $0x1;
	s10 =	sld [smem:$0x3FB6]  }
0x3d: {  	_ =	shalt  }
0x3e: {  	_ =	shalt  }
0x3f: {  	_ =	shalt  }
0x40: {  	_ =	shalt  }
0x41: {  	_ =	shalt  }
0x42: {  	_ =	shalt  }
0x43: {  	_ =	shalt  }
0x44: {  	_ =	shalt  }
0x45: {  	_ =	shalt  }
0x46: {  	_ =	shalt  }
0x47: {  	_ =	shalt  }
0x48: {  	_ =	shalt  }
0x49: {  	_ =	shalt  }
0x4a: {  	_ =	shalt  }
0x4b: {  	_ =	shalt  }
0x4c: {  	_ =	shalt  }
0x4d: {  	_ =	shalt  }
0x4e: {  	_ =	shalt  }
0x4f: {  	_ =	shalt  }
0x50: {  	_ =	shalt  }
0x51: {  	_ =	shalt  }
0x52: {  	_ =	shalt  }
0x53: {  	_ =	shalt  }
0x54: {  	_ =	shalt  }
0x55: {  	_ =	shalt  }
0x56: {  	_ =	shalt  }
0x57: {  	_ =	shalt  }
0x58: {  	_ =	shalt  }
0x59: {  	_ =	shalt  }
0x5a: {  	_ =	shalt  }
0x5b: {  	_ =	shalt  }
0x5c: {  	_ =	shalt  }
0x5d: {  	_ =	shalt  }
0x5e: {  	_ =	shalt  }
0x5f: {  	_ =	shalt  }
0x60: {  	_ =	shalt  }
0x61: {  	_ =	shalt  }
0x62: {  	_ =	shalt  }
0x63: {  	_ =	shalt  }
0x64: {  	_ =	shalt  }
0x65: {  	_ =	shalt  }
0x66: {  	_ =	shalt  }
0x67: {  	_ =	shalt  }
0x68: {  	_ =	shalt  }
0x69: {  	_ =	shalt  }
0x6a: {  	_ =	shalt  }
0x6b: {  	_ =	shalt  }
0x6c: {  	_ =	shalt  }
0x6d: {  	_ =	shalt  }
0x6e: {  	_ =	shalt  }
0x6f: {  	_ =	shalt  }
0x70: {  	_ =	shalt  }
0x71: {  	_ =	shalt  }
0x72: {  	_ =	shalt  }
0x73: {  	_ =	shalt  }
0x74: {  	_ =	shalt  }
0x75: {  	_ =	shalt  }
0x76: {  	_ =	shalt  }
0x77: {  	_ =	shalt  }
0x78: {  	_ =	shalt  }
0x79: {  	_ =	shalt  }
0x7a: {  	_ =	shalt  }
0x7b: {  	_ =	shalt  }
0x7c: {  	_ =	shalt  }
0x7d: {  	_ =	shalt  }
0x7e: {  	_ =	shalt  }
0x7f: {  	_ =	shalt  }
0x80: {  	_ =	shalt  }
0x81: {  	_ =	shalt  }
0x82: {  	_ =	shalt  }
0x83: {  	_ =	shalt  }
0x84: {  	_ =	shalt  }
0x85: {  	_ =	shalt  }
0x86: {  	_ =	shalt  }
0x87: {  	_ =	shalt  }
.Lfunc_end0:
.L_simem_size_0:
called_computation_lowered:
.L_overlay_start_0:
0x88: {  	s2 =	sld [smem:$0x3FD9]  }
0x89: {  	s3 =	sld [smem:$0x3FFE];
	_ =	sdelay $0x1  }
0x8a: {  	s1 =	srdreg.scid  }
0x8b: {  	s0 =	sand.u32 $0x1, s1  }
0x8c: {  	s17 =	sshll.u32 s0, $0xA;
	s2 =	sadd.s32 s3, s2  }
0x8d: {  	s2 =	sadd.s32 s2, s17  }
0x8e: {  	[smem:$0x3FC2] =	sst s2  }
0x8f: {  	_ = 	snop  }
0x90: {  	s2 =	sld [smem:$0x3FD0];
	(tm) =	ssettm $0x1  }
0x91: {  	s18 =	sld [smem:$0x3FFB];
	_ =	sdelay $0x3  }
0x92: {  	_ =	strace s18  }
0x93: {  	s3 =	sld [smem:$0x3FFC];
	_ =	sdelay $0x3  }
0x94: {  	_ =	strace s3  }
0x95: {  	s3 =	sld [smem:$0x3FFD];
	_ =	sdelay $0x3  }
0x96: {  	_ =	strace s3  }
0x97: {  	_ =	strace $0x8FFFFFFF  }
0x98: {  	s19 =	sld [smem:$0x3FDB];
	_ =	sdelay $0x1  }
0x99: {  	s4 =	simm.s32 $_scs_section_size  }
0x9a: {  	s5 =	simm.s32 $_size__tile_overlayer_lowered;
	s6 =	simm.s32 $_tile_overlayer_lowered  }
0x9b: {  	s22 =	simm.s32 $0x1BFF;
	s21 =	sshll.u32 s6, $0x1;
	s3 =	sadd.s32 s4, s19  }
0x9c: {  	s7 =	simm.s32 $0x0;
	s20 =	sshll.u32 s5, $0x1;
	s5 =	sadd.s32 s21, s3  }
0x9d: {  	[timem:s7], [sflag:s22] =	dma.local [hbm:s5], s20  }
0x9e: {  	_ =	swait.ge [sflag:s22], s20  }
0x9f: {  	s4 =	ssub.s32 $0x0, s20;
	[sflag:s22] =	ssyncset.done $0x0  }
0xa0: {  	[sflag:s22] =	ssyncadd.s32 s4;
	_ =	sdelay $0x1  }
0xa1: {  	s23 =	simm.s32 $0x1B8B  }
0xa2: {  	_ =	swait.ge [sflag:s23], $0x1  }
0xa3: {  	[sflag:s23] =	ssyncset.done $0x0  }
0xa4: {  	s25 =	simm.s32 $0x1B8E;
	s24 =	sld [smem:$0x3FFE];
	[sflag:s23] =	ssyncadd.s32 $0xFFFFFFFF  }
0xa5: {  	s26 =	simm.s32 $execute0_lowered;
	[smem:$0x3FD2] =	sst s25  }
0xa6: {  	s5 =	sshll.u32 s26, $0x1;
	_ =	strace $0x80000046;
	[dreg:$0x1] =	wrdreg $0xFFFFFFFF  }
0xa7: {  	s28 =	simm.s32 $_size_execute0_lowered;
	s3 =	sadd.s32 s3, s5;
	[dreg:$0x0] =	wrdreg $0x0  }
0xa8: {  	s5 =	sshll.u32 s28, $0x1;
	[dreg:$0x2] =	wrdreg s3  }
0xa9: {  	[dreg:$0x3] =	wrdreg s5  }
0xaa: {  	[dreg:$0x4] =	wrdreg $0xC0  }
0xab: {  	_ =	task [dreg:s7], $0x5FFFF  }
0xac: {  	[dreg:$0x1] =	wrdreg $0xFFFFFFFF  }
0xad: {  	[dreg:$0x0] =	wrdreg $0x60  }
0xae: {  	[dreg:$0x2] =	wrdreg s24  }
0xaf: {  	[dreg:$0x3] =	wrdreg s2  }
0xb0: {  	[dreg:$0x4] =	wrdreg $0x2B000  }
0xb1: {  	[dreg:$0x5] =	wrdreg $0x9  }
0xb2: {  	_ =	task.clear_ibuf [dreg:s7], $0x6FFFF;
	_ =	strace $0x90000046  }
0xb3: {  	s29 =	simm.s32 $0x9;
	_ =	strace $0x80000048  }
0xb4: {  	_ =	swait.ge [sflag:s29], $0x1  }
0xb5: {  	[sflag:s29] =	ssyncadd.s32 $0xFFFFFFFF  }
0xb6: {  	_ =	strace $0x90000048  }
0xb7: {  	_ =	sfence  }
0xb8: {  	s30 =	sld [smem:$0x0];
	_ =	sdelay $0x2  }
0xb9: {  	s31 =	sshll.u32 s1, $0xD;
	s1 =	sshrl.u32 s1, $0x2  }
0xba: {  	s3 =	sand.u32 $0x4000, s31;
	s1 =	sadd.s32 s1, s30  }
0xbb: {  	s0 =	sor.u32 s3, s0;
	s1 =	sshll.u32 s1, $0x11  }
0xbc: {  	s0 =	sor.u32 s1, s0  }
0xbd: {  	s0 =	sadd.s32 $0x8F2B, s0  }
0xbe: {  	[sflag:s0] =	ssyncadd.remote.s32 $0x1  }
0xbf: {  	_ =	sfence.sel $0xFFFF  }
0xc0: {  	[dreg:$0x0] =	wrdreg $0xFFFFFFFF;
	(pc) =	sbr.abs _section_cstart, $3  }
0xc1: {  	[dreg:$0x1] =	wrdreg $0xFFFFFFFF  }
0xc2: {  	_ =	task.clear_ibuf [dreg:s7], $0x2FFFF;
	_ =	strace $0x9FFFFFFF  }
0xc3: {  	(tm) =	ssettm $0x7FFFFFFF  }
tec
execute0_lowered:
.L_overlay_start_1:
0x0: {  	(tag) =	ssettag $0x1  }
0x1: {  	s4 =	rddreg [dreg:$0x0]  }
0x2: {  	s6 =	rddreg [dreg:$0x1]  }
0x3: {  	s0 =	srdreg.scid;
	s2 =	rddreg [dreg:$0x2]  }
0x4: {  	s3 =	simm.s32 $0x0;
	s11 =	simm.s32 $0x2800;
	s14 =	simm.s32 $0x20  }
0x5: {  	s15 =	simm.s32 $0x10;
	s5 =	sand.u32 $0x1, s0;
	s0 =	stileid.u32  }
0x6: {  	s16 =	simm.s32 $0x0;
	[smem:$0x7FF] =	sst s3;
	s8 =	smul.u32 $0xA00, s0  }
0x7: {  	s1 =	sshll.u32 s5, $0x4;
	s9 =	ssub.s32 $0x2, s5;
	s10 =	smul.u32 $0x500, s0  }
0x8: {  	s5 =	sshll.u32 s5, $0x7;
	s12 =	sshll.u32 s0, $0x6;
	s7 =	sor.u32 s0, s1  }
0x9: {  	s1 =	rddreg [dreg:$0x3];
	_ =	strace $0x80000047;
	s28 =	sshrl.u32 s9, $0x1  }
0xa: {  	s12 =	sor.u32 $0x1C01, s12;
	s7 =	smul.u32 $0x500, s7;
	s9 =	ssub.s32 s9, s28  }
0xb: {  	s29 =	sshrl.u32 s8, $0x2;
	s30 =	sor.u32 s5, s10;
	s8 =	simm.s32 $0x2880  }
0xc: {  	s10 =	simm.s32 $0x80;
	s31 =	sshrl.u32 s30, $0x3;
	s7 =	sadd.s32 s7, s4  }
0xd: {  	s4 =	sadd.s32 s29, s2;
	s6 =	sadd.s32 s6, s31;
	s5 =	sadd.s32 $0x2000, s7  }
0xe: {  	v0 =	vimm.f32 $1.000000000e+00;
	v1 =	vimm.f32 $0.0e+00;
	s7 =	smax.u32 s9, $0x1;
	s9 =	simm.s32 $0x1;
	s13 =	sshrl.u32 s4, $0x3  }
.LBB2_1:
0xf: {  	[tilespmem:$0x2800] =	vst v0  }
0x10: {  	[tilespmem:$0x2810] =	vst v0  }
0x11: {  	[tilespmem:$0x2820] =	vst v0  }
0x12: {  	[tilespmem:$0x2830] =	vst v0  }
0x13: {  	[tilespmem:$0x2840] =	vst v0  }
0x14: {  	[tilespmem:$0x2850] =	vst v0  }
0x15: {  	[tilespmem:$0x2860] =	vst v0  }
0x16: {  	[tilespmem:$0x2870] =	vst v0  }
0x17: {  	[tilespmem:$0x2880] =	vst v1  }
0x18: {  	[tilespmem:$0x2890] =	vst v1  }
0x19: {  	[tilespmem:$0x28A0] =	vst v1  }
0x1a: {  	[tilespmem:$0x28B0] =	vst v1  }
0x1b: {  	[tilespmem:$0x28C0] =	vst v1  }
0x1c: {  	[tilespmem:$0x28D0] =	vst v1  }
0x1d: {  	[tilespmem:$0x28E0] =	vst v1  }
0x1e: {  	[tilespmem:$0x28F0] =	vst v1  }
0x1f: {  	[tilespmem:$0x2900] =	vst v1  }
0x20: {  	[tilespmem:$0x2910] =	vst v1  }
0x21: {  	[tilespmem:$0x2920] =	vst v1  }
0x22: {  	[tilespmem:$0x2930] =	vst v1  }
0x23: {  	[tilespmem:$0x2940] =	vst v1  }
0x24: {  	[tilespmem:$0x2950] =	vst v1  }
0x25: {  	[tilespmem:$0x2960] =	vst v1  }
0x26: {  	[tilespmem:$0x2970] =	vst v1  }
0x27: {  	[tilespmem:$0x2980] =	vst v1  }
0x28: {  	[tilespmem:$0x2990] =	vst v1  }
0x29: {  	[tilespmem:$0x29A0] =	vst v1  }
0x2a: {  	[tilespmem:$0x29B0] =	vst v1  }
0x2b: {  	[tilespmem:$0x29C0] =	vst v1  }
0x2c: {  	[tilespmem:$0x29D0] =	vst v1  }
0x2d: {  	[tilespmem:$0x29E0] =	vst v1  }
0x2e: {  	[tilespmem:$0x29F0] =	vst v1  }
0x2f: {  	[tilespmem:$0x2A00] =	vst v1  }
0x30: {  	[tilespmem:$0x2A10] =	vst v1  }
0x31: {  	[tilespmem:$0x2A20] =	vst v1  }
0x32: {  	[tilespmem:$0x2A30] =	vst v1  }
0x33: {  	[tilespmem:$0x2A40] =	vst v1  }
0x34: {  	[tilespmem:$0x2A50] =	vst v1  }
0x35: {  	[tilespmem:$0x2A60] =	vst v1  }
0x36: {  	[tilespmem:$0x2A70] =	vst v1  }
0x37: {  	[tilespmem:$0x2A80] =	vst v1  }
0x38: {  	[tilespmem:$0x2A90] =	vst v1  }
0x39: {  	[tilespmem:$0x2AA0] =	vst v1  }
0x3a: {  	[tilespmem:$0x2AB0] =	vst v1  }
0x3b: {  	[tilespmem:$0x2AC0] =	vst v1  }
0x3c: {  	[tilespmem:$0x2AD0] =	vst v1  }
0x3d: {  	[tilespmem:$0x2AE0] =	vst v1  }
0x3e: {  	[tilespmem:$0x2AF0] =	vst v1  }
0x3f: {  	[spmem:s4] =	stream.linear.scatter [tilespmem:s8], [sflag:$0x1], $0x280, $0x38;
	[tilespmem:$0x2D80] =	vst v63  }
0x40: {  	_ =	swait.ge [sflag:s9], $0x280  }
0x41: {  	[sflag:s9] =	ssyncset.done $0x0  }
0x42: {  	[sflag:s9] =	ssyncadd.s32 $0xFFFFFD80  }
0x43: {  	[tilespmem:s3], [sflag:$0x1] =	stream.linear.gather [hbm4b:s5+s3], $0x2800, $0x38;
	[tilespmem:$0x2D80] =	vst v63  }
0x44: {  	_ =	swait.ge [sflag:s9], $0x2800  }
0x45: {  	[sflag:s9] =	ssyncset.done $0x0  }
0x46: {  	[sflag:s9] =	ssyncadd.s32 $0xFFFFD800  }
0x47: {  	s17 =	simm.s32 $0x0;
	[bflag:$0x0] =	sbarrier.arrive $0xFFFF  }
0x48: {  	[spmem:s2] =	stream.indirect.scatter.add.f32 [tilespmem:s11], [sflag:$0x1], $0x1, s17, s10, $0xb8;
	[tilespmem:$0x2D80] =	vst v63  }
0x49: {  	_ =	swait.ge [sflag:s9], $0x80  }
0x4a: {  	s17 =	simm.s32 $0x200;
	[sflag:s9] =	ssyncset.done $0x0  }
.LBB2_2:
0x4b: {  	s18 =	sshra.s32 s17, $0x2;
	[sflag:s9] =	ssyncadd.s32 $0xFFFFFF80;
	p0 =	sne.s32 s17, $0x9E00  }
0x4c: {  	[spmem:s2] =	stream.indirect.scatter.add.f32 [tilespmem:s11], [sflag:$0x1], $0x1, s18, s10, $0xb8;
	[tilespmem:$0x2D80] =	vst v63  }
.Ltmp0:
0x4d: {  	_ = 	snop;
	(pc) =	sbr.rel @p0 .LBB2_2-.Ltmp0, $4  }
0x4e: {  	_ = 	snop  }
0x4f: {  	s17 =	sadd.s32 $0x200, s17  }
0x50: {  	_ =	swait.ge [sflag:s9], $0x80  }
0x51: {  	[sflag:s9] =	ssyncset.done $0x0  }
0x52: {  	s16 =	sadd.s32 $0x1, s16  }
0x53: {  	[sflag:s9] =	ssyncadd.s32 $0xFFFFFF80;
	p0 =	sne.s32 s16, s7  }
.Ltmp1:
0x54: {  	[bflag:$0x0] =	sbarrier.arrive $0xFFFF;
	(pc) =	sbr.rel @p0 .LBB2_1-.Ltmp1, $4  }
0x55: {  	[hbm:s6@s14], [sflag:s12] =	dma.strided [spmem:s13@s15], $0x50, s9, $0x10   }
0x56: {  	_ =	swait.ge [sflag:s9], $0x50  }
0x57: {  	[sflag:s9] =	ssyncset.done $0x0  }
0x58: {  	[sflag:s9] =	ssyncadd.s32 $0xFFFFFFB0  }
0x59: {  	_ =	sfence.sel $0x180000  }
0x5a: {  	[bflag:$0x0] =	sbarrier.arrive $0xFFFF  }
0x5b: {  	p0 =	sne.s32 s0, $0x0;
	_ =	strace $0x90000047  }
0x5c: {  	s0 =	sadd.s32 @!p0 $0x100000, s1;
	[bflag:$0x2] =	sbarrier.arrive $0xFFFF  }
0x5d: {  	[sflag:s0] =	ssyncadd.tile.s32 @!p0 $0x1;
	_ =	shalt  }
.Lfunc_end2:
_tile_overlayer_lowered:
.L_overlay_start_2:
0x5e: {  	(tag) =	ssettag $0x2  }
0x5f: {  	s0 =	rddreg [dreg:$0x0];
	s2 =	stileid.u32  }
0x60: {  	s1 =	rddreg [dreg:$0x1];
	p0 =	sne.s32 s2, $0x0  }
0x61: {  	s3 =	rddreg [dreg:$0x2];
	[bflag:$0x3] =	sbarrier.arrive $0xFFFF;
	s2 =	simm.s32 @!p0 $0x1C01  }
0x62: {  	[timem:s3], [sflag:s2] =	dma.local @!p0 [hbm:s0], s1  }
0x63: {  	s0 =	simm.s32 @!p0 $0x1  }
0x64: {  	_ =	swait.ge @!p0 [sflag:s0], s1  }
0x65: {  	s1 =	ssub.s32 @!p0 $0x0, s1;
	[sflag:s0] =	ssyncset.done @!p0 $0x0  }
0x66: {  	[sflag:s0] =	ssyncadd.s32 @!p0 s1  }
0x67: {  	[bflag:$0x3] =	sbarrier.arrive $0xFFFF  }
0x68: {  	_ =	shalt  }

</sc_bundles>
